<compile_context>
chip_gen: v7x
topology: tpu7x:2x2x1
jax: 0.10.2.dev20260603
libtpu: 0.0.44.dev20260713+nightly
codegen_flags: <defaults>
</compile_context>

<pallas_src>
import functools
import jax
import jax.numpy as jnp
from jax import lax
from jax.experimental import pallas as pl
from jax.experimental.pallas import tpu as pltpu
from jax.experimental.pallas import tpu_sc as plsc

N = 10000
E = 320000
D_IN = 128
D_HID = 64
D_OUT = 128

NC = 2
NS = 16
NW = NC * NS
BATCH = 256
K = 2
N_PAD = 10240
E_PAD = 327680
ROWS_PER_TILE = E_PAD // (NW * BATCH)
PAIRS = ROWS_PER_TILE // (2 * K)
P0 = 20
P1 = 2 * PAIRS - P0
PMAX = max(P0, P1)
ROWS_NP = N_PAD // NS
DEG_ROWS = ROWS_PER_TILE

_mesh = plsc.VectorSubcoreMesh(
    core_axis_name="c", subcore_axis_name="s", num_cores=NC, num_subcores=NS)


def _sc_seg_body(z_hbm, src_hbm, dst_hbm, zeros64_hbm, s_out,
                 srcv, dstv, rowsv, acc, sem):
  cid = lax.axis_index("c")
  sid = lax.axis_index("s")
  n_pairs = jnp.where(cid == 0, P0, P1)
  base = jnp.where(cid == 0, sid * (2 * K * P0),
                   NS * 2 * K * P0 + sid * (2 * K * P1))
  rows_n = 2 * K * n_pairs

  pltpu.sync_copy(zeros64_hbm.at[pl.ds(sid * ROWS_NP, ROWS_NP)],
                  acc.at[pl.ds(sid * ROWS_NP, ROWS_NP)])
  pltpu.sync_copy(src_hbm.at[pl.ds(base, 2 * K * PMAX)], srcv)
  pltpu.sync_copy(dst_hbm.at[pl.ds(base, 2 * K * PMAX)], dstv)
  plsc.subcore_barrier()

  def group(g, carry):
    for b in range(K):
      r = lax.rem(g * K + b, rows_n)
      pltpu.async_copy(z_hbm.at[srcv.at[r]], rowsv.at[b], sem)
    for b in range(K):
      r = lax.rem(g * K + b, rows_n)
      pltpu.make_async_copy(z_hbm.at[srcv.at[r]], rowsv.at[b], sem).wait()
    for b in range(K):
      pltpu.sync_copy(rowsv.at[b], acc.at[dstv.at[g * K + b]], add=True)
    return carry

  lax.fori_loop(0, 2 * n_pairs, group, 0)
  plsc.subcore_barrier()

  pltpu.sync_copy(acc.at[pl.ds(sid * ROWS_NP, ROWS_NP)],
                  s_out.at[pl.ds(cid * N_PAD + sid * ROWS_NP, ROWS_NP)])


_sc_pass = pl.kernel(
    _sc_seg_body,
    out_type=[jax.ShapeDtypeStruct((NC * N_PAD, D_HID), jnp.float32)],
    mesh=_mesh,
    scratch_types=[
        pltpu.VMEM((2 * K * PMAX, BATCH), jnp.int32),
        pltpu.VMEM((2 * K * PMAX, BATCH), jnp.int32),
        pltpu.VMEM((K, BATCH, D_HID), jnp.float32),
        pltpu.VMEM_SHARED((N_PAD, D_HID), jnp.float32),
        pltpu.SemaphoreType.DMA,
    ],
    compiler_params=pltpu.CompilerParams(use_tc_tiling_on_sc=False))


def _sc_deg_body(dst_hbm, zeros16_hbm, ones16_hbm, deg_out,
                 dstv, onesv, dacc):
  cid = lax.axis_index("c")
  sid = lax.axis_index("s")
  wid = cid * NS + sid

  pltpu.sync_copy(zeros16_hbm.at[pl.ds(sid * ROWS_NP, ROWS_NP)],
                  dacc.at[pl.ds(sid * ROWS_NP, ROWS_NP)])
  pltpu.sync_copy(dst_hbm.at[pl.ds(wid * DEG_ROWS, DEG_ROWS)], dstv)
  pltpu.sync_copy(ones16_hbm, onesv)
  plsc.subcore_barrier()

  def group(r, carry):
    pltpu.sync_copy(onesv, dacc.at[dstv.at[r]], add=True)
    return carry

  lax.fori_loop(0, DEG_ROWS, group, 0)
  plsc.subcore_barrier()

  pltpu.sync_copy(dacc.at[pl.ds(sid * ROWS_NP, ROWS_NP)],
                  deg_out.at[pl.ds(cid * N_PAD + sid * ROWS_NP, ROWS_NP)])


_sc_deg = pl.kernel(
    _sc_deg_body,
    out_type=[jax.ShapeDtypeStruct((NC * N_PAD, 16), jnp.float32)],
    mesh=_mesh,
    scratch_types=[
        pltpu.VMEM((DEG_ROWS, BATCH), jnp.int32),
        pltpu.VMEM((BATCH, 16), jnp.float32),
        pltpu.VMEM_SHARED((N_PAD, 16), jnp.float32),
    ],
    compiler_params=pltpu.CompilerParams(use_tc_tiling_on_sc=False))


def _inv_deg(deg_ref):
  d = deg_ref[0:N, 0:1] + deg_ref[N_PAD:N_PAD + N, 0:1]
  return 1.0 / jnp.maximum(d, 1.0)


def _bn_cols(h, g, b, eps=1e-5):
  mu = jnp.mean(h, axis=0, keepdims=True)
  var = jnp.mean((h - mu) * (h - mu), axis=0, keepdims=True)
  return (h - mu) * lax.rsqrt(var + eps) * g + b


def _tc_a_body(x_ref, ws_ref, wn_ref, o1_ref, o2_ref):
  x = x_ref[...]
  o1_ref[...] = jnp.dot(x, ws_ref[...], preferred_element_type=jnp.float32)
  o2_ref[...] = jnp.dot(x, wn_ref[...], preferred_element_type=jnp.float32)


def _tc_mid_body(relu, hlin_ref, s_ref, deg_ref, b_ref, g_ref, bt_ref,
                 ws_ref, wn_ref, o1_ref, o2_ref):
  inv = _inv_deg(deg_ref)
  agg = (s_ref[0:N, :] + s_ref[N_PAD:N_PAD + N, :]) * inv
  h = hlin_ref[...] + agg + b_ref[...][None, :]
  h = _bn_cols(h, g_ref[...][None, :], bt_ref[...][None, :])
  if relu:
    h = jnp.maximum(h, 0.0)
  o1_ref[...] = jnp.dot(h, ws_ref[...], preferred_element_type=jnp.float32)
  o2_ref[...] = jnp.dot(h, wn_ref[...], preferred_element_type=jnp.float32)


def _tc_d_body(hlin_ref, s_ref, deg_ref, b_ref, g_ref, bt_ref, ws_ref,
               o1_ref, o2_ref):
  inv = _inv_deg(deg_ref)
  agg = (s_ref[0:N, :] + s_ref[N_PAD:N_PAD + N, :]) * inv
  h = hlin_ref[...] + agg + b_ref[...][None, :]
  h = _bn_cols(h, g_ref[...][None, :], bt_ref[...][None, :])
  h = jnp.maximum(h, 0.0)
  o1_ref[...] = jnp.dot(h, ws_ref[...], preferred_element_type=jnp.float32)
  o2_ref[...] = h


def _tc_e_body(hlin_ref, s_ref, deg_ref, wn_ref, bo_ref, o_ref):
  inv = _inv_deg(deg_ref)
  agg = (s_ref[0:N, :] + s_ref[N_PAD:N_PAD + N, :]) * inv
  o_ref[...] = (hlin_ref[...]
                + jnp.dot(agg, wn_ref[...], preferred_element_type=jnp.float32)
                + bo_ref[...][None, :])


def _sds(shape):
  return jax.ShapeDtypeStruct(shape, jnp.float32)


def kernel(features, edge_index, Ws1, Wn1, b1, g1, bt1, Ws2, Wn2, b2, g2, bt2,
           Ws3, Wn3, b3, g3, bt3, Wso, Wno, bo):
  src = edge_index[0]
  dst = edge_index[1]
  pad = E_PAD - E
  src2d = jnp.concatenate([src, jnp.zeros((pad,), jnp.int32)]).reshape(-1, BATCH)
  dst2d = jnp.concatenate([dst, jnp.full((pad,), N, jnp.int32)]).reshape(-1, BATCH)
  zeros64 = jnp.zeros((N_PAD, D_HID), jnp.float32)
  zeros16 = jnp.zeros((N_PAD, 16), jnp.float32)
  ones16 = jnp.ones((BATCH, 16), jnp.float32)

  tc_a = pl.pallas_call(_tc_a_body, out_shape=[_sds((N, D_HID))] * 2)
  tc_mid_relu = pl.pallas_call(functools.partial(_tc_mid_body, True),
                               out_shape=[_sds((N, D_HID))] * 2)
  tc_mid_norelu = pl.pallas_call(functools.partial(_tc_mid_body, False),
                                 out_shape=[_sds((N, D_HID))] * 2)
  tc_d = pl.pallas_call(_tc_d_body,
                        out_shape=[_sds((N, D_OUT)), _sds((N, D_HID))])
  tc_e = pl.pallas_call(_tc_e_body, out_shape=_sds((N, D_OUT)))

  xWs1, z1 = tc_a(features, Ws1, Wn1)
  (deg,) = _sc_deg(dst2d, zeros16, ones16)
  (s1,) = _sc_pass(z1, src2d, dst2d, zeros64)
  hWs2, z2 = tc_mid_norelu(xWs1, s1, deg, b1, g1, bt1, Ws2, Wn2)
  (s2,) = _sc_pass(z2, src2d, dst2d, zeros64)
  hWs3, z3 = tc_mid_relu(hWs2, s2, deg, b2, g2, bt2, Ws3, Wn3)
  (s3,) = _sc_pass(z3, src2d, dst2d, zeros64)
  h3Wso, h3 = tc_d(hWs3, s3, deg, b3, g3, bt3, Wso)
  (s4,) = _sc_pass(h3, src2d, dst2d, zeros64)
  return tc_e(h3Wso, s4, deg, Wno, bo)

# --- scband reference (transcript-rebuilt; emitter-appended) ---
"""Pipeline reference for scband-gnet-64811056496761 (READ-ONLY COPY).

The authoritative reference and input builder live on the scoring server;
editing this copy changes nothing except your own understanding.
"""

import jax, jax.numpy as jnp
import numpy as np

N_NODES = 10000
N_EDGES = 320000
D_IN = 128
D_HID = 64
D_OUT = 128


def setup_inputs(seed: int = 0) -> dict:
    key = jax.random.key(seed)
    ks = jax.random.split(key, 32)
    inp = {}
    inp['features'] = jax.random.normal(ks[0], (N_NODES, D_IN), dtype=jnp.float32)
    inp['edge_index'] = jax.random.randint(ks[1], (2, N_EDGES), 0, N_NODES, dtype=jnp.int32)
    def lin(k, fan_in, fan_out):
        return jax.random.normal(k, (fan_in, fan_out), dtype=jnp.float32) * (1.0 / np.sqrt(fan_in))
    # layer1: SAGEConv(in_ch -> 64)
    inp['Ws1'] = lin(ks[2], D_IN, D_HID)
    inp['Wn1'] = lin(ks[3], D_IN, D_HID)
    inp['b1'] = jnp.zeros((D_HID,), jnp.float32)
    inp['g1'] = jnp.ones((D_HID,), jnp.float32)
    inp['bt1'] = jnp.zeros((D_HID,), jnp.float32)
    # hidden layer 0
    inp['Ws2'] = lin(ks[4], D_HID, D_HID)
    inp['Wn2'] = lin(ks[5], D_HID, D_HID)
    inp['b2'] = jnp.zeros((D_HID,), jnp.float32)
    inp['g2'] = jnp.ones((D_HID,), jnp.float32)
    inp['bt2'] = jnp.zeros((D_HID,), jnp.float32)
    # hidden layer 1
    inp['Ws3'] = lin(ks[6], D_HID, D_HID)
    inp['Wn3'] = lin(ks[7], D_HID, D_HID)
    inp['b3'] = jnp.zeros((D_HID,), jnp.float32)
    inp['g3'] = jnp.ones((D_HID,), jnp.float32)
    inp['bt3'] = jnp.zeros((D_HID,), jnp.float32)
    # out layer: SAGEConv(64 -> out_ch)
    inp['Wso'] = lin(ks[8], D_HID, D_OUT)
    inp['Wno'] = lin(ks[9], D_HID, D_OUT)
    inp['bo'] = jnp.zeros((D_OUT,), jnp.float32)
    return inp


def _sage(x, src, dst, Ws, Wn, b):
    deg = jax.ops.segment_sum(jnp.ones((src.shape[0],), x.dtype), dst, num_segments=N_NODES)
    deg = jnp.maximum(deg, 1.0)
    agg = jax.ops.segment_sum(jnp.take(x, src, axis=0), dst, num_segments=N_NODES) / deg[:, None]
    return x @ Ws + agg @ Wn + b


def _bn(h, g, b, eps=1e-5):
    mu = jnp.mean(h, axis=0)
    var = jnp.var(h, axis=0)
    return (h - mu) * jax.lax.rsqrt(var + eps) * g + b


def reference(features, edge_index, Ws1, Wn1, b1, g1, bt1, Ws2, Wn2, b2, g2, bt2, Ws3, Wn3, b3, g3, bt3, Wso, Wno, bo):
    src = edge_index[0]
    dst = edge_index[1]
    h = _sage(features, src, dst, Ws1, Wn1, b1)
    h = _bn(h, g1, bt1)
    h = _sage(h, src, dst, Ws2, Wn2, b2)
    h = _bn(h, g2, bt2)
    h = jax.nn.relu(h)
    h = _sage(h, src, dst, Ws3, Wn3, b3)
    h = _bn(h, g3, bt3)
    h = jax.nn.relu(h)
    h = _sage(h, src, dst, Wso, Wno, bo)
    return h

if __name__ == "__main__":
    import jax
    _d = setup_inputs()
    print(jax.jit(kernel)(*tuple(_d.values())))

</pallas_src>

<mosaic_0001>
#map = affine_map<(d0, d1) -> (0, 0)>
module attributes {stable_mosaic.version = 14 : i64} {
  func.func @_sc_seg_body(%arg0: i32, %arg1: i32, %arg2: memref<10000x64xf32, #tpu.memory_space<hbm>>, %arg3: memref<1280x256xi32, #tpu.memory_space<hbm>>, %arg4: memref<1280x256xi32, #tpu.memory_space<hbm>>, %arg5: memref<10240x64xf32, #tpu.memory_space<hbm>>, %arg6: memref<20480x64xf32, #tpu.memory_space<hbm>>, %arg7: memref<80x256xi32, #tpu.memory_space<vmem>>, %arg8: memref<80x256xi32, #tpu.memory_space<vmem>>, %arg9: memref<2x256x64xf32, #tpu.memory_space<vmem>>, %arg10: memref<10240x64xf32, #tpu.memory_space<vmem_shared>>, %arg11: memref<!tpu.dma_semaphore, #tpu.memory_space<semaphore_mem>>) attributes {dimension_semantics = [#tpu.dimension_semantics<core_parallel>, #tpu.dimension_semantics<subcore_parallel>], iteration_bounds = array<i64: 2, 16>, scalar_prefetch = 0 : i64, scratch_operands = 5 : i64, tpu.core_type = #tpu.core_type<sc_vector_subcore>, window_params = [{transform_indices = #map}, {transform_indices = #map}, {transform_indices = #map}, {transform_indices = #map}, {transform_indices = #map}]} {
    %eq3A = arith.constant 0 : i32
    %eq3A_0 = arith.cmpi eq, %arg0, %eq3A : i32
    %jit3A = arith.constant 20 : i32
    %jit3A_1 = arith.constant 0 : i32
    %select_n3A = arith.select %eq3A_0, %jit3A, %jit3A_1 : i32
    %eq3A_2 = arith.constant 0 : i32
    %eq3A_3 = arith.cmpi eq, %arg0, %eq3A_2 : i32
    %mul3A = arith.constant 80 : i32
    %mul3A_4 = arith.muli %arg1, %mul3A : i32
    %mul3A_5 = arith.constant 0 : i32
    %mul3A_6 = arith.muli %arg1, %mul3A_5 : i32
    %add3A = arith.constant 1280 : i32
    %add3A_7 = arith.addi %add3A, %mul3A_6 : i32
    %select_n3A_8 = arith.select %eq3A_3, %mul3A_4, %add3A_7 : i32
    %mul3A_9 = arith.constant 4 : i32
    %mul3A_10 = arith.muli %mul3A_9, %select_n3A : i32
    %mul3A_11 = arith.constant 640 : i32
    %mul3A_12 = arith.muli %arg1, %mul3A_11 : i32
    %mul3A_13 = arith.constant 640 : i32
    %mul3A_14 = arith.muli %arg1, %mul3A_13 : i32
    "tpu.region"() ({
      %run_scoped3A = tpu.sem_alloc : memref<!tpu.dma_semaphore, #tpu.memory_space<semaphore_mem>>
      %dma_start3A = arith.constant 0 : i32
      %dma_start3A_34 = tpu.memref_slice %arg10[%mul3A_14, %dma_start3A] : memref<10240x64xf32, #tpu.memory_space<vmem_shared>> -> memref<640x64xf32, #tpu.memory_space<vmem_shared>>
      %dma_start3A_35 = arith.constant 0 : i32
      %dma_start3A_36 = tpu.memref_slice %arg5[%mul3A_12, %dma_start3A_35] : memref<10240x64xf32, #tpu.memory_space<hbm>> -> memref<640x64xf32, #tpu.memory_space<hbm>>
      tpu.enqueue_dma source(%dma_start3A_36 : memref<640x64xf32, #tpu.memory_space<hbm>>) target(%dma_start3A_34 : memref<640x64xf32, #tpu.memory_space<vmem_shared>>) target_semaphore(%run_scoped3A : memref<!tpu.dma_semaphore, #tpu.memory_space<semaphore_mem>>)
      %dma_wait3A = arith.constant 0 : i32
      %dma_wait3A_37 = tpu.memref_slice %arg10[%mul3A_14, %dma_wait3A] : memref<10240x64xf32, #tpu.memory_space<vmem_shared>> -> memref<640x64xf32, #tpu.memory_space<vmem_shared>>
      %dma_wait3A_38 = arith.constant 0 : i32
      %dma_wait3A_39 = tpu.memref_slice %arg5[%mul3A_12, %dma_wait3A_38] : memref<10240x64xf32, #tpu.memory_space<hbm>> -> memref<640x64xf32, #tpu.memory_space<hbm>>
      tpu.wait_dma2 semaphore(%run_scoped3A : memref<!tpu.dma_semaphore, #tpu.memory_space<semaphore_mem>>) src(%dma_wait3A_39 : memref<640x64xf32, #tpu.memory_space<hbm>>) dst(%dma_wait3A_37 : memref<640x64xf32, #tpu.memory_space<vmem_shared>>)
      tpu.yield
    }) : () -> ()
    "tpu.region"() ({
      %run_scoped3A = tpu.sem_alloc : memref<!tpu.dma_semaphore, #tpu.memory_space<semaphore_mem>>
      %dma_start3A = arith.constant 0 : i32
      %dma_start3A_34 = tpu.memref_slice %arg3[%select_n3A_8, %dma_start3A] : memref<1280x256xi32, #tpu.memory_space<hbm>> -> memref<80x256xi32, #tpu.memory_space<hbm>>
      %dma_start3A_35 = arith.constant 0 : i32
      %dma_start3A_36 = tpu.memref_slice %arg3[%select_n3A_8, %dma_start3A_35] : memref<1280x256xi32, #tpu.memory_space<hbm>> -> memref<80x256xi32, #tpu.memory_space<hbm>>
      tpu.enqueue_dma source(%dma_start3A_36 : memref<80x256xi32, #tpu.memory_space<hbm>>) target(%arg7 : memref<80x256xi32, #tpu.memory_space<vmem>>) target_semaphore(%run_scoped3A : memref<!tpu.dma_semaphore, #tpu.memory_space<semaphore_mem>>)
      %dma_wait3A = arith.constant 0 : i32
      %dma_wait3A_37 = tpu.memref_slice %arg3[%select_n3A_8, %dma_wait3A] : memref<1280x256xi32, #tpu.memory_space<hbm>> -> memref<80x256xi32, #tpu.memory_space<hbm>>
      %dma_wait3A_38 = arith.constant 0 : i32
      %dma_wait3A_39 = tpu.memref_slice %arg3[%select_n3A_8, %dma_wait3A_38] : memref<1280x256xi32, #tpu.memory_space<hbm>> -> memref<80x256xi32, #tpu.memory_space<hbm>>
      tpu.wait_dma2 semaphore(%run_scoped3A : memref<!tpu.dma_semaphore, #tpu.memory_space<semaphore_mem>>) src(%dma_wait3A_39 : memref<80x256xi32, #tpu.memory_space<hbm>>) dst(%arg7 : memref<80x256xi32, #tpu.memory_space<vmem>>)
      tpu.yield
    }) : () -> ()
    "tpu.region"() ({
      %run_scoped3A = tpu.sem_alloc : memref<!tpu.dma_semaphore, #tpu.memory_space<semaphore_mem>>
      %dma_start3A = arith.constant 0 : i32
      %dma_start3A_34 = tpu.memref_slice %arg4[%select_n3A_8, %dma_start3A] : memref<1280x256xi32, #tpu.memory_space<hbm>> -> memref<80x256xi32, #tpu.memory_space<hbm>>
      %dma_start3A_35 = arith.constant 0 : i32
      %dma_start3A_36 = tpu.memref_slice %arg4[%select_n3A_8, %dma_start3A_35] : memref<1280x256xi32, #tpu.memory_space<hbm>> -> memref<80x256xi32, #tpu.memory_space<hbm>>
      tpu.enqueue_dma source(%dma_start3A_36 : memref<80x256xi32, #tpu.memory_space<hbm>>) target(%arg8 : memref<80x256xi32, #tpu.memory_space<vmem>>) target_semaphore(%run_scoped3A : memref<!tpu.dma_semaphore, #tpu.memory_space<semaphore_mem>>)
      %dma_wait3A = arith.constant 0 : i32
      %dma_wait3A_37 = tpu.memref_slice %arg4[%select_n3A_8, %dma_wait3A] : memref<1280x256xi32, #tpu.memory_space<hbm>> -> memref<80x256xi32, #tpu.memory_space<hbm>>
      %dma_wait3A_38 = arith.constant 0 : i32
      %dma_wait3A_39 = tpu.memref_slice %arg4[%select_n3A_8, %dma_wait3A_38] : memref<1280x256xi32, #tpu.memory_space<hbm>> -> memref<80x256xi32, #tpu.memory_space<hbm>>
      tpu.wait_dma2 semaphore(%run_scoped3A : memref<!tpu.dma_semaphore, #tpu.memory_space<semaphore_mem>>) src(%dma_wait3A_39 : memref<80x256xi32, #tpu.memory_space<hbm>>) dst(%arg8 : memref<80x256xi32, #tpu.memory_space<vmem>>)
      tpu.yield
    }) : () -> ()
    %barrier3A = arith.constant 0 : index
    tpu.barrier barrier_id(%barrier3A)
    %mul3A_15 = arith.constant 2 : i32
    %mul3A_16 = arith.muli %mul3A_15, %select_n3A : i32
    %while3A = arith.constant 0 : i32
    %while3A_17 = arith.constant 0 : i32
    %while3A_18 = arith.subi %mul3A_16, %while3A_17 : i32
    %while3A_19 = arith.addi %while3A_17, %while3A_18 : i32
    %while3A_20 = arith.constant 1 : i32
    %while3A_21 = arith.divsi %while3A_18, %while3A_20 : i32
    %while3A_22 = arith.muli %while3A_21, %while3A_20 : i32
    %while3A_23 = arith.addi %while3A_17, %while3A_22 : i32
    %while3A_24 = arith.constant 1 : i32
    scf.for %while3A_34 = %while3A_17 to %while3A_23 step %while3A_24  : i32 {
      %mul3A_35 = arith.constant 2 : i32
      %mul3A_36 = arith.muli %while3A_34, %mul3A_35 : i32
      %add3A_37 = arith.constant 0 : i32
      %add3A_38 = arith.addi %mul3A_36, %add3A_37 : i32
      %rem3A = arith.remsi %add3A_38, %mul3A_10 : i32
      %dma_start3A = arith.constant 0 : i32
      %dma_start3A_39 = arith.constant 0 : i32
      %dma_start3A_40 = arith.constant 0 : i32
      %dma_start3A_41 = tpu.memref_slice %arg9[%dma_start3A, %dma_start3A_39, %dma_start3A_40] : memref<2x256x64xf32, #tpu.memory_space<vmem>> -> memref<1x256x64xf32, #tpu.memory_space<vmem>>
      %dma_start3A_42 = tpu.memref_squeeze %dma_start3A_41 : memref<1x256x64xf32, #tpu.memory_space<vmem>> -> memref<256x64xf32, #tpu.memory_space<vmem>>
      %dma_start3A_43 = arith.constant 0 : i32
      %dma_start3A_44 = tpu.memref_slice %arg7[%rem3A, %dma_start3A_43] : memref<80x256xi32, #tpu.memory_space<vmem>> -> memref<1x256xi32, #tpu.memory_space<vmem>>
      %dma_start3A_45 = tpu.memref_squeeze %dma_start3A_44 : memref<1x256xi32, #tpu.memory_space<vmem>> -> memref<256xi32, #tpu.memory_space<vmem>>
      %dma_start3A_46 = arith.constant 0 : i32
      %dma_start3A_47 = arith.constant 0 : i32
      %dma_start3A_48 = tpu.memref_slice %arg2[%dma_start3A_46, %dma_start3A_47] : memref<10000x64xf32, #tpu.memory_space<hbm>> -> memref<10000x64xf32, #tpu.memory_space<hbm>>
      tpu.enqueue_indirect_dma source(%dma_start3A_48 : memref<10000x64xf32, #tpu.memory_space<hbm>>) target(%dma_start3A_42 : memref<256x64xf32, #tpu.memory_space<vmem>>) offsets(%dma_start3A_45 : memref<256xi32, #tpu.memory_space<vmem>>) semaphore(%arg11 : memref<!tpu.dma_semaphore, #tpu.memory_space<semaphore_mem>>)
      %mul3A_49 = arith.constant 2 : i32
      %mul3A_50 = arith.muli %while3A_34, %mul3A_49 : i32
      %add3A_51 = arith.constant 1 : i32
      %add3A_52 = arith.addi %mul3A_50, %add3A_51 : i32
      %rem3A_53 = arith.remsi %add3A_52, %mul3A_10 : i32
      %dma_start3A_54 = arith.constant 1 : i32
      %dma_start3A_55 = arith.constant 0 : i32
      %dma_start3A_56 = arith.constant 0 : i32
      %dma_start3A_57 = tpu.memref_slice %arg9[%dma_start3A_54, %dma_start3A_55, %dma_start3A_56] : memref<2x256x64xf32, #tpu.memory_space<vmem>> -> memref<1x256x64xf32, #tpu.memory_space<vmem>>
      %dma_start3A_58 = tpu.memref_squeeze %dma_start3A_57 : memref<1x256x64xf32, #tpu.memory_space<vmem>> -> memref<256x64xf32, #tpu.memory_space<vmem>>
      %dma_start3A_59 = arith.constant 0 : i32
      %dma_start3A_60 = tpu.memref_slice %arg7[%rem3A_53, %dma_start3A_59] : memref<80x256xi32, #tpu.memory_space<vmem>> -> memref<1x256xi32, #tpu.memory_space<vmem>>
      %dma_start3A_61 = tpu.memref_squeeze %dma_start3A_60 : memref<1x256xi32, #tpu.memory_space<vmem>> -> memref<256xi32, #tpu.memory_space<vmem>>
      %dma_start3A_62 = arith.constant 0 : i32
      %dma_start3A_63 = arith.constant 0 : i32
      %dma_start3A_64 = tpu.memref_slice %arg2[%dma_start3A_62, %dma_start3A_63] : memref<10000x64xf32, #tpu.memory_space<hbm>> -> memref<10000x64xf32, #tpu.memory_space<hbm>>
      tpu.enqueue_indirect_dma source(%dma_start3A_64 : memref<10000x64xf32, #tpu.memory_space<hbm>>) target(%dma_start3A_58 : memref<256x64xf32, #tpu.memory_space<vmem>>) offsets(%dma_start3A_61 : memref<256xi32, #tpu.memory_space<vmem>>) semaphore(%arg11 : memref<!tpu.dma_semaphore, #tpu.memory_space<semaphore_mem>>)
      %mul3A_65 = arith.constant 2 : i32
      %mul3A_66 = arith.muli %while3A_34, %mul3A_65 : i32
      %add3A_67 = arith.constant 0 : i32
      %add3A_68 = arith.addi %mul3A_66, %add3A_67 : i32
      %rem3A_69 = arith.remsi %add3A_68, %mul3A_10 : i32
      %dma_wait3A = arith.constant 0 : i32
      %dma_wait3A_70 = arith.constant 0 : i32
      %dma_wait3A_71 = arith.constant 0 : i32
      %dma_wait3A_72 = tpu.memref_slice %arg9[%dma_wait3A, %dma_wait3A_70, %dma_wait3A_71] : memref<2x256x64xf32, #tpu.memory_space<vmem>> -> memref<1x256x64xf32, #tpu.memory_space<vmem>>
      %dma_wait3A_73 = tpu.memref_squeeze %dma_wait3A_72 : memref<1x256x64xf32, #tpu.memory_space<vmem>> -> memref<256x64xf32, #tpu.memory_space<vmem>>
      %dma_wait3A_74 = arith.constant 0 : i32
      %dma_wait3A_75 = tpu.memref_slice %arg7[%rem3A_69, %dma_wait3A_74] : memref<80x256xi32, #tpu.memory_space<vmem>> -> memref<1x256xi32, #tpu.memory_space<vmem>>
      %dma_wait3A_76 = tpu.memref_squeeze %dma_wait3A_75 : memref<1x256xi32, #tpu.memory_space<vmem>> -> memref<256xi32, #tpu.memory_space<vmem>>
      %dma_wait3A_77 = arith.constant 0 : i32
      %dma_wait3A_78 = arith.constant 0 : i32
      %dma_wait3A_79 = tpu.memref_slice %arg2[%dma_wait3A_77, %dma_wait3A_78] : memref<10000x64xf32, #tpu.memory_space<hbm>> -> memref<10000x64xf32, #tpu.memory_space<hbm>>
      tpu.wait_indirect_dma semaphore(%arg11 : memref<!tpu.dma_semaphore, #tpu.memory_space<semaphore_mem>>) src(%dma_wait3A_79 : memref<10000x64xf32, #tpu.memory_space<hbm>>) dst(%dma_wait3A_73 : memref<256x64xf32, #tpu.memory_space<vmem>>)
      %mul3A_80 = arith.constant 2 : i32
      %mul3A_81 = arith.muli %while3A_34, %mul3A_80 : i32
      %add3A_82 = arith.constant 1 : i32
      %add3A_83 = arith.addi %mul3A_81, %add3A_82 : i32
      %rem3A_84 = arith.remsi %add3A_83, %mul3A_10 : i32
      %dma_wait3A_85 = arith.constant 1 : i32
      %dma_wait3A_86 = arith.constant 0 : i32
      %dma_wait3A_87 = arith.constant 0 : i32
      %dma_wait3A_88 = tpu.memref_slice %arg9[%dma_wait3A_85, %dma_wait3A_86, %dma_wait3A_87] : memref<2x256x64xf32, #tpu.memory_space<vmem>> -> memref<1x256x64xf32, #tpu.memory_space<vmem>>
      %dma_wait3A_89 = tpu.memref_squeeze %dma_wait3A_88 : memref<1x256x64xf32, #tpu.memory_space<vmem>> -> memref<256x64xf32, #tpu.memory_space<vmem>>
      %dma_wait3A_90 = arith.constant 0 : i32
      %dma_wait3A_91 = tpu.memref_slice %arg7[%rem3A_84, %dma_wait3A_90] : memref<80x256xi32, #tpu.memory_space<vmem>> -> memref<1x256xi32, #tpu.memory_space<vmem>>
      %dma_wait3A_92 = tpu.memref_squeeze %dma_wait3A_91 : memref<1x256xi32, #tpu.memory_space<vmem>> -> memref<256xi32, #tpu.memory_space<vmem>>
      %dma_wait3A_93 = arith.constant 0 : i32
      %dma_wait3A_94 = arith.constant 0 : i32
      %dma_wait3A_95 = tpu.memref_slice %arg2[%dma_wait3A_93, %dma_wait3A_94] : memref<10000x64xf32, #tpu.memory_space<hbm>> -> memref<10000x64xf32, #tpu.memory_space<hbm>>
      tpu.wait_indirect_dma semaphore(%arg11 : memref<!tpu.dma_semaphore, #tpu.memory_space<semaphore_mem>>) src(%dma_wait3A_95 : memref<10000x64xf32, #tpu.memory_space<hbm>>) dst(%dma_wait3A_89 : memref<256x64xf32, #tpu.memory_space<vmem>>)
      %mul3A_96 = arith.constant 2 : i32
      %mul3A_97 = arith.muli %while3A_34, %mul3A_96 : i32
      %add3A_98 = arith.constant 0 : i32
      %add3A_99 = arith.addi %mul3A_97, %add3A_98 : i32
      %run_scoped3A = arith.constant 0 : i32
      "tpu.region"() ({
        %run_scoped3A_105 = tpu.sem_alloc : memref<!tpu.dma_semaphore, #tpu.memory_space<semaphore_mem>>
        %dma_start3A_106 = arith.constant 0 : i32
        %dma_start3A_107 = arith.constant 0 : i32
        %dma_start3A_108 = tpu.memref_slice %arg9[%run_scoped3A, %dma_start3A_106, %dma_start3A_107] : memref<2x256x64xf32, #tpu.memory_space<vmem>> -> memref<1x256x64xf32, #tpu.memory_space<vmem>>
        %dma_start3A_109 = tpu.memref_squeeze %dma_start3A_108 : memref<1x256x64xf32, #tpu.memory_space<vmem>> -> memref<256x64xf32, #tpu.memory_space<vmem>>
        %dma_start3A_110 = arith.constant 0 : i32
        %dma_start3A_111 = tpu.memref_slice %arg8[%add3A_99, %dma_start3A_110] : memref<80x256xi32, #tpu.memory_space<vmem>> -> memref<1x256xi32, #tpu.memory_space<vmem>>
        %dma_start3A_112 = tpu.memref_squeeze %dma_start3A_111 : memref<1x256xi32, #tpu.memory_space<vmem>> -> memref<256xi32, #tpu.memory_space<vmem>>
        %dma_start3A_113 = arith.constant 0 : i32
        %dma_start3A_114 = arith.constant 0 : i32
        %dma_start3A_115 = tpu.memref_slice %arg10[%dma_start3A_113, %dma_start3A_114] : memref<10240x64xf32, #tpu.memory_space<vmem_shared>> -> memref<10240x64xf32, #tpu.memory_space<vmem_shared>>
        tpu.enqueue_indirect_dma source(%dma_start3A_109 : memref<256x64xf32, #tpu.memory_space<vmem>>) target(%dma_start3A_115 : memref<10240x64xf32, #tpu.memory_space<vmem_shared>>) offsets(%dma_start3A_112 : memref<256xi32, #tpu.memory_space<vmem>>) semaphore(%run_scoped3A_105 : memref<!tpu.dma_semaphore, #tpu.memory_space<semaphore_mem>>) {add = true}
        %dma_wait3A_116 = arith.constant 0 : i32
        %dma_wait3A_117 = arith.constant 0 : i32
        %dma_wait3A_118 = tpu.memref_slice %arg9[%run_scoped3A, %dma_wait3A_116, %dma_wait3A_117] : memref<2x256x64xf32, #tpu.memory_space<vmem>> -> memref<1x256x64xf32, #tpu.memory_space<vmem>>
        %dma_wait3A_119 = tpu.memref_squeeze %dma_wait3A_118 : memref<1x256x64xf32, #tpu.memory_space<vmem>> -> memref<256x64xf32, #tpu.memory_space<vmem>>
        %dma_wait3A_120 = arith.constant 0 : i32
        %dma_wait3A_121 = tpu.memref_slice %arg8[%add3A_99, %dma_wait3A_120] : memref<80x256xi32, #tpu.memory_space<vmem>> -> memref<1x256xi32, #tpu.memory_space<vmem>>
        %dma_wait3A_122 = tpu.memref_squeeze %dma_wait3A_121 : memref<1x256xi32, #tpu.memory_space<vmem>> -> memref<256xi32, #tpu.memory_space<vmem>>
        %dma_wait3A_123 = arith.constant 0 : i32
        %dma_wait3A_124 = arith.constant 0 : i32
        %dma_wait3A_125 = tpu.memref_slice %arg10[%dma_wait3A_123, %dma_wait3A_124] : memref<10240x64xf32, #tpu.memory_space<vmem_shared>> -> memref<10240x64xf32, #tpu.memory_space<vmem_shared>>
        tpu.wait_indirect_dma semaphore(%run_scoped3A_105 : memref<!tpu.dma_semaphore, #tpu.memory_space<semaphore_mem>>) src(%dma_wait3A_119 : memref<256x64xf32, #tpu.memory_space<vmem>>) dst(%dma_wait3A_125 : memref<10240x64xf32, #tpu.memory_space<vmem_shared>>)
        tpu.yield
      }) : () -> ()
      %mul3A_100 = arith.constant 2 : i32
      %mul3A_101 = arith.muli %while3A_34, %mul3A_100 : i32
      %add3A_102 = arith.constant 1 : i32
      %add3A_103 = arith.addi %mul3A_101, %add3A_102 : i32
      %run_scoped3A_104 = arith.constant 1 : i32
      "tpu.region"() ({
        %run_scoped3A_105 = tpu.sem_alloc : memref<!tpu.dma_semaphore, #tpu.memory_space<semaphore_mem>>
        %dma_start3A_106 = arith.constant 0 : i32
        %dma_start3A_107 = arith.constant 0 : i32
        %dma_start3A_108 = tpu.memref_slice %arg9[%run_scoped3A_104, %dma_start3A_106, %dma_start3A_107] : memref<2x256x64xf32, #tpu.memory_space<vmem>> -> memref<1x256x64xf32, #tpu.memory_space<vmem>>
        %dma_start3A_109 = tpu.memref_squeeze %dma_start3A_108 : memref<1x256x64xf32, #tpu.memory_space<vmem>> -> memref<256x64xf32, #tpu.memory_space<vmem>>
        %dma_start3A_110 = arith.constant 0 : i32
        %dma_start3A_111 = tpu.memref_slice %arg8[%add3A_103, %dma_start3A_110] : memref<80x256xi32, #tpu.memory_space<vmem>> -> memref<1x256xi32, #tpu.memory_space<vmem>>
        %dma_start3A_112 = tpu.memref_squeeze %dma_start3A_111 : memref<1x256xi32, #tpu.memory_space<vmem>> -> memref<256xi32, #tpu.memory_space<vmem>>
        %dma_start3A_113 = arith.constant 0 : i32
        %dma_start3A_114 = arith.constant 0 : i32
        %dma_start3A_115 = tpu.memref_slice %arg10[%dma_start3A_113, %dma_start3A_114] : memref<10240x64xf32, #tpu.memory_space<vmem_shared>> -> memref<10240x64xf32, #tpu.memory_space<vmem_shared>>
        tpu.enqueue_indirect_dma source(%dma_start3A_109 : memref<256x64xf32, #tpu.memory_space<vmem>>) target(%dma_start3A_115 : memref<10240x64xf32, #tpu.memory_space<vmem_shared>>) offsets(%dma_start3A_112 : memref<256xi32, #tpu.memory_space<vmem>>) semaphore(%run_scoped3A_105 : memref<!tpu.dma_semaphore, #tpu.memory_space<semaphore_mem>>) {add = true}
        %dma_wait3A_116 = arith.constant 0 : i32
        %dma_wait3A_117 = arith.constant 0 : i32
        %dma_wait3A_118 = tpu.memref_slice %arg9[%run_scoped3A_104, %dma_wait3A_116, %dma_wait3A_117] : memref<2x256x64xf32, #tpu.memory_space<vmem>> -> memref<1x256x64xf32, #tpu.memory_space<vmem>>
        %dma_wait3A_119 = tpu.memref_squeeze %dma_wait3A_118 : memref<1x256x64xf32, #tpu.memory_space<vmem>> -> memref<256x64xf32, #tpu.memory_space<vmem>>
        %dma_wait3A_120 = arith.constant 0 : i32
        %dma_wait3A_121 = tpu.memref_slice %arg8[%add3A_103, %dma_wait3A_120] : memref<80x256xi32, #tpu.memory_space<vmem>> -> memref<1x256xi32, #tpu.memory_space<vmem>>
        %dma_wait3A_122 = tpu.memref_squeeze %dma_wait3A_121 : memref<1x256xi32, #tpu.memory_space<vmem>> -> memref<256xi32, #tpu.memory_space<vmem>>
        %dma_wait3A_123 = arith.constant 0 : i32
        %dma_wait3A_124 = arith.constant 0 : i32
        %dma_wait3A_125 = tpu.memref_slice %arg10[%dma_wait3A_123, %dma_wait3A_124] : memref<10240x64xf32, #tpu.memory_space<vmem_shared>> -> memref<10240x64xf32, #tpu.memory_space<vmem_shared>>
        tpu.wait_indirect_dma semaphore(%run_scoped3A_105 : memref<!tpu.dma_semaphore, #tpu.memory_space<semaphore_mem>>) src(%dma_wait3A_119 : memref<256x64xf32, #tpu.memory_space<vmem>>) dst(%dma_wait3A_125 : memref<10240x64xf32, #tpu.memory_space<vmem_shared>>)
        tpu.yield
      }) : () -> ()
    }
    %while3A_25 = arith.constant 1 : i32
    scf.for %while3A_34 = %while3A_23 to %while3A_19 step %while3A_25  : i32 {
      %mul3A_35 = arith.constant 2 : i32
      %mul3A_36 = arith.muli %while3A_34, %mul3A_35 : i32
      %add3A_37 = arith.constant 0 : i32
      %add3A_38 = arith.addi %mul3A_36, %add3A_37 : i32
      %rem3A = arith.remsi %add3A_38, %mul3A_10 : i32
      %dma_start3A = arith.constant 0 : i32
      %dma_start3A_39 = arith.constant 0 : i32
      %dma_start3A_40 = arith.constant 0 : i32
      %dma_start3A_41 = tpu.memref_slice %arg9[%dma_start3A, %dma_start3A_39, %dma_start3A_40] : memref<2x256x64xf32, #tpu.memory_space<vmem>> -> memref<1x256x64xf32, #tpu.memory_space<vmem>>
      %dma_start3A_42 = tpu.memref_squeeze %dma_start3A_41 : memref<1x256x64xf32, #tpu.memory_space<vmem>> -> memref<256x64xf32, #tpu.memory_space<vmem>>
      %dma_start3A_43 = arith.constant 0 : i32
      %dma_start3A_44 = tpu.memref_slice %arg7[%rem3A, %dma_start3A_43] : memref<80x256xi32, #tpu.memory_space<vmem>> -> memref<1x256xi32, #tpu.memory_space<vmem>>
      %dma_start3A_45 = tpu.memref_squeeze %dma_start3A_44 : memref<1x256xi32, #tpu.memory_space<vmem>> -> memref<256xi32, #tpu.memory_space<vmem>>
      %dma_start3A_46 = arith.constant 0 : i32
      %dma_start3A_47 = arith.constant 0 : i32
      %dma_start3A_48 = tpu.memref_slice %arg2[%dma_start3A_46, %dma_start3A_47] : memref<10000x64xf32, #tpu.memory_space<hbm>> -> memref<10000x64xf32, #tpu.memory_space<hbm>>
      tpu.enqueue_indirect_dma source(%dma_start3A_48 : memref<10000x64xf32, #tpu.memory_space<hbm>>) target(%dma_start3A_42 : memref<256x64xf32, #tpu.memory_space<vmem>>) offsets(%dma_start3A_45 : memref<256xi32, #tpu.memory_space<vmem>>) semaphore(%arg11 : memref<!tpu.dma_semaphore, #tpu.memory_space<semaphore_mem>>)
      %mul3A_49 = arith.constant 2 : i32
      %mul3A_50 = arith.muli %while3A_34, %mul3A_49 : i32
      %add3A_51 = arith.constant 1 : i32
      %add3A_52 = arith.addi %mul3A_50, %add3A_51 : i32
      %rem3A_53 = arith.remsi %add3A_52, %mul3A_10 : i32
      %dma_start3A_54 = arith.constant 1 : i32
      %dma_start3A_55 = arith.constant 0 : i32
      %dma_start3A_56 = arith.constant 0 : i32
      %dma_start3A_57 = tpu.memref_slice %arg9[%dma_start3A_54, %dma_start3A_55, %dma_start3A_56] : memref<2x256x64xf32, #tpu.memory_space<vmem>> -> memref<1x256x64xf32, #tpu.memory_space<vmem>>
      %dma_start3A_58 = tpu.memref_squeeze %dma_start3A_57 : memref<1x256x64xf32, #tpu.memory_space<vmem>> -> memref<256x64xf32, #tpu.memory_space<vmem>>
      %dma_start3A_59 = arith.constant 0 : i32
      %dma_start3A_60 = tpu.memref_slice %arg7[%rem3A_53, %dma_start3A_59] : memref<80x256xi32, #tpu.memory_space<vmem>> -> memref<1x256xi32, #tpu.memory_space<vmem>>
      %dma_start3A_61 = tpu.memref_squeeze %dma_start3A_60 : memref<1x256xi32, #tpu.memory_space<vmem>> -> memref<256xi32, #tpu.memory_space<vmem>>
      %dma_start3A_62 = arith.constant 0 : i32
      %dma_start3A_63 = arith.constant 0 : i32
      %dma_start3A_64 = tpu.memref_slice %arg2[%dma_start3A_62, %dma_start3A_63] : memref<10000x64xf32, #tpu.memory_space<hbm>> -> memref<10000x64xf32, #tpu.memory_space<hbm>>
      tpu.enqueue_indirect_dma source(%dma_start3A_64 : memref<10000x64xf32, #tpu.memory_space<hbm>>) target(%dma_start3A_58 : memref<256x64xf32, #tpu.memory_space<vmem>>) offsets(%dma_start3A_61 : memref<256xi32, #tpu.memory_space<vmem>>) semaphore(%arg11 : memref<!tpu.dma_semaphore, #tpu.memory_space<semaphore_mem>>)
      %mul3A_65 = arith.constant 2 : i32
      %mul3A_66 = arith.muli %while3A_34, %mul3A_65 : i32
      %add3A_67 = arith.constant 0 : i32
      %add3A_68 = arith.addi %mul3A_66, %add3A_67 : i32
      %rem3A_69 = arith.remsi %add3A_68, %mul3A_10 : i32
      %dma_wait3A = arith.constant 0 : i32
      %dma_wait3A_70 = arith.constant 0 : i32
      %dma_wait3A_71 = arith.constant 0 : i32
      %dma_wait3A_72 = tpu.memref_slice %arg9[%dma_wait3A, %dma_wait3A_70, %dma_wait3A_71] : memref<2x256x64xf32, #tpu.memory_space<vmem>> -> memref<1x256x64xf32, #tpu.memory_space<vmem>>
      %dma_wait3A_73 = tpu.memref_squeeze %dma_wait3A_72 : memref<1x256x64xf32, #tpu.memory_space<vmem>> -> memref<256x64xf32, #tpu.memory_space<vmem>>
      %dma_wait3A_74 = arith.constant 0 : i32
      %dma_wait3A_75 = tpu.memref_slice %arg7[%rem3A_69, %dma_wait3A_74] : memref<80x256xi32, #tpu.memory_space<vmem>> -> memref<1x256xi32, #tpu.memory_space<vmem>>
      %dma_wait3A_76 = tpu.memref_squeeze %dma_wait3A_75 : memref<1x256xi32, #tpu.memory_space<vmem>> -> memref<256xi32, #tpu.memory_space<vmem>>
      %dma_wait3A_77 = arith.constant 0 : i32
      %dma_wait3A_78 = arith.constant 0 : i32
      %dma_wait3A_79 = tpu.memref_slice %arg2[%dma_wait3A_77, %dma_wait3A_78] : memref<10000x64xf32, #tpu.memory_space<hbm>> -> memref<10000x64xf32, #tpu.memory_space<hbm>>
      tpu.wait_indirect_dma semaphore(%arg11 : memref<!tpu.dma_semaphore, #tpu.memory_space<semaphore_mem>>) src(%dma_wait3A_79 : memref<10000x64xf32, #tpu.memory_space<hbm>>) dst(%dma_wait3A_73 : memref<256x64xf32, #tpu.memory_space<vmem>>)
      %mul3A_80 = arith.constant 2 : i32
      %mul3A_81 = arith.muli %while3A_34, %mul3A_80 : i32
      %add3A_82 = arith.constant 1 : i32
      %add3A_83 = arith.addi %mul3A_81, %add3A_82 : i32
      %rem3A_84 = arith.remsi %add3A_83, %mul3A_10 : i32
      %dma_wait3A_85 = arith.constant 1 : i32
      %dma_wait3A_86 = arith.constant 0 : i32
      %dma_wait3A_87 = arith.constant 0 : i32
      %dma_wait3A_88 = tpu.memref_slice %arg9[%dma_wait3A_85, %dma_wait3A_86, %dma_wait3A_87] : memref<2x256x64xf32, #tpu.memory_space<vmem>> -> memref<1x256x64xf32, #tpu.memory_space<vmem>>
      %dma_wait3A_89 = tpu.memref_squeeze %dma_wait3A_88 : memref<1x256x64xf32, #tpu.memory_space<vmem>> -> memref<256x64xf32, #tpu.memory_space<vmem>>
      %dma_wait3A_90 = arith.constant 0 : i32
      %dma_wait3A_91 = tpu.memref_slice %arg7[%rem3A_84, %dma_wait3A_90] : memref<80x256xi32, #tpu.memory_space<vmem>> -> memref<1x256xi32, #tpu.memory_space<vmem>>
      %dma_wait3A_92 = tpu.memref_squeeze %dma_wait3A_91 : memref<1x256xi32, #tpu.memory_space<vmem>> -> memref<256xi32, #tpu.memory_space<vmem>>
      %dma_wait3A_93 = arith.constant 0 : i32
      %dma_wait3A_94 = arith.constant 0 : i32
      %dma_wait3A_95 = tpu.memref_slice %arg2[%dma_wait3A_93, %dma_wait3A_94] : memref<10000x64xf32, #tpu.memory_space<hbm>> -> memref<10000x64xf32, #tpu.memory_space<hbm>>
      tpu.wait_indirect_dma semaphore(%arg11 : memref<!tpu.dma_semaphore, #tpu.memory_space<semaphore_mem>>) src(%dma_wait3A_95 : memref<10000x64xf32, #tpu.memory_space<hbm>>) dst(%dma_wait3A_89 : memref<256x64xf32, #tpu.memory_space<vmem>>)
      %mul3A_96 = arith.constant 2 : i32
      %mul3A_97 = arith.muli %while3A_34, %mul3A_96 : i32
      %add3A_98 = arith.constant 0 : i32
      %add3A_99 = arith.addi %mul3A_97, %add3A_98 : i32
      %run_scoped3A = arith.constant 0 : i32
      "tpu.region"() ({
        %run_scoped3A_105 = tpu.sem_alloc : memref<!tpu.dma_semaphore, #tpu.memory_space<semaphore_mem>>
        %dma_start3A_106 = arith.constant 0 : i32
        %dma_start3A_107 = arith.constant 0 : i32
        %dma_start3A_108 = tpu.memref_slice %arg9[%run_scoped3A, %dma_start3A_106, %dma_start3A_107] : memref<2x256x64xf32, #tpu.memory_space<vmem>> -> memref<1x256x64xf32, #tpu.memory_space<vmem>>
        %dma_start3A_109 = tpu.memref_squeeze %dma_start3A_108 : memref<1x256x64xf32, #tpu.memory_space<vmem>> -> memref<256x64xf32, #tpu.memory_space<vmem>>
        %dma_start3A_110 = arith.constant 0 : i32
        %dma_start3A_111 = tpu.memref_slice %arg8[%add3A_99, %dma_start3A_110] : memref<80x256xi32, #tpu.memory_space<vmem>> -> memref<1x256xi32, #tpu.memory_space<vmem>>
        %dma_start3A_112 = tpu.memref_squeeze %dma_start3A_111 : memref<1x256xi32, #tpu.memory_space<vmem>> -> memref<256xi32, #tpu.memory_space<vmem>>
        %dma_start3A_113 = arith.constant 0 : i32
        %dma_start3A_114 = arith.constant 0 : i32
        %dma_start3A_115 = tpu.memref_slice %arg10[%dma_start3A_113, %dma_start3A_114] : memref<10240x64xf32, #tpu.memory_space<vmem_shared>> -> memref<10240x64xf32, #tpu.memory_space<vmem_shared>>
        tpu.enqueue_indirect_dma source(%dma_start3A_109 : memref<256x64xf32, #tpu.memory_space<vmem>>) target(%dma_start3A_115 : memref<10240x64xf32, #tpu.memory_space<vmem_shared>>) offsets(%dma_start3A_112 : memref<256xi32, #tpu.memory_space<vmem>>) semaphore(%run_scoped3A_105 : memref<!tpu.dma_semaphore, #tpu.memory_space<semaphore_mem>>) {add = true}
        %dma_wait3A_116 = arith.constant 0 : i32
        %dma_wait3A_117 = arith.constant 0 : i32
        %dma_wait3A_118 = tpu.memref_slice %arg9[%run_scoped3A, %dma_wait3A_116, %dma_wait3A_117] : memref<2x256x64xf32, #tpu.memory_space<vmem>> -> memref<1x256x64xf32, #tpu.memory_space<vmem>>
        %dma_wait3A_119 = tpu.memref_squeeze %dma_wait3A_118 : memref<1x256x64xf32, #tpu.memory_space<vmem>> -> memref<256x64xf32, #tpu.memory_space<vmem>>
        %dma_wait3A_120 = arith.constant 0 : i32
        %dma_wait3A_121 = tpu.memref_slice %arg8[%add3A_99, %dma_wait3A_120] : memref<80x256xi32, #tpu.memory_space<vmem>> -> memref<1x256xi32, #tpu.memory_space<vmem>>
        %dma_wait3A_122 = tpu.memref_squeeze %dma_wait3A_121 : memref<1x256xi32, #tpu.memory_space<vmem>> -> memref<256xi32, #tpu.memory_space<vmem>>
        %dma_wait3A_123 = arith.constant 0 : i32
        %dma_wait3A_124 = arith.constant 0 : i32
        %dma_wait3A_125 = tpu.memref_slice %arg10[%dma_wait3A_123, %dma_wait3A_124] : memref<10240x64xf32, #tpu.memory_space<vmem_shared>> -> memref<10240x64xf32, #tpu.memory_space<vmem_shared>>
        tpu.wait_indirect_dma semaphore(%run_scoped3A_105 : memref<!tpu.dma_semaphore, #tpu.memory_space<semaphore_mem>>) src(%dma_wait3A_119 : memref<256x64xf32, #tpu.memory_space<vmem>>) dst(%dma_wait3A_125 : memref<10240x64xf32, #tpu.memory_space<vmem_shared>>)
        tpu.yield
      }) : () -> ()
      %mul3A_100 = arith.constant 2 : i32
      %mul3A_101 = arith.muli %while3A_34, %mul3A_100 : i32
      %add3A_102 = arith.constant 1 : i32
      %add3A_103 = arith.addi %mul3A_101, %add3A_102 : i32
      %run_scoped3A_104 = arith.constant 1 : i32
      "tpu.region"() ({
        %run_scoped3A_105 = tpu.sem_alloc : memref<!tpu.dma_semaphore, #tpu.memory_space<semaphore_mem>>
        %dma_start3A_106 = arith.constant 0 : i32
        %dma_start3A_107 = arith.constant 0 : i32
        %dma_start3A_108 = tpu.memref_slice %arg9[%run_scoped3A_104, %dma_start3A_106, %dma_start3A_107] : memref<2x256x64xf32, #tpu.memory_space<vmem>> -> memref<1x256x64xf32, #tpu.memory_space<vmem>>
        %dma_start3A_109 = tpu.memref_squeeze %dma_start3A_108 : memref<1x256x64xf32, #tpu.memory_space<vmem>> -> memref<256x64xf32, #tpu.memory_space<vmem>>
        %dma_start3A_110 = arith.constant 0 : i32
        %dma_start3A_111 = tpu.memref_slice %arg8[%add3A_103, %dma_start3A_110] : memref<80x256xi32, #tpu.memory_space<vmem>> -> memref<1x256xi32, #tpu.memory_space<vmem>>
        %dma_start3A_112 = tpu.memref_squeeze %dma_start3A_111 : memref<1x256xi32, #tpu.memory_space<vmem>> -> memref<256xi32, #tpu.memory_space<vmem>>
        %dma_start3A_113 = arith.constant 0 : i32
        %dma_start3A_114 = arith.constant 0 : i32
        %dma_start3A_115 = tpu.memref_slice %arg10[%dma_start3A_113, %dma_start3A_114] : memref<10240x64xf32, #tpu.memory_space<vmem_shared>> -> memref<10240x64xf32, #tpu.memory_space<vmem_shared>>
        tpu.enqueue_indirect_dma source(%dma_start3A_109 : memref<256x64xf32, #tpu.memory_space<vmem>>) target(%dma_start3A_115 : memref<10240x64xf32, #tpu.memory_space<vmem_shared>>) offsets(%dma_start3A_112 : memref<256xi32, #tpu.memory_space<vmem>>) semaphore(%run_scoped3A_105 : memref<!tpu.dma_semaphore, #tpu.memory_space<semaphore_mem>>) {add = true}
        %dma_wait3A_116 = arith.constant 0 : i32
        %dma_wait3A_117 = arith.constant 0 : i32
        %dma_wait3A_118 = tpu.memref_slice %arg9[%run_scoped3A_104, %dma_wait3A_116, %dma_wait3A_117] : memref<2x256x64xf32, #tpu.memory_space<vmem>> -> memref<1x256x64xf32, #tpu.memory_space<vmem>>
        %dma_wait3A_119 = tpu.memref_squeeze %dma_wait3A_118 : memref<1x256x64xf32, #tpu.memory_space<vmem>> -> memref<256x64xf32, #tpu.memory_space<vmem>>
        %dma_wait3A_120 = arith.constant 0 : i32
        %dma_wait3A_121 = tpu.memref_slice %arg8[%add3A_103, %dma_wait3A_120] : memref<80x256xi32, #tpu.memory_space<vmem>> -> memref<1x256xi32, #tpu.memory_space<vmem>>
        %dma_wait3A_122 = tpu.memref_squeeze %dma_wait3A_121 : memref<1x256xi32, #tpu.memory_space<vmem>> -> memref<256xi32, #tpu.memory_space<vmem>>
        %dma_wait3A_123 = arith.constant 0 : i32
        %dma_wait3A_124 = arith.constant 0 : i32
        %dma_wait3A_125 = tpu.memref_slice %arg10[%dma_wait3A_123, %dma_wait3A_124] : memref<10240x64xf32, #tpu.memory_space<vmem_shared>> -> memref<10240x64xf32, #tpu.memory_space<vmem_shared>>
        tpu.wait_indirect_dma semaphore(%run_scoped3A_105 : memref<!tpu.dma_semaphore, #tpu.memory_space<semaphore_mem>>) src(%dma_wait3A_119 : memref<256x64xf32, #tpu.memory_space<vmem>>) dst(%dma_wait3A_125 : memref<10240x64xf32, #tpu.memory_space<vmem_shared>>)
        tpu.yield
      }) : () -> ()
    }
    %barrier3A_26 = arith.constant 0 : index
    tpu.barrier barrier_id(%barrier3A_26)
    %mul3A_27 = arith.constant 640 : i32
    %mul3A_28 = arith.muli %arg1, %mul3A_27 : i32
    %mul3A_29 = arith.constant 10240 : i32
    %mul3A_30 = arith.muli %arg0, %mul3A_29 : i32
    %mul3A_31 = arith.constant 640 : i32
    %mul3A_32 = arith.muli %arg1, %mul3A_31 : i32
    %add3A_33 = arith.addi %mul3A_30, %mul3A_32 : i32
    "tpu.region"() ({
      %run_scoped3A = tpu.sem_alloc : memref<!tpu.dma_semaphore, #tpu.memory_space<semaphore_mem>>
      %dma_start3A = arith.constant 0 : i32
      %dma_start3A_34 = tpu.memref_slice %arg6[%add3A_33, %dma_start3A] : memref<20480x64xf32, #tpu.memory_space<hbm>> -> memref<640x64xf32, #tpu.memory_space<hbm>>
      %dma_start3A_35 = arith.constant 0 : i32
      %dma_start3A_36 = tpu.memref_slice %arg10[%mul3A_28, %dma_start3A_35] : memref<10240x64xf32, #tpu.memory_space<vmem_shared>> -> memref<640x64xf32, #tpu.memory_space<vmem_shared>>
      tpu.enqueue_dma source(%dma_start3A_36 : memref<640x64xf32, #tpu.memory_space<vmem_shared>>) target(%dma_start3A_34 : memref<640x64xf32, #tpu.memory_space<hbm>>) target_semaphore(%run_scoped3A : memref<!tpu.dma_semaphore, #tpu.memory_space<semaphore_mem>>)
      %dma_wait3A = arith.constant 0 : i32
      %dma_wait3A_37 = tpu.memref_slice %arg6[%add3A_33, %dma_wait3A] : memref<20480x64xf32, #tpu.memory_space<hbm>> -> memref<640x64xf32, #tpu.memory_space<hbm>>
      %dma_wait3A_38 = arith.constant 0 : i32
      %dma_wait3A_39 = tpu.memref_slice %arg10[%mul3A_28, %dma_wait3A_38] : memref<10240x64xf32, #tpu.memory_space<vmem_shared>> -> memref<640x64xf32, #tpu.memory_space<vmem_shared>>
      tpu.wait_dma2 semaphore(%run_scoped3A : memref<!tpu.dma_semaphore, #tpu.memory_space<semaphore_mem>>) src(%dma_wait3A_39 : memref<640x64xf32, #tpu.memory_space<vmem_shared>>) dst(%dma_wait3A_37 : memref<640x64xf32, #tpu.memory_space<hbm>>)
      tpu.yield
    }) : () -> ()
    return
  }
}

#map = affine_map<(d0, d1) -> (0, 0)>
module attributes {stable_mosaic.version = 14 : i64} {
  func.func @_sc_seg_body(%arg0: i32, %arg1: i32, %arg2: memref<10000x64xf32, #tpu.memory_space<hbm>>, %arg3: memref<1280x256xi32, #tpu.memory_space<hbm>>, %arg4: memref<1280x256xi32, #tpu.memory_space<hbm>>, %arg5: memref<10240x64xf32, #tpu.memory_space<hbm>>, %arg6: memref<20480x64xf32, #tpu.memory_space<hbm>>, %arg7: memref<80x256xi32, #tpu.memory_space<vmem>>, %arg8: memref<80x256xi32, #tpu.memory_space<vmem>>, %arg9: memref<2x256x64xf32, #tpu.memory_space<vmem>>, %arg10: memref<10240x64xf32, #tpu.memory_space<vmem_shared>>, %arg11: memref<!tpu.dma_semaphore, #tpu.memory_space<semaphore_mem>>) attributes {dimension_semantics = [#tpu.dimension_semantics<core_parallel>, #tpu.dimension_semantics<subcore_parallel>], iteration_bounds = array<i64: 2, 16>, scalar_prefetch = 0 : i64, scratch_operands = 5 : i64, tpu.core_type = #tpu.core_type<sc_vector_subcore>, window_params = [{transform_indices = #map}, {transform_indices = #map}, {transform_indices = #map}, {transform_indices = #map}, {transform_indices = #map}]} {
    %eq3A = arith.constant 0 : i32
    %eq3A_0 = arith.cmpi eq, %arg0, %eq3A : i32
    %jit3A = arith.constant 20 : i32
    %jit3A_1 = arith.constant 0 : i32
    %select_n3A = arith.select %eq3A_0, %jit3A, %jit3A_1 : i32
    %eq3A_2 = arith.constant 0 : i32
    %eq3A_3 = arith.cmpi eq, %arg0, %eq3A_2 : i32
    %mul3A = arith.constant 80 : i32
    %mul3A_4 = arith.muli %arg1, %mul3A : i32
    %mul3A_5 = arith.constant 0 : i32
    %mul3A_6 = arith.muli %arg1, %mul3A_5 : i32
    %add3A = arith.constant 1280 : i32
    %add3A_7 = arith.addi %add3A, %mul3A_6 : i32
    %select_n3A_8 = arith.select %eq3A_3, %mul3A_4, %add3A_7 : i32
    %mul3A_9 = arith.constant 4 : i32
    %mul3A_10 = arith.muli %mul3A_9, %select_n3A : i32
    %mul3A_11 = arith.constant 640 : i32
    %mul3A_12 = arith.muli %arg1, %mul3A_11 : i32
    %mul3A_13 = arith.constant 640 : i32
    %mul3A_14 = arith.muli %arg1, %mul3A_13 : i32
    "tpu.region"() ({
      %run_scoped3A = tpu.sem_alloc : memref<!tpu.dma_semaphore, #tpu.memory_space<semaphore_mem>>
      %dma_start3A = arith.constant 0 : i32
      %dma_start3A_34 = tpu.memref_slice %arg10[%mul3A_14, %dma_start3A] : memref<10240x64xf32, #tpu.memory_space<vmem_shared>> -> memref<640x64xf32, #tpu.memory_space<vmem_shared>>
      %dma_start3A_35 = arith.constant 0 : i32
      %dma_start3A_36 = tpu.memref_slice %arg5[%mul3A_12, %dma_start3A_35] : memref<10240x64xf32, #tpu.memory_space<hbm>> -> memref<640x64xf32, #tpu.memory_space<hbm>>
      tpu.enqueue_dma source(%dma_start3A_36 : memref<640x64xf32, #tpu.memory_space<hbm>>) target(%dma_start3A_34 : memref<640x64xf32, #tpu.memory_space<vmem_shared>>) target_semaphore(%run_scoped3A : memref<!tpu.dma_semaphore, #tpu.memory_space<semaphore_mem>>)
      %dma_wait3A = arith.constant 0 : i32
      %dma_wait3A_37 = tpu.memref_slice %arg10[%mul3A_14, %dma_wait3A] : memref<10240x64xf32, #tpu.memory_space<vmem_shared>> -> memref<640x64xf32, #tpu.memory_space<vmem_shared>>
      %dma_wait3A_38 = arith.constant 0 : i32
      %dma_wait3A_39 = tpu.memref_slice %arg5[%mul3A_12, %dma_wait3A_38] : memref<10240x64xf32, #tpu.memory_space<hbm>> -> memref<640x64xf32, #tpu.memory_space<hbm>>
      tpu.wait_dma2 semaphore(%run_scoped3A : memref<!tpu.dma_semaphore, #tpu.memory_space<semaphore_mem>>) src(%dma_wait3A_39 : memref<640x64xf32, #tpu.memory_space<hbm>>) dst(%dma_wait3A_37 : memref<640x64xf32, #tpu.memory_space<vmem_shared>>)
      tpu.yield
    }) : () -> ()
    "tpu.region"() ({
      %run_scoped3A = tpu.sem_alloc : memref<!tpu.dma_semaphore, #tpu.memory_space<semaphore_mem>>
      %dma_start3A = arith.constant 0 : i32
      %dma_start3A_34 = tpu.memref_slice %arg3[%select_n3A_8, %dma_start3A] : memref<1280x256xi32, #tpu.memory_space<hbm>> -> memref<80x256xi32, #tpu.memory_space<hbm>>
      %dma_start3A_35 = arith.constant 0 : i32
      %dma_start3A_36 = tpu.memref_slice %arg3[%select_n3A_8, %dma_start3A_35] : memref<1280x256xi32, #tpu.memory_space<hbm>> -> memref<80x256xi32, #tpu.memory_space<hbm>>
      tpu.enqueue_dma source(%dma_start3A_36 : memref<80x256xi32, #tpu.memory_space<hbm>>) target(%arg7 : memref<80x256xi32, #tpu.memory_space<vmem>>) target_semaphore(%run_scoped3A : memref<!tpu.dma_semaphore, #tpu.memory_space<semaphore_mem>>)
      %dma_wait3A = arith.constant 0 : i32
      %dma_wait3A_37 = tpu.memref_slice %arg3[%select_n3A_8, %dma_wait3A] : memref<1280x256xi32, #tpu.memory_space<hbm>> -> memref<80x256xi32, #tpu.memory_space<hbm>>
      %dma_wait3A_38 = arith.constant 0 : i32
      %dma_wait3A_39 = tpu.memref_slice %arg3[%select_n3A_8, %dma_wait3A_38] : memref<1280x256xi32, #tpu.memory_space<hbm>> -> memref<80x256xi32, #tpu.memory_space<hbm>>
      tpu.wait_dma2 semaphore(%run_scoped3A : memref<!tpu.dma_semaphore, #tpu.memory_space<semaphore_mem>>) src(%dma_wait3A_39 : memref<80x256xi32, #tpu.memory_space<hbm>>) dst(%arg7 : memref<80x256xi32, #tpu.memory_space<vmem>>)
      tpu.yield
    }) : () -> ()
    "tpu.region"() ({
      %run_scoped3A = tpu.sem_alloc : memref<!tpu.dma_semaphore, #tpu.memory_space<semaphore_mem>>
      %dma_start3A = arith.constant 0 : i32
      %dma_start3A_34 = tpu.memref_slice %arg4[%select_n3A_8, %dma_start3A] : memref<1280x256xi32, #tpu.memory_space<hbm>> -> memref<80x256xi32, #tpu.memory_space<hbm>>
      %dma_start3A_35 = arith.constant 0 : i32
      %dma_start3A_36 = tpu.memref_slice %arg4[%select_n3A_8, %dma_start3A_35] : memref<1280x256xi32, #tpu.memory_space<hbm>> -> memref<80x256xi32, #tpu.memory_space<hbm>>
      tpu.enqueue_dma source(%dma_start3A_36 : memref<80x256xi32, #tpu.memory_space<hbm>>) target(%arg8 : memref<80x256xi32, #tpu.memory_space<vmem>>) target_semaphore(%run_scoped3A : memref<!tpu.dma_semaphore, #tpu.memory_space<semaphore_mem>>)
      %dma_wait3A = arith.constant 0 : i32
      %dma_wait3A_37 = tpu.memref_slice %arg4[%select_n3A_8, %dma_wait3A] : memref<1280x256xi32, #tpu.memory_space<hbm>> -> memref<80x256xi32, #tpu.memory_space<hbm>>
      %dma_wait3A_38 = arith.constant 0 : i32
      %dma_wait3A_39 = tpu.memref_slice %arg4[%select_n3A_8, %dma_wait3A_38] : memref<1280x256xi32, #tpu.memory_space<hbm>> -> memref<80x256xi32, #tpu.memory_space<hbm>>
      tpu.wait_dma2 semaphore(%run_scoped3A : memref<!tpu.dma_semaphore, #tpu.memory_space<semaphore_mem>>) src(%dma_wait3A_39 : memref<80x256xi32, #tpu.memory_space<hbm>>) dst(%arg8 : memref<80x256xi32, #tpu.memory_space<vmem>>)
      tpu.yield
    }) : () -> ()
    %barrier3A = arith.constant 0 : index
    tpu.barrier barrier_id(%barrier3A)
    %mul3A_15 = arith.constant 2 : i32
    %mul3A_16 = arith.muli %mul3A_15, %select_n3A : i32
    %while3A = arith.constant 0 : i32
    %while3A_17 = arith.constant 0 : i32
    %while3A_18 = arith.subi %mul3A_16, %while3A_17 : i32
    %while3A_19 = arith.addi %while3A_17, %while3A_18 : i32
    %while3A_20 = arith.constant 1 : i32
    %while3A_21 = arith.divsi %while3A_18, %while3A_20 : i32
    %while3A_22 = arith.muli %while3A_21, %while3A_20 : i32
    %while3A_23 = arith.addi %while3A_17, %while3A_22 : i32
    %while3A_24 = arith.constant 1 : i32
    scf.for %while3A_34 = %while3A_17 to %while3A_23 step %while3A_24  : i32 {
      %mul3A_35 = arith.constant 2 : i32
      %mul3A_36 = arith.muli %while3A_34, %mul3A_35 : i32
      %add3A_37 = arith.constant 0 : i32
      %add3A_38 = arith.addi %mul3A_36, %add3A_37 : i32
      %rem3A = arith.remsi %add3A_38, %mul3A_10 : i32
      %dma_start3A = arith.constant 0 : i32
      %dma_start3A_39 = arith.constant 0 : i32
      %dma_start3A_40 = arith.constant 0 : i32
      %dma_start3A_41 = tpu.memref_slice %arg9[%dma_start3A, %dma_start3A_39, %dma_start3A_40] : memref<2x256x64xf32, #tpu.memory_space<vmem>> -> memref<1x256x64xf32, #tpu.memory_space<vmem>>
      %dma_start3A_42 = tpu.memref_squeeze %dma_start3A_41 : memref<1x256x64xf32, #tpu.memory_space<vmem>> -> memref<256x64xf32, #tpu.memory_space<vmem>>
      %dma_start3A_43 = arith.constant 0 : i32
      %dma_start3A_44 = tpu.memref_slice %arg7[%rem3A, %dma_start3A_43] : memref<80x256xi32, #tpu.memory_space<vmem>> -> memref<1x256xi32, #tpu.memory_space<vmem>>
      %dma_start3A_45 = tpu.memref_squeeze %dma_start3A_44 : memref<1x256xi32, #tpu.memory_space<vmem>> -> memref<256xi32, #tpu.memory_space<vmem>>
      %dma_start3A_46 = arith.constant 0 : i32
      %dma_start3A_47 = arith.constant 0 : i32
      %dma_start3A_48 = tpu.memref_slice %arg2[%dma_start3A_46, %dma_start3A_47] : memref<10000x64xf32, #tpu.memory_space<hbm>> -> memref<10000x64xf32, #tpu.memory_space<hbm>>
      tpu.enqueue_indirect_dma source(%dma_start3A_48 : memref<10000x64xf32, #tpu.memory_space<hbm>>) target(%dma_start3A_42 : memref<256x64xf32, #tpu.memory_space<vmem>>) offsets(%dma_start3A_45 : memref<256xi32, #tpu.memory_space<vmem>>) semaphore(%arg11 : memref<!tpu.dma_semaphore, #tpu.memory_space<semaphore_mem>>)
      %mul3A_49 = arith.constant 2 : i32
      %mul3A_50 = arith.muli %while3A_34, %mul3A_49 : i32
      %add3A_51 = arith.constant 1 : i32
      %add3A_52 = arith.addi %mul3A_50, %add3A_51 : i32
      %rem3A_53 = arith.remsi %add3A_52, %mul3A_10 : i32
      %dma_start3A_54 = arith.constant 1 : i32
      %dma_start3A_55 = arith.constant 0 : i32
      %dma_start3A_56 = arith.constant 0 : i32
      %dma_start3A_57 = tpu.memref_slice %arg9[%dma_start3A_54, %dma_start3A_55, %dma_start3A_56] : memref<2x256x64xf32, #tpu.memory_space<vmem>> -> memref<1x256x64xf32, #tpu.memory_space<vmem>>
      %dma_start3A_58 = tpu.memref_squeeze %dma_start3A_57 : memref<1x256x64xf32, #tpu.memory_space<vmem>> -> memref<256x64xf32, #tpu.memory_space<vmem>>
      %dma_start3A_59 = arith.constant 0 : i32
      %dma_start3A_60 = tpu.memref_slice %arg7[%rem3A_53, %dma_start3A_59] : memref<80x256xi32, #tpu.memory_space<vmem>> -> memref<1x256xi32, #tpu.memory_space<vmem>>
      %dma_start3A_61 = tpu.memref_squeeze %dma_start3A_60 : memref<1x256xi32, #tpu.memory_space<vmem>> -> memref<256xi32, #tpu.memory_space<vmem>>
      %dma_start3A_62 = arith.constant 0 : i32
      %dma_start3A_63 = arith.constant 0 : i32
      %dma_start3A_64 = tpu.memref_slice %arg2[%dma_start3A_62, %dma_start3A_63] : memref<10000x64xf32, #tpu.memory_space<hbm>> -> memref<10000x64xf32, #tpu.memory_space<hbm>>
      tpu.enqueue_indirect_dma source(%dma_start3A_64 : memref<10000x64xf32, #tpu.memory_space<hbm>>) target(%dma_start3A_58 : memref<256x64xf32, #tpu.memory_space<vmem>>) offsets(%dma_start3A_61 : memref<256xi32, #tpu.memory_space<vmem>>) semaphore(%arg11 : memref<!tpu.dma_semaphore, #tpu.memory_space<semaphore_mem>>)
      %mul3A_65 = arith.constant 2 : i32
      %mul3A_66 = arith.muli %while3A_34, %mul3A_65 : i32
      %add3A_67 = arith.constant 0 : i32
      %add3A_68 = arith.addi %mul3A_66, %add3A_67 : i32
      %rem3A_69 = arith.remsi %add3A_68, %mul3A_10 : i32
      %dma_wait3A = arith.constant 0 : i32
      %dma_wait3A_70 = arith.constant 0 : i32
      %dma_wait3A_71 = arith.constant 0 : i32
      %dma_wait3A_72 = tpu.memref_slice %arg9[%dma_wait3A, %dma_wait3A_70, %dma_wait3A_71] : memref<2x256x64xf32, #tpu.memory_space<vmem>> -> memref<1x256x64xf32, #tpu.memory_space<vmem>>
      %dma_wait3A_73 = tpu.memref_squeeze %dma_wait3A_72 : memref<1x256x64xf32, #tpu.memory_space<vmem>> -> memref<256x64xf32, #tpu.memory_space<vmem>>
      %dma_wait3A_74 = arith.constant 0 : i32
      %dma_wait3A_75 = tpu.memref_slice %arg7[%rem3A_69, %dma_wait3A_74] : memref<80x256xi32, #tpu.memory_space<vmem>> -> memref<1x256xi32, #tpu.memory_space<vmem>>
      %dma_wait3A_76 = tpu.memref_squeeze %dma_wait3A_75 : memref<1x256xi32, #tpu.memory_space<vmem>> -> memref<256xi32, #tpu.memory_space<vmem>>
      %dma_wait3A_77 = arith.constant 0 : i32
      %dma_wait3A_78 = arith.constant 0 : i32
      %dma_wait3A_79 = tpu.memref_slice %arg2[%dma_wait3A_77, %dma_wait3A_78] : memref<10000x64xf32, #tpu.memory_space<hbm>> -> memref<10000x64xf32, #tpu.memory_space<hbm>>
      tpu.wait_indirect_dma semaphore(%arg11 : memref<!tpu.dma_semaphore, #tpu.memory_space<semaphore_mem>>) src(%dma_wait3A_79 : memref<10000x64xf32, #tpu.memory_space<hbm>>) dst(%dma_wait3A_73 : memref<256x64xf32, #tpu.memory_space<vmem>>)
      %mul3A_80 = arith.constant 2 : i32
      %mul3A_81 = arith.muli %while3A_34, %mul3A_80 : i32
      %add3A_82 = arith.constant 1 : i32
      %add3A_83 = arith.addi %mul3A_81, %add3A_82 : i32
      %rem3A_84 = arith.remsi %add3A_83, %mul3A_10 : i32
      %dma_wait3A_85 = arith.constant 1 : i32
      %dma_wait3A_86 = arith.constant 0 : i32
      %dma_wait3A_87 = arith.constant 0 : i32
      %dma_wait3A_88 = tpu.memref_slice %arg9[%dma_wait3A_85, %dma_wait3A_86, %dma_wait3A_87] : memref<2x256x64xf32, #tpu.memory_space<vmem>> -> memref<1x256x64xf32, #tpu.memory_space<vmem>>
      %dma_wait3A_89 = tpu.memref_squeeze %dma_wait3A_88 : memref<1x256x64xf32, #tpu.memory_space<vmem>> -> memref<256x64xf32, #tpu.memory_space<vmem>>
      %dma_wait3A_90 = arith.constant 0 : i32
      %dma_wait3A_91 = tpu.memref_slice %arg7[%rem3A_84, %dma_wait3A_90] : memref<80x256xi32, #tpu.memory_space<vmem>> -> memref<1x256xi32, #tpu.memory_space<vmem>>
      %dma_wait3A_92 = tpu.memref_squeeze %dma_wait3A_91 : memref<1x256xi32, #tpu.memory_space<vmem>> -> memref<256xi32, #tpu.memory_space<vmem>>
      %dma_wait3A_93 = arith.constant 0 : i32
      %dma_wait3A_94 = arith.constant 0 : i32
      %dma_wait3A_95 = tpu.memref_slice %arg2[%dma_wait3A_93, %dma_wait3A_94] : memref<10000x64xf32, #tpu.memory_space<hbm>> -> memref<10000x64xf32, #tpu.memory_space<hbm>>
      tpu.wait_indirect_dma semaphore(%arg11 : memref<!tpu.dma_semaphore, #tpu.memory_space<semaphore_mem>>) src(%dma_wait3A_95 : memref<10000x64xf32, #tpu.memory_space<hbm>>) dst(%dma_wait3A_89 : memref<256x64xf32, #tpu.memory_space<vmem>>)
      %mul3A_96 = arith.constant 2 : i32
      %mul3A_97 = arith.muli %while3A_34, %mul3A_96 : i32
      %add3A_98 = arith.constant 0 : i32
      %add3A_99 = arith.addi %mul3A_97, %add3A_98 : i32
      %run_scoped3A = arith.constant 0 : i32
      "tpu.region"() ({
        %run_scoped3A_105 = tpu.sem_alloc : memref<!tpu.dma_semaphore, #tpu.memory_space<semaphore_mem>>
        %dma_start3A_106 = arith.constant 0 : i32
        %dma_start3A_107 = arith.constant 0 : i32
        %dma_start3A_108 = tpu.memref_slice %arg9[%run_scoped3A, %dma_start3A_106, %dma_start3A_107] : memref<2x256x64xf32, #tpu.memory_space<vmem>> -> memref<1x256x64xf32, #tpu.memory_space<vmem>>
        %dma_start3A_109 = tpu.memref_squeeze %dma_start3A_108 : memref<1x256x64xf32, #tpu.memory_space<vmem>> -> memref<256x64xf32, #tpu.memory_space<vmem>>
        %dma_start3A_110 = arith.constant 0 : i32
        %dma_start3A_111 = tpu.memref_slice %arg8[%add3A_99, %dma_start3A_110] : memref<80x256xi32, #tpu.memory_space<vmem>> -> memref<1x256xi32, #tpu.memory_space<vmem>>
        %dma_start3A_112 = tpu.memref_squeeze %dma_start3A_111 : memref<1x256xi32, #tpu.memory_space<vmem>> -> memref<256xi32, #tpu.memory_space<vmem>>
        %dma_start3A_113 = arith.constant 0 : i32
        %dma_start3A_114 = arith.constant 0 : i32
        %dma_start3A_115 = tpu.memref_slice %arg10[%dma_start3A_113, %dma_start3A_114] : memref<10240x64xf32, #tpu.memory_space<vmem_shared>> -> memref<10240x64xf32, #tpu.memory_space<vmem_shared>>
        tpu.enqueue_indirect_dma source(%dma_start3A_109 : memref<256x64xf32, #tpu.memory_space<vmem>>) target(%dma_start3A_115 : memref<10240x64xf32, #tpu.memory_space<vmem_shared>>) offsets(%dma_start3A_112 : memref<256xi32, #tpu.memory_space<vmem>>) semaphore(%run_scoped3A_105 : memref<!tpu.dma_semaphore, #tpu.memory_space<semaphore_mem>>) {add = true}
        %dma_wait3A_116 = arith.constant 0 : i32
        %dma_wait3A_117 = arith.constant 0 : i32
        %dma_wait3A_118 = tpu.memref_slice %arg9[%run_scoped3A, %dma_wait3A_116, %dma_wait3A_117] : memref<2x256x64xf32, #tpu.memory_space<vmem>> -> memref<1x256x64xf32, #tpu.memory_space<vmem>>
        %dma_wait3A_119 = tpu.memref_squeeze %dma_wait3A_118 : memref<1x256x64xf32, #tpu.memory_space<vmem>> -> memref<256x64xf32, #tpu.memory_space<vmem>>
        %dma_wait3A_120 = arith.constant 0 : i32
        %dma_wait3A_121 = tpu.memref_slice %arg8[%add3A_99, %dma_wait3A_120] : memref<80x256xi32, #tpu.memory_space<vmem>> -> memref<1x256xi32, #tpu.memory_space<vmem>>
        %dma_wait3A_122 = tpu.memref_squeeze %dma_wait3A_121 : memref<1x256xi32, #tpu.memory_space<vmem>> -> memref<256xi32, #tpu.memory_space<vmem>>
        %dma_wait3A_123 = arith.constant 0 : i32
        %dma_wait3A_124 = arith.constant 0 : i32
        %dma_wait3A_125 = tpu.memref_slice %arg10[%dma_wait3A_123, %dma_wait3A_124] : memref<10240x64xf32, #tpu.memory_space<vmem_shared>> -> memref<10240x64xf32, #tpu.memory_space<vmem_shared>>
        tpu.wait_indirect_dma semaphore(%run_scoped3A_105 : memref<!tpu.dma_semaphore, #tpu.memory_space<semaphore_mem>>) src(%dma_wait3A_119 : memref<256x64xf32, #tpu.memory_space<vmem>>) dst(%dma_wait3A_125 : memref<10240x64xf32, #tpu.memory_space<vmem_shared>>)
        tpu.yield
      }) : () -> ()
      %mul3A_100 = arith.constant 2 : i32
      %mul3A_101 = arith.muli %while3A_34, %mul3A_100 : i32
      %add3A_102 = arith.constant 1 : i32
      %add3A_103 = arith.addi %mul3A_101, %add3A_102 : i32
      %run_scoped3A_104 = arith.constant 1 : i32
      "tpu.region"() ({
        %run_scoped3A_105 = tpu.sem_alloc : memref<!tpu.dma_semaphore, #tpu.memory_space<semaphore_mem>>
        %dma_start3A_106 = arith.constant 0 : i32
        %dma_start3A_107 = arith.constant 0 : i32
        %dma_start3A_108 = tpu.memref_slice %arg9[%run_scoped3A_104, %dma_start3A_106, %dma_start3A_107] : memref<2x256x64xf32, #tpu.memory_space<vmem>> -> memref<1x256x64xf32, #tpu.memory_space<vmem>>
        %dma_start3A_109 = tpu.memref_squeeze %dma_start3A_108 : memref<1x256x64xf32, #tpu.memory_space<vmem>> -> memref<256x64xf32, #tpu.memory_space<vmem>>
        %dma_start3A_110 = arith.constant 0 : i32
        %dma_start3A_111 = tpu.memref_slice %arg8[%add3A_103, %dma_start3A_110] : memref<80x256xi32, #tpu.memory_space<vmem>> -> memref<1x256xi32, #tpu.memory_space<vmem>>
        %dma_start3A_112 = tpu.memref_squeeze %dma_start3A_111 : memref<1x256xi32, #tpu.memory_space<vmem>> -> memref<256xi32, #tpu.memory_space<vmem>>
        %dma_start3A_113 = arith.constant 0 : i32
        %dma_start3A_114 = arith.constant 0 : i32
        %dma_start3A_115 = tpu.memref_slice %arg10[%dma_start3A_113, %dma_start3A_114] : memref<10240x64xf32, #tpu.memory_space<vmem_shared>> -> memref<10240x64xf32, #tpu.memory_space<vmem_shared>>
        tpu.enqueue_indirect_dma source(%dma_start3A_109 : memref<256x64xf32, #tpu.memory_space<vmem>>) target(%dma_start3A_115 : memref<10240x64xf32, #tpu.memory_space<vmem_shared>>) offsets(%dma_start3A_112 : memref<256xi32, #tpu.memory_space<vmem>>) semaphore(%run_scoped3A_105 : memref<!tpu.dma_semaphore, #tpu.memory_space<semaphore_mem>>) {add = true}
        %dma_wait3A_116 = arith.constant 0 : i32
        %dma_wait3A_117 = arith.constant 0 : i32
        %dma_wait3A_118 = tpu.memref_slice %arg9[%run_scoped3A_104, %dma_wait3A_116, %dma_wait3A_117] : memref<2x256x64xf32, #tpu.memory_space<vmem>> -> memref<1x256x64xf32, #tpu.memory_space<vmem>>
        %dma_wait3A_119 = tpu.memref_squeeze %dma_wait3A_118 : memref<1x256x64xf32, #tpu.memory_space<vmem>> -> memref<256x64xf32, #tpu.memory_space<vmem>>
        %dma_wait3A_120 = arith.constant 0 : i32
        %dma_wait3A_121 = tpu.memref_slice %arg8[%add3A_103, %dma_wait3A_120] : memref<80x256xi32, #tpu.memory_space<vmem>> -> memref<1x256xi32, #tpu.memory_space<vmem>>
        %dma_wait3A_122 = tpu.memref_squeeze %dma_wait3A_121 : memref<1x256xi32, #tpu.memory_space<vmem>> -> memref<256xi32, #tpu.memory_space<vmem>>
        %dma_wait3A_123 = arith.constant 0 : i32
        %dma_wait3A_124 = arith.constant 0 : i32
        %dma_wait3A_125 = tpu.memref_slice %arg10[%dma_wait3A_123, %dma_wait3A_124] : memref<10240x64xf32, #tpu.memory_space<vmem_shared>> -> memref<10240x64xf32, #tpu.memory_space<vmem_shared>>
        tpu.wait_indirect_dma semaphore(%run_scoped3A_105 : memref<!tpu.dma_semaphore, #tpu.memory_space<semaphore_mem>>) src(%dma_wait3A_119 : memref<256x64xf32, #tpu.memory_space<vmem>>) dst(%dma_wait3A_125 : memref<10240x64xf32, #tpu.memory_space<vmem_shared>>)
        tpu.yield
      }) : () -> ()
    }
    %while3A_25 = arith.constant 1 : i32
    scf.for %while3A_34 = %while3A_23 to %while3A_19 step %while3A_25  : i32 {
      %mul3A_35 = arith.constant 2 : i32
      %mul3A_36 = arith.muli %while3A_34, %mul3A_35 : i32
      %add3A_37 = arith.constant 0 : i32
      %add3A_38 = arith.addi %mul3A_36, %add3A_37 : i32
      %rem3A = arith.remsi %add3A_38, %mul3A_10 : i32
      %dma_start3A = arith.constant 0 : i32
      %dma_start3A_39 = arith.constant 0 : i32
      %dma_start3A_40 = arith.constant 0 : i32
      %dma_start3A_41 = tpu.memref_slice %arg9[%dma_start3A, %dma_start3A_39, %dma_start3A_40] : memref<2x256x64xf32, #tpu.memory_space<vmem>> -> memref<1x256x64xf32, #tpu.memory_space<vmem>>
      %dma_start3A_42 = tpu.memref_squeeze %dma_start3A_41 : memref<1x256x64xf32, #tpu.memory_space<vmem>> -> memref<256x64xf32, #tpu.memory_space<vmem>>
      %dma_start3A_43 = arith.constant 0 : i32
      %dma_start3A_44 = tpu.memref_slice %arg7[%rem3A, %dma_start3A_43] : memref<80x256xi32, #tpu.memory_space<vmem>> -> memref<1x256xi32, #tpu.memory_space<vmem>>
      %dma_start3A_45 = tpu.memref_squeeze %dma_start3A_44 : memref<1x256xi32, #tpu.memory_space<vmem>> -> memref<256xi32, #tpu.memory_space<vmem>>
      %dma_start3A_46 = arith.constant 0 : i32
      %dma_start3A_47 = arith.constant 0 : i32
      %dma_start3A_48 = tpu.memref_slice %arg2[%dma_start3A_46, %dma_start3A_47] : memref<10000x64xf32, #tpu.memory_space<hbm>> -> memref<10000x64xf32, #tpu.memory_space<hbm>>
      tpu.enqueue_indirect_dma source(%dma_start3A_48 : memref<10000x64xf32, #tpu.memory_space<hbm>>) target(%dma_start3A_42 : memref<256x64xf32, #tpu.memory_space<vmem>>) offsets(%dma_start3A_45 : memref<256xi32, #tpu.memory_space<vmem>>) semaphore(%arg11 : memref<!tpu.dma_semaphore, #tpu.memory_space<semaphore_mem>>)
      %mul3A_49 = arith.constant 2 : i32
      %mul3A_50 = arith.muli %while3A_34, %mul3A_49 : i32
      %add3A_51 = arith.constant 1 : i32
      %add3A_52 = arith.addi %mul3A_50, %add3A_51 : i32
      %rem3A_53 = arith.remsi %add3A_52, %mul3A_10 : i32
      %dma_start3A_54 = arith.constant 1 : i32
      %dma_start3A_55 = arith.constant 0 : i32
      %dma_start3A_56 = arith.constant 0 : i32
      %dma_start3A_57 = tpu.memref_slice %arg9[%dma_start3A_54, %dma_start3A_55, %dma_start3A_56] : memref<2x256x64xf32, #tpu.memory_space<vmem>> -> memref<1x256x64xf32, #tpu.memory_space<vmem>>
      %dma_start3A_58 = tpu.memref_squeeze %dma_start3A_57 : memref<1x256x64xf32, #tpu.memory_space<vmem>> -> memref<256x64xf32, #tpu.memory_space<vmem>>
      %dma_start3A_59 = arith.constant 0 : i32
      %dma_start3A_60 = tpu.memref_slice %arg7[%rem3A_53, %dma_start3A_59] : memref<80x256xi32, #tpu.memory_space<vmem>> -> memref<1x256xi32, #tpu.memory_space<vmem>>
      %dma_start3A_61 = tpu.memref_squeeze %dma_start3A_60 : memref<1x256xi32, #tpu.memory_space<vmem>> -> memref<256xi32, #tpu.memory_space<vmem>>
      %dma_start3A_62 = arith.constant 0 : i32
      %dma_start3A_63 = arith.constant 0 : i32
      %dma_start3A_64 = tpu.memref_slice %arg2[%dma_start3A_62, %dma_start3A_63] : memref<10000x64xf32, #tpu.memory_space<hbm>> -> memref<10000x64xf32, #tpu.memory_space<hbm>>
      tpu.enqueue_indirect_dma source(%dma_start3A_64 : memref<10000x64xf32, #tpu.memory_space<hbm>>) target(%dma_start3A_58 : memref<256x64xf32, #tpu.memory_space<vmem>>) offsets(%dma_start3A_61 : memref<256xi32, #tpu.memory_space<vmem>>) semaphore(%arg11 : memref<!tpu.dma_semaphore, #tpu.memory_space<semaphore_mem>>)
      %mul3A_65 = arith.constant 2 : i32
      %mul3A_66 = arith.muli %while3A_34, %mul3A_65 : i32
      %add3A_67 = arith.constant 0 : i32
      %add3A_68 = arith.addi %mul3A_66, %add3A_67 : i32
      %rem3A_69 = arith.remsi %add3A_68, %mul3A_10 : i32
      %dma_wait3A = arith.constant 0 : i32
      %dma_wait3A_70 = arith.constant 0 : i32
      %dma_wait3A_71 = arith.constant 0 : i32
      %dma_wait3A_72 = tpu.memref_slice %arg9[%dma_wait3A, %dma_wait3A_70, %dma_wait3A_71] : memref<2x256x64xf32, #tpu.memory_space<vmem>> -> memref<1x256x64xf32, #tpu.memory_space<vmem>>
      %dma_wait3A_73 = tpu.memref_squeeze %dma_wait3A_72 : memref<1x256x64xf32, #tpu.memory_space<vmem>> -> memref<256x64xf32, #tpu.memory_space<vmem>>
      %dma_wait3A_74 = arith.constant 0 : i32
      %dma_wait3A_75 = tpu.memref_slice %arg7[%rem3A_69, %dma_wait3A_74] : memref<80x256xi32, #tpu.memory_space<vmem>> -> memref<1x256xi32, #tpu.memory_space<vmem>>
      %dma_wait3A_76 = tpu.memref_squeeze %dma_wait3A_75 : memref<1x256xi32, #tpu.memory_space<vmem>> -> memref<256xi32, #tpu.memory_space<vmem>>
      %dma_wait3A_77 = arith.constant 0 : i32
      %dma_wait3A_78 = arith.constant 0 : i32
      %dma_wait3A_79 = tpu.memref_slice %arg2[%dma_wait3A_77, %dma_wait3A_78] : memref<10000x64xf32, #tpu.memory_space<hbm>> -> memref<10000x64xf32, #tpu.memory_space<hbm>>
      tpu.wait_indirect_dma semaphore(%arg11 : memref<!tpu.dma_semaphore, #tpu.memory_space<semaphore_mem>>) src(%dma_wait3A_79 : memref<10000x64xf32, #tpu.memory_space<hbm>>) dst(%dma_wait3A_73 : memref<256x64xf32, #tpu.memory_space<vmem>>)
      %mul3A_80 = arith.constant 2 : i32
      %mul3A_81 = arith.muli %while3A_34, %mul3A_80 : i32
      %add3A_82 = arith.constant 1 : i32
      %add3A_83 = arith.addi %mul3A_81, %add3A_82 : i32
      %rem3A_84 = arith.remsi %add3A_83, %mul3A_10 : i32
      %dma_wait3A_85 = arith.constant 1 : i32
      %dma_wait3A_86 = arith.constant 0 : i32
      %dma_wait3A_87 = arith.constant 0 : i32
      %dma_wait3A_88 = tpu.memref_slice %arg9[%dma_wait3A_85, %dma_wait3A_86, %dma_wait3A_87] : memref<2x256x64xf32, #tpu.memory_space<vmem>> -> memref<1x256x64xf32, #tpu.memory_space<vmem>>
      %dma_wait3A_89 = tpu.memref_squeeze %dma_wait3A_88 : memref<1x256x64xf32, #tpu.memory_space<vmem>> -> memref<256x64xf32, #tpu.memory_space<vmem>>
      %dma_wait3A_90 = arith.constant 0 : i32
      %dma_wait3A_91 = tpu.memref_slice %arg7[%rem3A_84, %dma_wait3A_90] : memref<80x256xi32, #tpu.memory_space<vmem>> -> memref<1x256xi32, #tpu.memory_space<vmem>>
      %dma_wait3A_92 = tpu.memref_squeeze %dma_wait3A_91 : memref<1x256xi32, #tpu.memory_space<vmem>> -> memref<256xi32, #tpu.memory_space<vmem>>
      %dma_wait3A_93 = arith.constant 0 : i32
      %dma_wait3A_94 = arith.constant 0 : i32
      %dma_wait3A_95 = tpu.memref_slice %arg2[%dma_wait3A_93, %dma_wait3A_94] : memref<10000x64xf32, #tpu.memory_space<hbm>> -> memref<10000x64xf32, #tpu.memory_space<hbm>>
      tpu.wait_indirect_dma semaphore(%arg11 : memref<!tpu.dma_semaphore, #tpu.memory_space<semaphore_mem>>) src(%dma_wait3A_95 : memref<10000x64xf32, #tpu.memory_space<hbm>>) dst(%dma_wait3A_89 : memref<256x64xf32, #tpu.memory_space<vmem>>)
      %mul3A_96 = arith.constant 2 : i32
      %mul3A_97 = arith.muli %while3A_34, %mul3A_96 : i32
      %add3A_98 = arith.constant 0 : i32
      %add3A_99 = arith.addi %mul3A_97, %add3A_98 : i32
      %run_scoped3A = arith.constant 0 : i32
      "tpu.region"() ({
        %run_scoped3A_105 = tpu.sem_alloc : memref<!tpu.dma_semaphore, #tpu.memory_space<semaphore_mem>>
        %dma_start3A_106 = arith.constant 0 : i32
        %dma_start3A_107 = arith.constant 0 : i32
        %dma_start3A_108 = tpu.memref_slice %arg9[%run_scoped3A, %dma_start3A_106, %dma_start3A_107] : memref<2x256x64xf32, #tpu.memory_space<vmem>> -> memref<1x256x64xf32, #tpu.memory_space<vmem>>
        %dma_start3A_109 = tpu.memref_squeeze %dma_start3A_108 : memref<1x256x64xf32, #tpu.memory_space<vmem>> -> memref<256x64xf32, #tpu.memory_space<vmem>>
        %dma_start3A_110 = arith.constant 0 : i32
        %dma_start3A_111 = tpu.memref_slice %arg8[%add3A_99, %dma_start3A_110] : memref<80x256xi32, #tpu.memory_space<vmem>> -> memref<1x256xi32, #tpu.memory_space<vmem>>
        %dma_start3A_112 = tpu.memref_squeeze %dma_start3A_111 : memref<1x256xi32, #tpu.memory_space<vmem>> -> memref<256xi32, #tpu.memory_space<vmem>>
        %dma_start3A_113 = arith.constant 0 : i32
        %dma_start3A_114 = arith.constant 0 : i32
        %dma_start3A_115 = tpu.memref_slice %arg10[%dma_start3A_113, %dma_start3A_114] : memref<10240x64xf32, #tpu.memory_space<vmem_shared>> -> memref<10240x64xf32, #tpu.memory_space<vmem_shared>>
        tpu.enqueue_indirect_dma source(%dma_start3A_109 : memref<256x64xf32, #tpu.memory_space<vmem>>) target(%dma_start3A_115 : memref<10240x64xf32, #tpu.memory_space<vmem_shared>>) offsets(%dma_start3A_112 : memref<256xi32, #tpu.memory_space<vmem>>) semaphore(%run_scoped3A_105 : memref<!tpu.dma_semaphore, #tpu.memory_space<semaphore_mem>>) {add = true}
        %dma_wait3A_116 = arith.constant 0 : i32
        %dma_wait3A_117 = arith.constant 0 : i32
        %dma_wait3A_118 = tpu.memref_slice %arg9[%run_scoped3A, %dma_wait3A_116, %dma_wait3A_117] : memref<2x256x64xf32, #tpu.memory_space<vmem>> -> memref<1x256x64xf32, #tpu.memory_space<vmem>>
        %dma_wait3A_119 = tpu.memref_squeeze %dma_wait3A_118 : memref<1x256x64xf32, #tpu.memory_space<vmem>> -> memref<256x64xf32, #tpu.memory_space<vmem>>
        %dma_wait3A_120 = arith.constant 0 : i32
        %dma_wait3A_121 = tpu.memref_slice %arg8[%add3A_99, %dma_wait3A_120] : memref<80x256xi32, #tpu.memory_space<vmem>> -> memref<1x256xi32, #tpu.memory_space<vmem>>
        %dma_wait3A_122 = tpu.memref_squeeze %dma_wait3A_121 : memref<1x256xi32, #tpu.memory_space<vmem>> -> memref<256xi32, #tpu.memory_space<vmem>>
        %dma_wait3A_123 = arith.constant 0 : i32
        %dma_wait3A_124 = arith.constant 0 : i32
        %dma_wait3A_125 = tpu.memref_slice %arg10[%dma_wait3A_123, %dma_wait3A_124] : memref<10240x64xf32, #tpu.memory_space<vmem_shared>> -> memref<10240x64xf32, #tpu.memory_space<vmem_shared>>
        tpu.wait_indirect_dma semaphore(%run_scoped3A_105 : memref<!tpu.dma_semaphore, #tpu.memory_space<semaphore_mem>>) src(%dma_wait3A_119 : memref<256x64xf32, #tpu.memory_space<vmem>>) dst(%dma_wait3A_125 : memref<10240x64xf32, #tpu.memory_space<vmem_shared>>)
        tpu.yield
      }) : () -> ()
      %mul3A_100 = arith.constant 2 : i32
      %mul3A_101 = arith.muli %while3A_34, %mul3A_100 : i32
      %add3A_102 = arith.constant 1 : i32
      %add3A_103 = arith.addi %mul3A_101, %add3A_102 : i32
      %run_scoped3A_104 = arith.constant 1 : i32
      "tpu.region"() ({
        %run_scoped3A_105 = tpu.sem_alloc : memref<!tpu.dma_semaphore, #tpu.memory_space<semaphore_mem>>
        %dma_start3A_106 = arith.constant 0 : i32
        %dma_start3A_107 = arith.constant 0 : i32
        %dma_start3A_108 = tpu.memref_slice %arg9[%run_scoped3A_104, %dma_start3A_106, %dma_start3A_107] : memref<2x256x64xf32, #tpu.memory_space<vmem>> -> memref<1x256x64xf32, #tpu.memory_space<vmem>>
        %dma_start3A_109 = tpu.memref_squeeze %dma_start3A_108 : memref<1x256x64xf32, #tpu.memory_space<vmem>> -> memref<256x64xf32, #tpu.memory_space<vmem>>
        %dma_start3A_110 = arith.constant 0 : i32
        %dma_start3A_111 = tpu.memref_slice %arg8[%add3A_103, %dma_start3A_110] : memref<80x256xi32, #tpu.memory_space<vmem>> -> memref<1x256xi32, #tpu.memory_space<vmem>>
        %dma_start3A_112 = tpu.memref_squeeze %dma_start3A_111 : memref<1x256xi32, #tpu.memory_space<vmem>> -> memref<256xi32, #tpu.memory_space<vmem>>
        %dma_start3A_113 = arith.constant 0 : i32
        %dma_start3A_114 = arith.constant 0 : i32
        %dma_start3A_115 = tpu.memref_slice %arg10[%dma_start3A_113, %dma_start3A_114] : memref<10240x64xf32, #tpu.memory_space<vmem_shared>> -> memref<10240x64xf32, #tpu.memory_space<vmem_shared>>
        tpu.enqueue_indirect_dma source(%dma_start3A_109 : memref<256x64xf32, #tpu.memory_space<vmem>>) target(%dma_start3A_115 : memref<10240x64xf32, #tpu.memory_space<vmem_shared>>) offsets(%dma_start3A_112 : memref<256xi32, #tpu.memory_space<vmem>>) semaphore(%run_scoped3A_105 : memref<!tpu.dma_semaphore, #tpu.memory_space<semaphore_mem>>) {add = true}
        %dma_wait3A_116 = arith.constant 0 : i32
        %dma_wait3A_117 = arith.constant 0 : i32
        %dma_wait3A_118 = tpu.memref_slice %arg9[%run_scoped3A_104, %dma_wait3A_116, %dma_wait3A_117] : memref<2x256x64xf32, #tpu.memory_space<vmem>> -> memref<1x256x64xf32, #tpu.memory_space<vmem>>
        %dma_wait3A_119 = tpu.memref_squeeze %dma_wait3A_118 : memref<1x256x64xf32, #tpu.memory_space<vmem>> -> memref<256x64xf32, #tpu.memory_space<vmem>>
        %dma_wait3A_120 = arith.constant 0 : i32
        %dma_wait3A_121 = tpu.memref_slice %arg8[%add3A_103, %dma_wait3A_120] : memref<80x256xi32, #tpu.memory_space<vmem>> -> memref<1x256xi32, #tpu.memory_space<vmem>>
        %dma_wait3A_122 = tpu.memref_squeeze %dma_wait3A_121 : memref<1x256xi32, #tpu.memory_space<vmem>> -> memref<256xi32, #tpu.memory_space<vmem>>
        %dma_wait3A_123 = arith.constant 0 : i32
        %dma_wait3A_124 = arith.constant 0 : i32
        %dma_wait3A_125 = tpu.memref_slice %arg10[%dma_wait3A_123, %dma_wait3A_124] : memref<10240x64xf32, #tpu.memory_space<vmem_shared>> -> memref<10240x64xf32, #tpu.memory_space<vmem_shared>>
        tpu.wait_indirect_dma semaphore(%run_scoped3A_105 : memref<!tpu.dma_semaphore, #tpu.memory_space<semaphore_mem>>) src(%dma_wait3A_119 : memref<256x64xf32, #tpu.memory_space<vmem>>) dst(%dma_wait3A_125 : memref<10240x64xf32, #tpu.memory_space<vmem_shared>>)
        tpu.yield
      }) : () -> ()
    }
    %barrier3A_26 = arith.constant 0 : index
    tpu.barrier barrier_id(%barrier3A_26)
    %mul3A_27 = arith.constant 640 : i32
    %mul3A_28 = arith.muli %arg1, %mul3A_27 : i32
    %mul3A_29 = arith.constant 10240 : i32
    %mul3A_30 = arith.muli %arg0, %mul3A_29 : i32
    %mul3A_31 = arith.constant 640 : i32
    %mul3A_32 = arith.muli %arg1, %mul3A_31 : i32
    %add3A_33 = arith.addi %mul3A_30, %mul3A_32 : i32
    "tpu.region"() ({
      %run_scoped3A = tpu.sem_alloc : memref<!tpu.dma_semaphore, #tpu.memory_space<semaphore_mem>>
      %dma_start3A = arith.constant 0 : i32
      %dma_start3A_34 = tpu.memref_slice %arg6[%add3A_33, %dma_start3A] : memref<20480x64xf32, #tpu.memory_space<hbm>> -> memref<640x64xf32, #tpu.memory_space<hbm>>
      %dma_start3A_35 = arith.constant 0 : i32
      %dma_start3A_36 = tpu.memref_slice %arg10[%mul3A_28, %dma_start3A_35] : memref<10240x64xf32, #tpu.memory_space<vmem_shared>> -> memref<640x64xf32, #tpu.memory_space<vmem_shared>>
      tpu.enqueue_dma source(%dma_start3A_36 : memref<640x64xf32, #tpu.memory_space<vmem_shared>>) target(%dma_start3A_34 : memref<640x64xf32, #tpu.memory_space<hbm>>) target_semaphore(%run_scoped3A : memref<!tpu.dma_semaphore, #tpu.memory_space<semaphore_mem>>)
      %dma_wait3A = arith.constant 0 : i32
      %dma_wait3A_37 = tpu.memref_slice %arg6[%add3A_33, %dma_wait3A] : memref<20480x64xf32, #tpu.memory_space<hbm>> -> memref<640x64xf32, #tpu.memory_space<hbm>>
      %dma_wait3A_38 = arith.constant 0 : i32
      %dma_wait3A_39 = tpu.memref_slice %arg10[%mul3A_28, %dma_wait3A_38] : memref<10240x64xf32, #tpu.memory_space<vmem_shared>> -> memref<640x64xf32, #tpu.memory_space<vmem_shared>>
      tpu.wait_dma2 semaphore(%run_scoped3A : memref<!tpu.dma_semaphore, #tpu.memory_space<semaphore_mem>>) src(%dma_wait3A_39 : memref<640x64xf32, #tpu.memory_space<vmem_shared>>) dst(%dma_wait3A_37 : memref<640x64xf32, #tpu.memory_space<hbm>>)
      tpu.yield
    }) : () -> ()
    return
  }
}

#map = affine_map<(d0, d1) -> (0, 0)>
module attributes {stable_mosaic.version = 14 : i64} {
  func.func @_sc_seg_body(%arg0: i32, %arg1: i32, %arg2: memref<10000x64xf32, #tpu.memory_space<hbm>>, %arg3: memref<1280x256xi32, #tpu.memory_space<hbm>>, %arg4: memref<1280x256xi32, #tpu.memory_space<hbm>>, %arg5: memref<10240x64xf32, #tpu.memory_space<hbm>>, %arg6: memref<20480x64xf32, #tpu.memory_space<hbm>>, %arg7: memref<80x256xi32, #tpu.memory_space<vmem>>, %arg8: memref<80x256xi32, #tpu.memory_space<vmem>>, %arg9: memref<2x256x64xf32, #tpu.memory_space<vmem>>, %arg10: memref<10240x64xf32, #tpu.memory_space<vmem_shared>>, %arg11: memref<!tpu.dma_semaphore, #tpu.memory_space<semaphore_mem>>) attributes {dimension_semantics = [#tpu.dimension_semantics<core_parallel>, #tpu.dimension_semantics<subcore_parallel>], iteration_bounds = array<i64: 2, 16>, scalar_prefetch = 0 : i64, scratch_operands = 5 : i64, tpu.core_type = #tpu.core_type<sc_vector_subcore>, window_params = [{transform_indices = #map}, {transform_indices = #map}, {transform_indices = #map}, {transform_indices = #map}, {transform_indices = #map}]} {
    %eq3A = arith.constant 0 : i32
    %eq3A_0 = arith.cmpi eq, %arg0, %eq3A : i32
    %jit3A = arith.constant 20 : i32
    %jit3A_1 = arith.constant 0 : i32
    %select_n3A = arith.select %eq3A_0, %jit3A, %jit3A_1 : i32
    %eq3A_2 = arith.constant 0 : i32
    %eq3A_3 = arith.cmpi eq, %arg0, %eq3A_2 : i32
    %mul3A = arith.constant 80 : i32
    %mul3A_4 = arith.muli %arg1, %mul3A : i32
    %mul3A_5 = arith.constant 0 : i32
    %mul3A_6 = arith.muli %arg1, %mul3A_5 : i32
    %add3A = arith.constant 1280 : i32
    %add3A_7 = arith.addi %add3A, %mul3A_6 : i32
    %select_n3A_8 = arith.select %eq3A_3, %mul3A_4, %add3A_7 : i32
    %mul3A_9 = arith.constant 4 : i32
    %mul3A_10 = arith.muli %mul3A_9, %select_n3A : i32
    %mul3A_11 = arith.constant 640 : i32
    %mul3A_12 = arith.muli %arg1, %mul3A_11 : i32
    %mul3A_13 = arith.constant 640 : i32
    %mul3A_14 = arith.muli %arg1, %mul3A_13 : i32
    "tpu.region"() ({
      %run_scoped3A = tpu.sem_alloc : memref<!tpu.dma_semaphore, #tpu.memory_space<semaphore_mem>>
      %dma_start3A = arith.constant 0 : i32
      %dma_start3A_34 = tpu.memref_slice %arg10[%mul3A_14, %dma_start3A] : memref<10240x64xf32, #tpu.memory_space<vmem_shared>> -> memref<640x64xf32, #tpu.memory_space<vmem_shared>>
      %dma_start3A_35 = arith.constant 0 : i32
      %dma_start3A_36 = tpu.memref_slice %arg5[%mul3A_12, %dma_start3A_35] : memref<10240x64xf32, #tpu.memory_space<hbm>> -> memref<640x64xf32, #tpu.memory_space<hbm>>
      tpu.enqueue_dma source(%dma_start3A_36 : memref<640x64xf32, #tpu.memory_space<hbm>>) target(%dma_start3A_34 : memref<640x64xf32, #tpu.memory_space<vmem_shared>>) target_semaphore(%run_scoped3A : memref<!tpu.dma_semaphore, #tpu.memory_space<semaphore_mem>>)
      %dma_wait3A = arith.constant 0 : i32
      %dma_wait3A_37 = tpu.memref_slice %arg10[%mul3A_14, %dma_wait3A] : memref<10240x64xf32, #tpu.memory_space<vmem_shared>> -> memref<640x64xf32, #tpu.memory_space<vmem_shared>>
      %dma_wait3A_38 = arith.constant 0 : i32
      %dma_wait3A_39 = tpu.memref_slice %arg5[%mul3A_12, %dma_wait3A_38] : memref<10240x64xf32, #tpu.memory_space<hbm>> -> memref<640x64xf32, #tpu.memory_space<hbm>>
      tpu.wait_dma2 semaphore(%run_scoped3A : memref<!tpu.dma_semaphore, #tpu.memory_space<semaphore_mem>>) src(%dma_wait3A_39 : memref<640x64xf32, #tpu.memory_space<hbm>>) dst(%dma_wait3A_37 : memref<640x64xf32, #tpu.memory_space<vmem_shared>>)
      tpu.yield
    }) : () -> ()
    "tpu.region"() ({
      %run_scoped3A = tpu.sem_alloc : memref<!tpu.dma_semaphore, #tpu.memory_space<semaphore_mem>>
      %dma_start3A = arith.constant 0 : i32
      %dma_start3A_34 = tpu.memref_slice %arg3[%select_n3A_8, %dma_start3A] : memref<1280x256xi32, #tpu.memory_space<hbm>> -> memref<80x256xi32, #tpu.memory_space<hbm>>
      %dma_start3A_35 = arith.constant 0 : i32
      %dma_start3A_36 = tpu.memref_slice %arg3[%select_n3A_8, %dma_start3A_35] : memref<1280x256xi32, #tpu.memory_space<hbm>> -> memref<80x256xi32, #tpu.memory_space<hbm>>
      tpu.enqueue_dma source(%dma_start3A_36 : memref<80x256xi32, #tpu.memory_space<hbm>>) target(%arg7 : memref<80x256xi32, #tpu.memory_space<vmem>>) target_semaphore(%run_scoped3A : memref<!tpu.dma_semaphore, #tpu.memory_space<semaphore_mem>>)
      %dma_wait3A = arith.constant 0 : i32
      %dma_wait3A_37 = tpu.memref_slice %arg3[%select_n3A_8, %dma_wait3A] : memref<1280x256xi32, #tpu.memory_space<hbm>> -> memref<80x256xi32, #tpu.memory_space<hbm>>
      %dma_wait3A_38 = arith.constant 0 : i32
      %dma_wait3A_39 = tpu.memref_slice %arg3[%select_n3A_8, %dma_wait3A_38] : memref<1280x256xi32, #tpu.memory_space<hbm>> -> memref<80x256xi32, #tpu.memory_space<hbm>>
      tpu.wait_dma2 semaphore(%run_scoped3A : memref<!tpu.dma_semaphore, #tpu.memory_space<semaphore_mem>>) src(%dma_wait3A_39 : memref<80x256xi32, #tpu.memory_space<hbm>>) dst(%arg7 : memref<80x256xi32, #tpu.memory_space<vmem>>)
      tpu.yield
    }) : () -> ()
    "tpu.region"() ({
      %run_scoped3A = tpu.sem_alloc : memref<!tpu.dma_semaphore, #tpu.memory_space<semaphore_mem>>
      %dma_start3A = arith.constant 0 : i32
      %dma_start3A_34 = tpu.memref_slice %arg4[%select_n3A_8, %dma_start3A] : memref<1280x256xi32, #tpu.memory_space<hbm>> -> memref<80x256xi32, #tpu.memory_space<hbm>>
      %dma_start3A_35 = arith.constant 0 : i32
      %dma_start3A_36 = tpu.memref_slice %arg4[%select_n3A_8, %dma_start3A_35] : memref<1280x256xi32, #tpu.memory_space<hbm>> -> memref<80x256xi32, #tpu.memory_space<hbm>>
      tpu.enqueue_dma source(%dma_start3A_36 : memref<80x256xi32, #tpu.memory_space<hbm>>) target(%arg8 : memref<80x256xi32, #tpu.memory_space<vmem>>) target_semaphore(%run_scoped3A : memref<!tpu.dma_semaphore, #tpu.memory_space<semaphore_mem>>)
      %dma_wait3A = arith.constant 0 : i32
      %dma_wait3A_37 = tpu.memref_slice %arg4[%select_n3A_8, %dma_wait3A] : memref<1280x256xi32, #tpu.memory_space<hbm>> -> memref<80x256xi32, #tpu.memory_space<hbm>>
      %dma_wait3A_38 = arith.constant 0 : i32
      %dma_wait3A_39 = tpu.memref_slice %arg4[%select_n3A_8, %dma_wait3A_38] : memref<1280x256xi32, #tpu.memory_space<hbm>> -> memref<80x256xi32, #tpu.memory_space<hbm>>
      tpu.wait_dma2 semaphore(%run_scoped3A : memref<!tpu.dma_semaphore, #tpu.memory_space<semaphore_mem>>) src(%dma_wait3A_39 : memref<80x256xi32, #tpu.memory_space<hbm>>) dst(%arg8 : memref<80x256xi32, #tpu.memory_space<vmem>>)
      tpu.yield
    }) : () -> ()
    %barrier3A = arith.constant 0 : index
    tpu.barrier barrier_id(%barrier3A)
    %mul3A_15 = arith.constant 2 : i32
    %mul3A_16 = arith.muli %mul3A_15, %select_n3A : i32
    %while3A = arith.constant 0 : i32
    %while3A_17 = arith.constant 0 : i32
    %while3A_18 = arith.subi %mul3A_16, %while3A_17 : i32
    %while3A_19 = arith.addi %while3A_17, %while3A_18 : i32
    %while3A_20 = arith.constant 1 : i32
    %while3A_21 = arith.divsi %while3A_18, %while3A_20 : i32
    %while3A_22 = arith.muli %while3A_21, %while3A_20 : i32
    %while3A_23 = arith.addi %while3A_17, %while3A_22 : i32
    %while3A_24 = arith.constant 1 : i32
    scf.for %while3A_34 = %while3A_17 to %while3A_23 step %while3A_24  : i32 {
      %mul3A_35 = arith.constant 2 : i32
      %mul3A_36 = arith.muli %while3A_34, %mul3A_35 : i32
      %add3A_37 = arith.constant 0 : i32
      %add3A_38 = arith.addi %mul3A_36, %add3A_37 : i32
      %rem3A = arith.remsi %add3A_38, %mul3A_10 : i32
      %dma_start3A = arith.constant 0 : i32
      %dma_start3A_39 = arith.constant 0 : i32
      %dma_start3A_40 = arith.constant 0 : i32
      %dma_start3A_41 = tpu.memref_slice %arg9[%dma_start3A, %dma_start3A_39, %dma_start3A_40] : memref<2x256x64xf32, #tpu.memory_space<vmem>> -> memref<1x256x64xf32, #tpu.memory_space<vmem>>
      %dma_start3A_42 = tpu.memref_squeeze %dma_start3A_41 : memref<1x256x64xf32, #tpu.memory_space<vmem>> -> memref<256x64xf32, #tpu.memory_space<vmem>>
      %dma_start3A_43 = arith.constant 0 : i32
      %dma_start3A_44 = tpu.memref_slice %arg7[%rem3A, %dma_start3A_43] : memref<80x256xi32, #tpu.memory_space<vmem>> -> memref<1x256xi32, #tpu.memory_space<vmem>>
      %dma_start3A_45 = tpu.memref_squeeze %dma_start3A_44 : memref<1x256xi32, #tpu.memory_space<vmem>> -> memref<256xi32, #tpu.memory_space<vmem>>
      %dma_start3A_46 = arith.constant 0 : i32
      %dma_start3A_47 = arith.constant 0 : i32
      %dma_start3A_48 = tpu.memref_slice %arg2[%dma_start3A_46, %dma_start3A_47] : memref<10000x64xf32, #tpu.memory_space<hbm>> -> memref<10000x64xf32, #tpu.memory_space<hbm>>
      tpu.enqueue_indirect_dma source(%dma_start3A_48 : memref<10000x64xf32, #tpu.memory_space<hbm>>) target(%dma_start3A_42 : memref<256x64xf32, #tpu.memory_space<vmem>>) offsets(%dma_start3A_45 : memref<256xi32, #tpu.memory_space<vmem>>) semaphore(%arg11 : memref<!tpu.dma_semaphore, #tpu.memory_space<semaphore_mem>>)
      %mul3A_49 = arith.constant 2 : i32
      %mul3A_50 = arith.muli %while3A_34, %mul3A_49 : i32
      %add3A_51 = arith.constant 1 : i32
      %add3A_52 = arith.addi %mul3A_50, %add3A_51 : i32
      %rem3A_53 = arith.remsi %add3A_52, %mul3A_10 : i32
      %dma_start3A_54 = arith.constant 1 : i32
      %dma_start3A_55 = arith.constant 0 : i32
      %dma_start3A_56 = arith.constant 0 : i32
      %dma_start3A_57 = tpu.memref_slice %arg9[%dma_start3A_54, %dma_start3A_55, %dma_start3A_56] : memref<2x256x64xf32, #tpu.memory_space<vmem>> -> memref<1x256x64xf32, #tpu.memory_space<vmem>>
      %dma_start3A_58 = tpu.memref_squeeze %dma_start3A_57 : memref<1x256x64xf32, #tpu.memory_space<vmem>> -> memref<256x64xf32, #tpu.memory_space<vmem>>
      %dma_start3A_59 = arith.constant 0 : i32
      %dma_start3A_60 = tpu.memref_slice %arg7[%rem3A_53, %dma_start3A_59] : memref<80x256xi32, #tpu.memory_space<vmem>> -> memref<1x256xi32, #tpu.memory_space<vmem>>
      %dma_start3A_61 = tpu.memref_squeeze %dma_start3A_60 : memref<1x256xi32, #tpu.memory_space<vmem>> -> memref<256xi32, #tpu.memory_space<vmem>>
      %dma_start3A_62 = arith.constant 0 : i32
      %dma_start3A_63 = arith.constant 0 : i32
      %dma_start3A_64 = tpu.memref_slice %arg2[%dma_start3A_62, %dma_start3A_63] : memref<10000x64xf32, #tpu.memory_space<hbm>> -> memref<10000x64xf32, #tpu.memory_space<hbm>>
      tpu.enqueue_indirect_dma source(%dma_start3A_64 : memref<10000x64xf32, #tpu.memory_space<hbm>>) target(%dma_start3A_58 : memref<256x64xf32, #tpu.memory_space<vmem>>) offsets(%dma_start3A_61 : memref<256xi32, #tpu.memory_space<vmem>>) semaphore(%arg11 : memref<!tpu.dma_semaphore, #tpu.memory_space<semaphore_mem>>)
      %mul3A_65 = arith.constant 2 : i32
      %mul3A_66 = arith.muli %while3A_34, %mul3A_65 : i32
      %add3A_67 = arith.constant 0 : i32
      %add3A_68 = arith.addi %mul3A_66, %add3A_67 : i32
      %rem3A_69 = arith.remsi %add3A_68, %mul3A_10 : i32
      %dma_wait3A = arith.constant 0 : i32
      %dma_wait3A_70 = arith.constant 0 : i32
      %dma_wait3A_71 = arith.constant 0 : i32
      %dma_wait3A_72 = tpu.memref_slice %arg9[%dma_wait3A, %dma_wait3A_70, %dma_wait3A_71] : memref<2x256x64xf32, #tpu.memory_space<vmem>> -> memref<1x256x64xf32, #tpu.memory_space<vmem>>
      %dma_wait3A_73 = tpu.memref_squeeze %dma_wait3A_72 : memref<1x256x64xf32, #tpu.memory_space<vmem>> -> memref<256x64xf32, #tpu.memory_space<vmem>>
      %dma_wait3A_74 = arith.constant 0 : i32
      %dma_wait3A_75 = tpu.memref_slice %arg7[%rem3A_69, %dma_wait3A_74] : memref<80x256xi32, #tpu.memory_space<vmem>> -> memref<1x256xi32, #tpu.memory_space<vmem>>
      %dma_wait3A_76 = tpu.memref_squeeze %dma_wait3A_75 : memref<1x256xi32, #tpu.memory_space<vmem>> -> memref<256xi32, #tpu.memory_space<vmem>>
      %dma_wait3A_77 = arith.constant 0 : i32
      %dma_wait3A_78 = arith.constant 0 : i32
      %dma_wait3A_79 = tpu.memref_slice %arg2[%dma_wait3A_77, %dma_wait3A_78] : memref<10000x64xf32, #tpu.memory_space<hbm>> -> memref<10000x64xf32, #tpu.memory_space<hbm>>
      tpu.wait_indirect_dma semaphore(%arg11 : memref<!tpu.dma_semaphore, #tpu.memory_space<semaphore_mem>>) src(%dma_wait3A_79 : memref<10000x64xf32, #tpu.memory_space<hbm>>) dst(%dma_wait3A_73 : memref<256x64xf32, #tpu.memory_space<vmem>>)
      %mul3A_80 = arith.constant 2 : i32
      %mul3A_81 = arith.muli %while3A_34, %mul3A_80 : i32
      %add3A_82 = arith.constant 1 : i32
      %add3A_83 = arith.addi %mul3A_81, %add3A_82 : i32
      %rem3A_84 = arith.remsi %add3A_83, %mul3A_10 : i32
      %dma_wait3A_85 = arith.constant 1 : i32
      %dma_wait3A_86 = arith.constant 0 : i32
      %dma_wait3A_87 = arith.constant 0 : i32
      %dma_wait3A_88 = tpu.memref_slice %arg9[%dma_wait3A_85, %dma_wait3A_86, %dma_wait3A_87] : memref<2x256x64xf32, #tpu.memory_space<vmem>> -> memref<1x256x64xf32, #tpu.memory_space<vmem>>
      %dma_wait3A_89 = tpu.memref_squeeze %dma_wait3A_88 : memref<1x256x64xf32, #tpu.memory_space<vmem>> -> memref<256x64xf32, #tpu.memory_space<vmem>>
      %dma_wait3A_90 = arith.constant 0 : i32
      %dma_wait3A_91 = tpu.memref_slice %arg7[%rem3A_84, %dma_wait3A_90] : memref<80x256xi32, #tpu.memory_space<vmem>> -> memref<1x256xi32, #tpu.memory_space<vmem>>
      %dma_wait3A_92 = tpu.memref_squeeze %dma_wait3A_91 : memref<1x256xi32, #tpu.memory_space<vmem>> -> memref<256xi32, #tpu.memory_space<vmem>>
      %dma_wait3A_93 = arith.constant 0 : i32
      %dma_wait3A_94 = arith.constant 0 : i32
      %dma_wait3A_95 = tpu.memref_slice %arg2[%dma_wait3A_93, %dma_wait3A_94] : memref<10000x64xf32, #tpu.memory_space<hbm>> -> memref<10000x64xf32, #tpu.memory_space<hbm>>
      tpu.wait_indirect_dma semaphore(%arg11 : memref<!tpu.dma_semaphore, #tpu.memory_space<semaphore_mem>>) src(%dma_wait3A_95 : memref<10000x64xf32, #tpu.memory_space<hbm>>) dst(%dma_wait3A_89 : memref<256x64xf32, #tpu.memory_space<vmem>>)
      %mul3A_96 = arith.constant 2 : i32
      %mul3A_97 = arith.muli %while3A_34, %mul3A_96 : i32
      %add3A_98 = arith.constant 0 : i32
      %add3A_99 = arith.addi %mul3A_97, %add3A_98 : i32
      %run_scoped3A = arith.constant 0 : i32
      "tpu.region"() ({
        %run_scoped3A_105 = tpu.sem_alloc : memref<!tpu.dma_semaphore, #tpu.memory_space<semaphore_mem>>
        %dma_start3A_106 = arith.constant 0 : i32
        %dma_start3A_107 = arith.constant 0 : i32
        %dma_start3A_108 = tpu.memref_slice %arg9[%run_scoped3A, %dma_start3A_106, %dma_start3A_107] : memref<2x256x64xf32, #tpu.memory_space<vmem>> -> memref<1x256x64xf32, #tpu.memory_space<vmem>>
        %dma_start3A_109 = tpu.memref_squeeze %dma_start3A_108 : memref<1x256x64xf32, #tpu.memory_space<vmem>> -> memref<256x64xf32, #tpu.memory_space<vmem>>
        %dma_start3A_110 = arith.constant 0 : i32
        %dma_start3A_111 = tpu.memref_slice %arg8[%add3A_99, %dma_start3A_110] : memref<80x256xi32, #tpu.memory_space<vmem>> -> memref<1x256xi32, #tpu.memory_space<vmem>>
        %dma_start3A_112 = tpu.memref_squeeze %dma_start3A_111 : memref<1x256xi32, #tpu.memory_space<vmem>> -> memref<256xi32, #tpu.memory_space<vmem>>
        %dma_start3A_113 = arith.constant 0 : i32
        %dma_start3A_114 = arith.constant 0 : i32
        %dma_start3A_115 = tpu.memref_slice %arg10[%dma_start3A_113, %dma_start3A_114] : memref<10240x64xf32, #tpu.memory_space<vmem_shared>> -> memref<10240x64xf32, #tpu.memory_space<vmem_shared>>
        tpu.enqueue_indirect_dma source(%dma_start3A_109 : memref<256x64xf32, #tpu.memory_space<vmem>>) target(%dma_start3A_115 : memref<10240x64xf32, #tpu.memory_space<vmem_shared>>) offsets(%dma_start3A_112 : memref<256xi32, #tpu.memory_space<vmem>>) semaphore(%run_scoped3A_105 : memref<!tpu.dma_semaphore, #tpu.memory_space<semaphore_mem>>) {add = true}
        %dma_wait3A_116 = arith.constant 0 : i32
        %dma_wait3A_117 = arith.constant 0 : i32
        %dma_wait3A_118 = tpu.memref_slice %arg9[%run_scoped3A, %dma_wait3A_116, %dma_wait3A_117] : memref<2x256x64xf32, #tpu.memory_space<vmem>> -> memref<1x256x64xf32, #tpu.memory_space<vmem>>
        %dma_wait3A_119 = tpu.memref_squeeze %dma_wait3A_118 : memref<1x256x64xf32, #tpu.memory_space<vmem>> -> memref<256x64xf32, #tpu.memory_space<vmem>>
        %dma_wait3A_120 = arith.constant 0 : i32
        %dma_wait3A_121 = tpu.memref_slice %arg8[%add3A_99, %dma_wait3A_120] : memref<80x256xi32, #tpu.memory_space<vmem>> -> memref<1x256xi32, #tpu.memory_space<vmem>>
        %dma_wait3A_122 = tpu.memref_squeeze %dma_wait3A_121 : memref<1x256xi32, #tpu.memory_space<vmem>> -> memref<256xi32, #tpu.memory_space<vmem>>
        %dma_wait3A_123 = arith.constant 0 : i32
        %dma_wait3A_124 = arith.constant 0 : i32
        %dma_wait3A_125 = tpu.memref_slice %arg10[%dma_wait3A_123, %dma_wait3A_124] : memref<10240x64xf32, #tpu.memory_space<vmem_shared>> -> memref<10240x64xf32, #tpu.memory_space<vmem_shared>>
        tpu.wait_indirect_dma semaphore(%run_scoped3A_105 : memref<!tpu.dma_semaphore, #tpu.memory_space<semaphore_mem>>) src(%dma_wait3A_119 : memref<256x64xf32, #tpu.memory_space<vmem>>) dst(%dma_wait3A_125 : memref<10240x64xf32, #tpu.memory_space<vmem_shared>>)
        tpu.yield
      }) : () -> ()
      %mul3A_100 = arith.constant 2 : i32
      %mul3A_101 = arith.muli %while3A_34, %mul3A_100 : i32
      %add3A_102 = arith.constant 1 : i32
      %add3A_103 = arith.addi %mul3A_101, %add3A_102 : i32
      %run_scoped3A_104 = arith.constant 1 : i32
      "tpu.region"() ({
        %run_scoped3A_105 = tpu.sem_alloc : memref<!tpu.dma_semaphore, #tpu.memory_space<semaphore_mem>>
        %dma_start3A_106 = arith.constant 0 : i32
        %dma_start3A_107 = arith.constant 0 : i32
        %dma_start3A_108 = tpu.memref_slice %arg9[%run_scoped3A_104, %dma_start3A_106, %dma_start3A_107] : memref<2x256x64xf32, #tpu.memory_space<vmem>> -> memref<1x256x64xf32, #tpu.memory_space<vmem>>
        %dma_start3A_109 = tpu.memref_squeeze %dma_start3A_108 : memref<1x256x64xf32, #tpu.memory_space<vmem>> -> memref<256x64xf32, #tpu.memory_space<vmem>>
        %dma_start3A_110 = arith.constant 0 : i32
        %dma_start3A_111 = tpu.memref_slice %arg8[%add3A_103, %dma_start3A_110] : memref<80x256xi32, #tpu.memory_space<vmem>> -> memref<1x256xi32, #tpu.memory_space<vmem>>
        %dma_start3A_112 = tpu.memref_squeeze %dma_start3A_111 : memref<1x256xi32, #tpu.memory_space<vmem>> -> memref<256xi32, #tpu.memory_space<vmem>>
        %dma_start3A_113 = arith.constant 0 : i32
        %dma_start3A_114 = arith.constant 0 : i32
        %dma_start3A_115 = tpu.memref_slice %arg10[%dma_start3A_113, %dma_start3A_114] : memref<10240x64xf32, #tpu.memory_space<vmem_shared>> -> memref<10240x64xf32, #tpu.memory_space<vmem_shared>>
        tpu.enqueue_indirect_dma source(%dma_start3A_109 : memref<256x64xf32, #tpu.memory_space<vmem>>) target(%dma_start3A_115 : memref<10240x64xf32, #tpu.memory_space<vmem_shared>>) offsets(%dma_start3A_112 : memref<256xi32, #tpu.memory_space<vmem>>) semaphore(%run_scoped3A_105 : memref<!tpu.dma_semaphore, #tpu.memory_space<semaphore_mem>>) {add = true}
        %dma_wait3A_116 = arith.constant 0 : i32
        %dma_wait3A_117 = arith.constant 0 : i32
        %dma_wait3A_118 = tpu.memref_slice %arg9[%run_scoped3A_104, %dma_wait3A_116, %dma_wait3A_117] : memref<2x256x64xf32, #tpu.memory_space<vmem>> -> memref<1x256x64xf32, #tpu.memory_space<vmem>>
        %dma_wait3A_119 = tpu.memref_squeeze %dma_wait3A_118 : memref<1x256x64xf32, #tpu.memory_space<vmem>> -> memref<256x64xf32, #tpu.memory_space<vmem>>
        %dma_wait3A_120 = arith.constant 0 : i32
        %dma_wait3A_121 = tpu.memref_slice %arg8[%add3A_103, %dma_wait3A_120] : memref<80x256xi32, #tpu.memory_space<vmem>> -> memref<1x256xi32, #tpu.memory_space<vmem>>
        %dma_wait3A_122 = tpu.memref_squeeze %dma_wait3A_121 : memref<1x256xi32, #tpu.memory_space<vmem>> -> memref<256xi32, #tpu.memory_space<vmem>>
        %dma_wait3A_123 = arith.constant 0 : i32
        %dma_wait3A_124 = arith.constant 0 : i32
        %dma_wait3A_125 = tpu.memref_slice %arg10[%dma_wait3A_123, %dma_wait3A_124] : memref<10240x64xf32, #tpu.memory_space<vmem_shared>> -> memref<10240x64xf32, #tpu.memory_space<vmem_shared>>
        tpu.wait_indirect_dma semaphore(%run_scoped3A_105 : memref<!tpu.dma_semaphore, #tpu.memory_space<semaphore_mem>>) src(%dma_wait3A_119 : memref<256x64xf32, #tpu.memory_space<vmem>>) dst(%dma_wait3A_125 : memref<10240x64xf32, #tpu.memory_space<vmem_shared>>)
        tpu.yield
      }) : () -> ()
    }
    %while3A_25 = arith.constant 1 : i32
    scf.for %while3A_34 = %while3A_23 to %while3A_19 step %while3A_25  : i32 {
      %mul3A_35 = arith.constant 2 : i32
      %mul3A_36 = arith.muli %while3A_34, %mul3A_35 : i32
      %add3A_37 = arith.constant 0 : i32
      %add3A_38 = arith.addi %mul3A_36, %add3A_37 : i32
      %rem3A = arith.remsi %add3A_38, %mul3A_10 : i32
      %dma_start3A = arith.constant 0 : i32
      %dma_start3A_39 = arith.constant 0 : i32
      %dma_start3A_40 = arith.constant 0 : i32
      %dma_start3A_41 = tpu.memref_slice %arg9[%dma_start3A, %dma_start3A_39, %dma_start3A_40] : memref<2x256x64xf32, #tpu.memory_space<vmem>> -> memref<1x256x64xf32, #tpu.memory_space<vmem>>
      %dma_start3A_42 = tpu.memref_squeeze %dma_start3A_41 : memref<1x256x64xf32, #tpu.memory_space<vmem>> -> memref<256x64xf32, #tpu.memory_space<vmem>>
      %dma_start3A_43 = arith.constant 0 : i32
      %dma_start3A_44 = tpu.memref_slice %arg7[%rem3A, %dma_start3A_43] : memref<80x256xi32, #tpu.memory_space<vmem>> -> memref<1x256xi32, #tpu.memory_space<vmem>>
      %dma_start3A_45 = tpu.memref_squeeze %dma_start3A_44 : memref<1x256xi32, #tpu.memory_space<vmem>> -> memref<256xi32, #tpu.memory_space<vmem>>
      %dma_start3A_46 = arith.constant 0 : i32
      %dma_start3A_47 = arith.constant 0 : i32
      %dma_start3A_48 = tpu.memref_slice %arg2[%dma_start3A_46, %dma_start3A_47] : memref<10000x64xf32, #tpu.memory_space<hbm>> -> memref<10000x64xf32, #tpu.memory_space<hbm>>
      tpu.enqueue_indirect_dma source(%dma_start3A_48 : memref<10000x64xf32, #tpu.memory_space<hbm>>) target(%dma_start3A_42 : memref<256x64xf32, #tpu.memory_space<vmem>>) offsets(%dma_start3A_45 : memref<256xi32, #tpu.memory_space<vmem>>) semaphore(%arg11 : memref<!tpu.dma_semaphore, #tpu.memory_space<semaphore_mem>>)
      %mul3A_49 = arith.constant 2 : i32
      %mul3A_50 = arith.muli %while3A_34, %mul3A_49 : i32
      %add3A_51 = arith.constant 1 : i32
      %add3A_52 = arith.addi %mul3A_50, %add3A_51 : i32
      %rem3A_53 = arith.remsi %add3A_52, %mul3A_10 : i32
      %dma_start3A_54 = arith.constant 1 : i32
      %dma_start3A_55 = arith.constant 0 : i32
      %dma_start3A_56 = arith.constant 0 : i32
      %dma_start3A_57 = tpu.memref_slice %arg9[%dma_start3A_54, %dma_start3A_55, %dma_start3A_56] : memref<2x256x64xf32, #tpu.memory_space<vmem>> -> memref<1x256x64xf32, #tpu.memory_space<vmem>>
      %dma_start3A_58 = tpu.memref_squeeze %dma_start3A_57 : memref<1x256x64xf32, #tpu.memory_space<vmem>> -> memref<256x64xf32, #tpu.memory_space<vmem>>
      %dma_start3A_59 = arith.constant 0 : i32
      %dma_start3A_60 = tpu.memref_slice %arg7[%rem3A_53, %dma_start3A_59] : memref<80x256xi32, #tpu.memory_space<vmem>> -> memref<1x256xi32, #tpu.memory_space<vmem>>
      %dma_start3A_61 = tpu.memref_squeeze %dma_start3A_60 : memref<1x256xi32, #tpu.memory_space<vmem>> -> memref<256xi32, #tpu.memory_space<vmem>>
      %dma_start3A_62 = arith.constant 0 : i32
      %dma_start3A_63 = arith.constant 0 : i32
      %dma_start3A_64 = tpu.memref_slice %arg2[%dma_start3A_62, %dma_start3A_63] : memref<10000x64xf32, #tpu.memory_space<hbm>> -> memref<10000x64xf32, #tpu.memory_space<hbm>>
      tpu.enqueue_indirect_dma source(%dma_start3A_64 : memref<10000x64xf32, #tpu.memory_space<hbm>>) target(%dma_start3A_58 : memref<256x64xf32, #tpu.memory_space<vmem>>) offsets(%dma_start3A_61 : memref<256xi32, #tpu.memory_space<vmem>>) semaphore(%arg11 : memref<!tpu.dma_semaphore, #tpu.memory_space<semaphore_mem>>)
      %mul3A_65 = arith.constant 2 : i32
      %mul3A_66 = arith.muli %while3A_34, %mul3A_65 : i32
      %add3A_67 = arith.constant 0 : i32
      %add3A_68 = arith.addi %mul3A_66, %add3A_67 : i32
      %rem3A_69 = arith.remsi %add3A_68, %mul3A_10 : i32
      %dma_wait3A = arith.constant 0 : i32
      %dma_wait3A_70 = arith.constant 0 : i32
      %dma_wait3A_71 = arith.constant 0 : i32
      %dma_wait3A_72 = tpu.memref_slice %arg9[%dma_wait3A, %dma_wait3A_70, %dma_wait3A_71] : memref<2x256x64xf32, #tpu.memory_space<vmem>> -> memref<1x256x64xf32, #tpu.memory_space<vmem>>
      %dma_wait3A_73 = tpu.memref_squeeze %dma_wait3A_72 : memref<1x256x64xf32, #tpu.memory_space<vmem>> -> memref<256x64xf32, #tpu.memory_space<vmem>>
      %dma_wait3A_74 = arith.constant 0 : i32
      %dma_wait3A_75 = tpu.memref_slice %arg7[%rem3A_69, %dma_wait3A_74] : memref<80x256xi32, #tpu.memory_space<vmem>> -> memref<1x256xi32, #tpu.memory_space<vmem>>
      %dma_wait3A_76 = tpu.memref_squeeze %dma_wait3A_75 : memref<1x256xi32, #tpu.memory_space<vmem>> -> memref<256xi32, #tpu.memory_space<vmem>>
      %dma_wait3A_77 = arith.constant 0 : i32
      %dma_wait3A_78 = arith.constant 0 : i32
      %dma_wait3A_79 = tpu.memref_slice %arg2[%dma_wait3A_77, %dma_wait3A_78] : memref<10000x64xf32, #tpu.memory_space<hbm>> -> memref<10000x64xf32, #tpu.memory_space<hbm>>
      tpu.wait_indirect_dma semaphore(%arg11 : memref<!tpu.dma_semaphore, #tpu.memory_space<semaphore_mem>>) src(%dma_wait3A_79 : memref<10000x64xf32, #tpu.memory_space<hbm>>) dst(%dma_wait3A_73 : memref<256x64xf32, #tpu.memory_space<vmem>>)
      %mul3A_80 = arith.constant 2 : i32
      %mul3A_81 = arith.muli %while3A_34, %mul3A_80 : i32
      %add3A_82 = arith.constant 1 : i32
      %add3A_83 = arith.addi %mul3A_81, %add3A_82 : i32
      %rem3A_84 = arith.remsi %add3A_83, %mul3A_10 : i32
      %dma_wait3A_85 = arith.constant 1 : i32
      %dma_wait3A_86 = arith.constant 0 : i32
      %dma_wait3A_87 = arith.constant 0 : i32
      %dma_wait3A_88 = tpu.memref_slice %arg9[%dma_wait3A_85, %dma_wait3A_86, %dma_wait3A_87] : memref<2x256x64xf32, #tpu.memory_space<vmem>> -> memref<1x256x64xf32, #tpu.memory_space<vmem>>
      %dma_wait3A_89 = tpu.memref_squeeze %dma_wait3A_88 : memref<1x256x64xf32, #tpu.memory_space<vmem>> -> memref<256x64xf32, #tpu.memory_space<vmem>>
      %dma_wait3A_90 = arith.constant 0 : i32
      %dma_wait3A_91 = tpu.memref_slice %arg7[%rem3A_84, %dma_wait3A_90] : memref<80x256xi32, #tpu.memory_space<vmem>> -> memref<1x256xi32, #tpu.memory_space<vmem>>
      %dma_wait3A_92 = tpu.memref_squeeze %dma_wait3A_91 : memref<1x256xi32, #tpu.memory_space<vmem>> -> memref<256xi32, #tpu.memory_space<vmem>>
      %dma_wait3A_93 = arith.constant 0 : i32
      %dma_wait3A_94 = arith.constant 0 : i32
      %dma_wait3A_95 = tpu.memref_slice %arg2[%dma_wait3A_93, %dma_wait3A_94] : memref<10000x64xf32, #tpu.memory_space<hbm>> -> memref<10000x64xf32, #tpu.memory_space<hbm>>
      tpu.wait_indirect_dma semaphore(%arg11 : memref<!tpu.dma_semaphore, #tpu.memory_space<semaphore_mem>>) src(%dma_wait3A_95 : memref<10000x64xf32, #tpu.memory_space<hbm>>) dst(%dma_wait3A_89 : memref<256x64xf32, #tpu.memory_space<vmem>>)
      %mul3A_96 = arith.constant 2 : i32
      %mul3A_97 = arith.muli %while3A_34, %mul3A_96 : i32
      %add3A_98 = arith.constant 0 : i32
      %add3A_99 = arith.addi %mul3A_97, %add3A_98 : i32
      %run_scoped3A = arith.constant 0 : i32
      "tpu.region"() ({
        %run_scoped3A_105 = tpu.sem_alloc : memref<!tpu.dma_semaphore, #tpu.memory_space<semaphore_mem>>
        %dma_start3A_106 = arith.constant 0 : i32
        %dma_start3A_107 = arith.constant 0 : i32
        %dma_start3A_108 = tpu.memref_slice %arg9[%run_scoped3A, %dma_start3A_106, %dma_start3A_107] : memref<2x256x64xf32, #tpu.memory_space<vmem>> -> memref<1x256x64xf32, #tpu.memory_space<vmem>>
        %dma_start3A_109 = tpu.memref_squeeze %dma_start3A_108 : memref<1x256x64xf32, #tpu.memory_space<vmem>> -> memref<256x64xf32, #tpu.memory_space<vmem>>
        %dma_start3A_110 = arith.constant 0 : i32
        %dma_start3A_111 = tpu.memref_slice %arg8[%add3A_99, %dma_start3A_110] : memref<80x256xi32, #tpu.memory_space<vmem>> -> memref<1x256xi32, #tpu.memory_space<vmem>>
        %dma_start3A_112 = tpu.memref_squeeze %dma_start3A_111 : memref<1x256xi32, #tpu.memory_space<vmem>> -> memref<256xi32, #tpu.memory_space<vmem>>
        %dma_start3A_113 = arith.constant 0 : i32
        %dma_start3A_114 = arith.constant 0 : i32
        %dma_start3A_115 = tpu.memref_slice %arg10[%dma_start3A_113, %dma_start3A_114] : memref<10240x64xf32, #tpu.memory_space<vmem_shared>> -> memref<10240x64xf32, #tpu.memory_space<vmem_shared>>
        tpu.enqueue_indirect_dma source(%dma_start3A_109 : memref<256x64xf32, #tpu.memory_space<vmem>>) target(%dma_start3A_115 : memref<10240x64xf32, #tpu.memory_space<vmem_shared>>) offsets(%dma_start3A_112 : memref<256xi32, #tpu.memory_space<vmem>>) semaphore(%run_scoped3A_105 : memref<!tpu.dma_semaphore, #tpu.memory_space<semaphore_mem>>) {add = true}
        %dma_wait3A_116 = arith.constant 0 : i32
        %dma_wait3A_117 = arith.constant 0 : i32
        %dma_wait3A_118 = tpu.memref_slice %arg9[%run_scoped3A, %dma_wait3A_116, %dma_wait3A_117] : memref<2x256x64xf32, #tpu.memory_space<vmem>> -> memref<1x256x64xf32, #tpu.memory_space<vmem>>
        %dma_wait3A_119 = tpu.memref_squeeze %dma_wait3A_118 : memref<1x256x64xf32, #tpu.memory_space<vmem>> -> memref<256x64xf32, #tpu.memory_space<vmem>>
        %dma_wait3A_120 = arith.constant 0 : i32
        %dma_wait3A_121 = tpu.memref_slice %arg8[%add3A_99, %dma_wait3A_120] : memref<80x256xi32, #tpu.memory_space<vmem>> -> memref<1x256xi32, #tpu.memory_space<vmem>>
        %dma_wait3A_122 = tpu.memref_squeeze %dma_wait3A_121 : memref<1x256xi32, #tpu.memory_space<vmem>> -> memref<256xi32, #tpu.memory_space<vmem>>
        %dma_wait3A_123 = arith.constant 0 : i32
        %dma_wait3A_124 = arith.constant 0 : i32
        %dma_wait3A_125 = tpu.memref_slice %arg10[%dma_wait3A_123, %dma_wait3A_124] : memref<10240x64xf32, #tpu.memory_space<vmem_shared>> -> memref<10240x64xf32, #tpu.memory_space<vmem_shared>>
        tpu.wait_indirect_dma semaphore(%run_scoped3A_105 : memref<!tpu.dma_semaphore, #tpu.memory_space<semaphore_mem>>) src(%dma_wait3A_119 : memref<256x64xf32, #tpu.memory_space<vmem>>) dst(%dma_wait3A_125 : memref<10240x64xf32, #tpu.memory_space<vmem_shared>>)
        tpu.yield
      }) : () -> ()
      %mul3A_100 = arith.constant 2 : i32
      %mul3A_101 = arith.muli %while3A_34, %mul3A_100 : i32
      %add3A_102 = arith.constant 1 : i32
      %add3A_103 = arith.addi %mul3A_101, %add3A_102 : i32
      %run_scoped3A_104 = arith.constant 1 : i32
      "tpu.region"() ({
        %run_scoped3A_105 = tpu.sem_alloc : memref<!tpu.dma_semaphore, #tpu.memory_space<semaphore_mem>>
        %dma_start3A_106 = arith.constant 0 : i32
        %dma_start3A_107 = arith.constant 0 : i32
        %dma_start3A_108 = tpu.memref_slice %arg9[%run_scoped3A_104, %dma_start3A_106, %dma_start3A_107] : memref<2x256x64xf32, #tpu.memory_space<vmem>> -> memref<1x256x64xf32, #tpu.memory_space<vmem>>
        %dma_start3A_109 = tpu.memref_squeeze %dma_start3A_108 : memref<1x256x64xf32, #tpu.memory_space<vmem>> -> memref<256x64xf32, #tpu.memory_space<vmem>>
        %dma_start3A_110 = arith.constant 0 : i32
        %dma_start3A_111 = tpu.memref_slice %arg8[%add3A_103, %dma_start3A_110] : memref<80x256xi32, #tpu.memory_space<vmem>> -> memref<1x256xi32, #tpu.memory_space<vmem>>
        %dma_start3A_112 = tpu.memref_squeeze %dma_start3A_111 : memref<1x256xi32, #tpu.memory_space<vmem>> -> memref<256xi32, #tpu.memory_space<vmem>>
        %dma_start3A_113 = arith.constant 0 : i32
        %dma_start3A_114 = arith.constant 0 : i32
        %dma_start3A_115 = tpu.memref_slice %arg10[%dma_start3A_113, %dma_start3A_114] : memref<10240x64xf32, #tpu.memory_space<vmem_shared>> -> memref<10240x64xf32, #tpu.memory_space<vmem_shared>>
        tpu.enqueue_indirect_dma source(%dma_start3A_109 : memref<256x64xf32, #tpu.memory_space<vmem>>) target(%dma_start3A_115 : memref<10240x64xf32, #tpu.memory_space<vmem_shared>>) offsets(%dma_start3A_112 : memref<256xi32, #tpu.memory_space<vmem>>) semaphore(%run_scoped3A_105 : memref<!tpu.dma_semaphore, #tpu.memory_space<semaphore_mem>>) {add = true}
        %dma_wait3A_116 = arith.constant 0 : i32
        %dma_wait3A_117 = arith.constant 0 : i32
        %dma_wait3A_118 = tpu.memref_slice %arg9[%run_scoped3A_104, %dma_wait3A_116, %dma_wait3A_117] : memref<2x256x64xf32, #tpu.memory_space<vmem>> -> memref<1x256x64xf32, #tpu.memory_space<vmem>>
        %dma_wait3A_119 = tpu.memref_squeeze %dma_wait3A_118 : memref<1x256x64xf32, #tpu.memory_space<vmem>> -> memref<256x64xf32, #tpu.memory_space<vmem>>
        %dma_wait3A_120 = arith.constant 0 : i32
        %dma_wait3A_121 = tpu.memref_slice %arg8[%add3A_103, %dma_wait3A_120] : memref<80x256xi32, #tpu.memory_space<vmem>> -> memref<1x256xi32, #tpu.memory_space<vmem>>
        %dma_wait3A_122 = tpu.memref_squeeze %dma_wait3A_121 : memref<1x256xi32, #tpu.memory_space<vmem>> -> memref<256xi32, #tpu.memory_space<vmem>>
        %dma_wait3A_123 = arith.constant 0 : i32
        %dma_wait3A_124 = arith.constant 0 : i32
        %dma_wait3A_125 = tpu.memref_slice %arg10[%dma_wait3A_123, %dma_wait3A_124] : memref<10240x64xf32, #tpu.memory_space<vmem_shared>> -> memref<10240x64xf32, #tpu.memory_space<vmem_shared>>
        tpu.wait_indirect_dma semaphore(%run_scoped3A_105 : memref<!tpu.dma_semaphore, #tpu.memory_space<semaphore_mem>>) src(%dma_wait3A_119 : memref<256x64xf32, #tpu.memory_space<vmem>>) dst(%dma_wait3A_125 : memref<10240x64xf32, #tpu.memory_space<vmem_shared>>)
        tpu.yield
      }) : () -> ()
    }
    %barrier3A_26 = arith.constant 0 : index
    tpu.barrier barrier_id(%barrier3A_26)
    %mul3A_27 = arith.constant 640 : i32
    %mul3A_28 = arith.muli %arg1, %mul3A_27 : i32
    %mul3A_29 = arith.constant 10240 : i32
    %mul3A_30 = arith.muli %arg0, %mul3A_29 : i32
    %mul3A_31 = arith.constant 640 : i32
    %mul3A_32 = arith.muli %arg1, %mul3A_31 : i32
    %add3A_33 = arith.addi %mul3A_30, %mul3A_32 : i32
    "tpu.region"() ({
      %run_scoped3A = tpu.sem_alloc : memref<!tpu.dma_semaphore, #tpu.memory_space<semaphore_mem>>
      %dma_start3A = arith.constant 0 : i32
      %dma_start3A_34 = tpu.memref_slice %arg6[%add3A_33, %dma_start3A] : memref<20480x64xf32, #tpu.memory_space<hbm>> -> memref<640x64xf32, #tpu.memory_space<hbm>>
      %dma_start3A_35 = arith.constant 0 : i32
      %dma_start3A_36 = tpu.memref_slice %arg10[%mul3A_28, %dma_start3A_35] : memref<10240x64xf32, #tpu.memory_space<vmem_shared>> -> memref<640x64xf32, #tpu.memory_space<vmem_shared>>
      tpu.enqueue_dma source(%dma_start3A_36 : memref<640x64xf32, #tpu.memory_space<vmem_shared>>) target(%dma_start3A_34 : memref<640x64xf32, #tpu.memory_space<hbm>>) target_semaphore(%run_scoped3A : memref<!tpu.dma_semaphore, #tpu.memory_space<semaphore_mem>>)
      %dma_wait3A = arith.constant 0 : i32
      %dma_wait3A_37 = tpu.memref_slice %arg6[%add3A_33, %dma_wait3A] : memref<20480x64xf32, #tpu.memory_space<hbm>> -> memref<640x64xf32, #tpu.memory_space<hbm>>
      %dma_wait3A_38 = arith.constant 0 : i32
      %dma_wait3A_39 = tpu.memref_slice %arg10[%mul3A_28, %dma_wait3A_38] : memref<10240x64xf32, #tpu.memory_space<vmem_shared>> -> memref<640x64xf32, #tpu.memory_space<vmem_shared>>
      tpu.wait_dma2 semaphore(%run_scoped3A : memref<!tpu.dma_semaphore, #tpu.memory_space<semaphore_mem>>) src(%dma_wait3A_39 : memref<640x64xf32, #tpu.memory_space<vmem_shared>>) dst(%dma_wait3A_37 : memref<640x64xf32, #tpu.memory_space<hbm>>)
      tpu.yield
    }) : () -> ()
    return
  }
}

#map = affine_map<(d0, d1) -> (0, 0)>
module attributes {stable_mosaic.version = 14 : i64} {
  func.func @_sc_deg_body(%arg0: i32, %arg1: i32, %arg2: memref<1280x256xi32, #tpu.memory_space<hbm>>, %arg3: memref<10240x16xf32, #tpu.memory_space<hbm>>, %arg4: memref<256x16xf32, #tpu.memory_space<hbm>>, %arg5: memref<20480x16xf32, #tpu.memory_space<hbm>>, %arg6: memref<40x256xi32, #tpu.memory_space<vmem>>, %arg7: memref<256x16xf32, #tpu.memory_space<vmem>>, %arg8: memref<10240x16xf32, #tpu.memory_space<vmem_shared>>) attributes {dimension_semantics = [#tpu.dimension_semantics<core_parallel>, #tpu.dimension_semantics<subcore_parallel>], iteration_bounds = array<i64: 2, 16>, scalar_prefetch = 0 : i64, scratch_operands = 3 : i64, tpu.core_type = #tpu.core_type<sc_vector_subcore>, window_params = [{transform_indices = #map}, {transform_indices = #map}, {transform_indices = #map}, {transform_indices = #map}]} {
    %mul3A = arith.constant 16 : i32
    %mul3A_0 = arith.muli %arg0, %mul3A : i32
    %add3A = arith.addi %mul3A_0, %arg1 : i32
    %mul3A_1 = arith.constant 640 : i32
    %mul3A_2 = arith.muli %arg1, %mul3A_1 : i32
    %mul3A_3 = arith.constant 640 : i32
    %mul3A_4 = arith.muli %arg1, %mul3A_3 : i32
    "tpu.region"() ({
      %run_scoped3A = tpu.sem_alloc : memref<!tpu.dma_semaphore, #tpu.memory_space<semaphore_mem>>
      %dma_start3A = arith.constant 0 : i32
      %dma_start3A_20 = tpu.memref_slice %arg8[%mul3A_4, %dma_start3A] : memref<10240x16xf32, #tpu.memory_space<vmem_shared>> -> memref<640x16xf32, #tpu.memory_space<vmem_shared>>
      %dma_start3A_21 = arith.constant 0 : i32
      %dma_start3A_22 = tpu.memref_slice %arg3[%mul3A_2, %dma_start3A_21] : memref<10240x16xf32, #tpu.memory_space<hbm>> -> memref<640x16xf32, #tpu.memory_space<hbm>>
      tpu.enqueue_dma source(%dma_start3A_22 : memref<640x16xf32, #tpu.memory_space<hbm>>) target(%dma_start3A_20 : memref<640x16xf32, #tpu.memory_space<vmem_shared>>) target_semaphore(%run_scoped3A : memref<!tpu.dma_semaphore, #tpu.memory_space<semaphore_mem>>)
      %dma_wait3A = arith.constant 0 : i32
      %dma_wait3A_23 = tpu.memref_slice %arg8[%mul3A_4, %dma_wait3A] : memref<10240x16xf32, #tpu.memory_space<vmem_shared>> -> memref<640x16xf32, #tpu.memory_space<vmem_shared>>
      %dma_wait3A_24 = arith.constant 0 : i32
      %dma_wait3A_25 = tpu.memref_slice %arg3[%mul3A_2, %dma_wait3A_24] : memref<10240x16xf32, #tpu.memory_space<hbm>> -> memref<640x16xf32, #tpu.memory_space<hbm>>
      tpu.wait_dma2 semaphore(%run_scoped3A : memref<!tpu.dma_semaphore, #tpu.memory_space<semaphore_mem>>) src(%dma_wait3A_25 : memref<640x16xf32, #tpu.memory_space<hbm>>) dst(%dma_wait3A_23 : memref<640x16xf32, #tpu.memory_space<vmem_shared>>)
      tpu.yield
    }) : () -> ()
    %mul3A_5 = arith.constant 40 : i32
    %mul3A_6 = arith.muli %add3A, %mul3A_5 : i32
    "tpu.region"() ({
      %run_scoped3A = tpu.sem_alloc : memref<!tpu.dma_semaphore, #tpu.memory_space<semaphore_mem>>
      %dma_start3A = arith.constant 0 : i32
      %dma_start3A_20 = tpu.memref_slice %arg2[%mul3A_6, %dma_start3A] : memref<1280x256xi32, #tpu.memory_space<hbm>> -> memref<40x256xi32, #tpu.memory_space<hbm>>
      %dma_start3A_21 = arith.constant 0 : i32
      %dma_start3A_22 = tpu.memref_slice %arg2[%mul3A_6, %dma_start3A_21] : memref<1280x256xi32, #tpu.memory_space<hbm>> -> memref<40x256xi32, #tpu.memory_space<hbm>>
      tpu.enqueue_dma source(%dma_start3A_22 : memref<40x256xi32, #tpu.memory_space<hbm>>) target(%arg6 : memref<40x256xi32, #tpu.memory_space<vmem>>) target_semaphore(%run_scoped3A : memref<!tpu.dma_semaphore, #tpu.memory_space<semaphore_mem>>)
      %dma_wait3A = arith.constant 0 : i32
      %dma_wait3A_23 = tpu.memref_slice %arg2[%mul3A_6, %dma_wait3A] : memref<1280x256xi32, #tpu.memory_space<hbm>> -> memref<40x256xi32, #tpu.memory_space<hbm>>
      %dma_wait3A_24 = arith.constant 0 : i32
      %dma_wait3A_25 = tpu.memref_slice %arg2[%mul3A_6, %dma_wait3A_24] : memref<1280x256xi32, #tpu.memory_space<hbm>> -> memref<40x256xi32, #tpu.memory_space<hbm>>
      tpu.wait_dma2 semaphore(%run_scoped3A : memref<!tpu.dma_semaphore, #tpu.memory_space<semaphore_mem>>) src(%dma_wait3A_25 : memref<40x256xi32, #tpu.memory_space<hbm>>) dst(%arg6 : memref<40x256xi32, #tpu.memory_space<vmem>>)
      tpu.yield
    }) : () -> ()
    "tpu.region"() ({
      %run_scoped3A = tpu.sem_alloc : memref<!tpu.dma_semaphore, #tpu.memory_space<semaphore_mem>>
      tpu.enqueue_dma source(%arg4 : memref<256x16xf32, #tpu.memory_space<hbm>>) target(%arg7 : memref<256x16xf32, #tpu.memory_space<vmem>>) target_semaphore(%run_scoped3A : memref<!tpu.dma_semaphore, #tpu.memory_space<semaphore_mem>>)
      tpu.wait_dma2 semaphore(%run_scoped3A : memref<!tpu.dma_semaphore, #tpu.memory_space<semaphore_mem>>) src(%arg4 : memref<256x16xf32, #tpu.memory_space<hbm>>) dst(%arg7 : memref<256x16xf32, #tpu.memory_space<vmem>>)
      tpu.yield
    }) : () -> ()
    %barrier3A = arith.constant 0 : index
    tpu.barrier barrier_id(%barrier3A)
    %scan3A = arith.constant 0 : i32
    %scan3A_7 = arith.constant 0 : i32
    %scan3A_8 = arith.constant 40 : i32
    %scan3A_9 = arith.addi %scan3A_7, %scan3A_8 : i32
    %scan3A_10 = arith.constant 1 : i32
    scf.for %scan3A_20 = %scan3A_7 to %scan3A_9 step %scan3A_10  : i32 {
      "tpu.region"() ({
        %run_scoped3A = tpu.sem_alloc : memref<!tpu.dma_semaphore, #tpu.memory_space<semaphore_mem>>
        %dma_start3A = arith.constant 0 : i32
        %dma_start3A_21 = tpu.memref_slice %arg6[%scan3A_20, %dma_start3A] : memref<40x256xi32, #tpu.memory_space<vmem>> -> memref<1x256xi32, #tpu.memory_space<vmem>>
        %dma_start3A_22 = tpu.memref_squeeze %dma_start3A_21 : memref<1x256xi32, #tpu.memory_space<vmem>> -> memref<256xi32, #tpu.memory_space<vmem>>
        %dma_start3A_23 = arith.constant 0 : i32
        %dma_start3A_24 = arith.constant 0 : i32
        %dma_start3A_25 = tpu.memref_slice %arg8[%dma_start3A_23, %dma_start3A_24] : memref<10240x16xf32, #tpu.memory_space<vmem_shared>> -> memref<10240x16xf32, #tpu.memory_space<vmem_shared>>
        tpu.enqueue_indirect_dma source(%arg7 : memref<256x16xf32, #tpu.memory_space<vmem>>) target(%dma_start3A_25 : memref<10240x16xf32, #tpu.memory_space<vmem_shared>>) offsets(%dma_start3A_22 : memref<256xi32, #tpu.memory_space<vmem>>) semaphore(%run_scoped3A : memref<!tpu.dma_semaphore, #tpu.memory_space<semaphore_mem>>) {add = true}
        %dma_wait3A = arith.constant 0 : i32
        %dma_wait3A_26 = tpu.memref_slice %arg6[%scan3A_20, %dma_wait3A] : memref<40x256xi32, #tpu.memory_space<vmem>> -> memref<1x256xi32, #tpu.memory_space<vmem>>
        %dma_wait3A_27 = tpu.memref_squeeze %dma_wait3A_26 : memref<1x256xi32, #tpu.memory_space<vmem>> -> memref<256xi32, #tpu.memory_space<vmem>>
        %dma_wait3A_28 = arith.constant 0 : i32
        %dma_wait3A_29 = arith.constant 0 : i32
        %dma_wait3A_30 = tpu.memref_slice %arg8[%dma_wait3A_28, %dma_wait3A_29] : memref<10240x16xf32, #tpu.memory_space<vmem_shared>> -> memref<10240x16xf32, #tpu.memory_space<vmem_shared>>
        tpu.wait_indirect_dma semaphore(%run_scoped3A : memref<!tpu.dma_semaphore, #tpu.memory_space<semaphore_mem>>) src(%arg7 : memref<256x16xf32, #tpu.memory_space<vmem>>) dst(%dma_wait3A_30 : memref<10240x16xf32, #tpu.memory_space<vmem_shared>>)
        tpu.yield
      }) : () -> ()
    }
    %scan3A_11 = arith.constant 40 : i32
    %barrier3A_12 = arith.constant 0 : index
    tpu.barrier barrier_id(%barrier3A_12)
    %mul3A_13 = arith.constant 640 : i32
    %mul3A_14 = arith.muli %arg1, %mul3A_13 : i32
    %mul3A_15 = arith.constant 10240 : i32
    %mul3A_16 = arith.muli %arg0, %mul3A_15 : i32
    %mul3A_17 = arith.constant 640 : i32
    %mul3A_18 = arith.muli %arg1, %mul3A_17 : i32
    %add3A_19 = arith.addi %mul3A_16, %mul3A_18 : i32
    "tpu.region"() ({
      %run_scoped3A = tpu.sem_alloc : memref<!tpu.dma_semaphore, #tpu.memory_space<semaphore_mem>>
      %dma_start3A = arith.constant 0 : i32
      %dma_start3A_20 = tpu.memref_slice %arg5[%add3A_19, %dma_start3A] : memref<20480x16xf32, #tpu.memory_space<hbm>> -> memref<640x16xf32, #tpu.memory_space<hbm>>
      %dma_start3A_21 = arith.constant 0 : i32
      %dma_start3A_22 = tpu.memref_slice %arg8[%mul3A_14, %dma_start3A_21] : memref<10240x16xf32, #tpu.memory_space<vmem_shared>> -> memref<640x16xf32, #tpu.memory_space<vmem_shared>>
      tpu.enqueue_dma source(%dma_start3A_22 : memref<640x16xf32, #tpu.memory_space<vmem_shared>>) target(%dma_start3A_20 : memref<640x16xf32, #tpu.memory_space<hbm>>) target_semaphore(%run_scoped3A : memref<!tpu.dma_semaphore, #tpu.memory_space<semaphore_mem>>)
      %dma_wait3A = arith.constant 0 : i32
      %dma_wait3A_23 = tpu.memref_slice %arg5[%add3A_19, %dma_wait3A] : memref<20480x16xf32, #tpu.memory_space<hbm>> -> memref<640x16xf32, #tpu.memory_space<hbm>>
      %dma_wait3A_24 = arith.constant 0 : i32
      %dma_wait3A_25 = tpu.memref_slice %arg8[%mul3A_14, %dma_wait3A_24] : memref<10240x16xf32, #tpu.memory_space<vmem_shared>> -> memref<640x16xf32, #tpu.memory_space<vmem_shared>>
      tpu.wait_dma2 semaphore(%run_scoped3A : memref<!tpu.dma_semaphore, #tpu.memory_space<semaphore_mem>>) src(%dma_wait3A_25 : memref<640x16xf32, #tpu.memory_space<vmem_shared>>) dst(%dma_wait3A_23 : memref<640x16xf32, #tpu.memory_space<hbm>>)
      tpu.yield
    }) : () -> ()
    return
  }
}

#map = affine_map<(d0, d1) -> (0, 0)>
module attributes {stable_mosaic.version = 14 : i64} {
  func.func @_sc_seg_body(%arg0: i32, %arg1: i32, %arg2: memref<10000x64xf32, #tpu.memory_space<hbm>>, %arg3: memref<1280x256xi32, #tpu.memory_space<hbm>>, %arg4: memref<1280x256xi32, #tpu.memory_space<hbm>>, %arg5: memref<10240x64xf32, #tpu.memory_space<hbm>>, %arg6: memref<20480x64xf32, #tpu.memory_space<hbm>>, %arg7: memref<80x256xi32, #tpu.memory_space<vmem>>, %arg8: memref<80x256xi32, #tpu.memory_space<vmem>>, %arg9: memref<2x256x64xf32, #tpu.memory_space<vmem>>, %arg10: memref<10240x64xf32, #tpu.memory_space<vmem_shared>>, %arg11: memref<!tpu.dma_semaphore, #tpu.memory_space<semaphore_mem>>) attributes {dimension_semantics = [#tpu.dimension_semantics<core_parallel>, #tpu.dimension_semantics<subcore_parallel>], iteration_bounds = array<i64: 2, 16>, scalar_prefetch = 0 : i64, scratch_operands = 5 : i64, tpu.core_type = #tpu.core_type<sc_vector_subcore>, window_params = [{transform_indices = #map}, {transform_indices = #map}, {transform_indices = #map}, {transform_indices = #map}, {transform_indices = #map}]} {
    %eq3A = arith.constant 0 : i32
    %eq3A_0 = arith.cmpi eq, %arg0, %eq3A : i32
    %jit3A = arith.constant 20 : i32
    %jit3A_1 = arith.constant 0 : i32
    %select_n3A = arith.select %eq3A_0, %jit3A, %jit3A_1 : i32
    %eq3A_2 = arith.constant 0 : i32
    %eq3A_3 = arith.cmpi eq, %arg0, %eq3A_2 : i32
    %mul3A = arith.constant 80 : i32
    %mul3A_4 = arith.muli %arg1, %mul3A : i32
    %mul3A_5 = arith.constant 0 : i32
    %mul3A_6 = arith.muli %arg1, %mul3A_5 : i32
    %add3A = arith.constant 1280 : i32
    %add3A_7 = arith.addi %add3A, %mul3A_6 : i32
    %select_n3A_8 = arith.select %eq3A_3, %mul3A_4, %add3A_7 : i32
    %mul3A_9 = arith.constant 4 : i32
    %mul3A_10 = arith.muli %mul3A_9, %select_n3A : i32
    %mul3A_11 = arith.constant 640 : i32
    %mul3A_12 = arith.muli %arg1, %mul3A_11 : i32
    %mul3A_13 = arith.constant 640 : i32
    %mul3A_14 = arith.muli %arg1, %mul3A_13 : i32
    "tpu.region"() ({
      %run_scoped3A = tpu.sem_alloc : memref<!tpu.dma_semaphore, #tpu.memory_space<semaphore_mem>>
      %dma_start3A = arith.constant 0 : i32
      %dma_start3A_34 = tpu.memref_slice %arg10[%mul3A_14, %dma_start3A] : memref<10240x64xf32, #tpu.memory_space<vmem_shared>> -> memref<640x64xf32, #tpu.memory_space<vmem_shared>>
      %dma_start3A_35 = arith.constant 0 : i32
      %dma_start3A_36 = tpu.memref_slice %arg5[%mul3A_12, %dma_start3A_35] : memref<10240x64xf32, #tpu.memory_space<hbm>> -> memref<640x64xf32, #tpu.memory_space<hbm>>
      tpu.enqueue_dma source(%dma_start3A_36 : memref<640x64xf32, #tpu.memory_space<hbm>>) target(%dma_start3A_34 : memref<640x64xf32, #tpu.memory_space<vmem_shared>>) target_semaphore(%run_scoped3A : memref<!tpu.dma_semaphore, #tpu.memory_space<semaphore_mem>>)
      %dma_wait3A = arith.constant 0 : i32
      %dma_wait3A_37 = tpu.memref_slice %arg10[%mul3A_14, %dma_wait3A] : memref<10240x64xf32, #tpu.memory_space<vmem_shared>> -> memref<640x64xf32, #tpu.memory_space<vmem_shared>>
      %dma_wait3A_38 = arith.constant 0 : i32
      %dma_wait3A_39 = tpu.memref_slice %arg5[%mul3A_12, %dma_wait3A_38] : memref<10240x64xf32, #tpu.memory_space<hbm>> -> memref<640x64xf32, #tpu.memory_space<hbm>>
      tpu.wait_dma2 semaphore(%run_scoped3A : memref<!tpu.dma_semaphore, #tpu.memory_space<semaphore_mem>>) src(%dma_wait3A_39 : memref<640x64xf32, #tpu.memory_space<hbm>>) dst(%dma_wait3A_37 : memref<640x64xf32, #tpu.memory_space<vmem_shared>>)
      tpu.yield
    }) : () -> ()
    "tpu.region"() ({
      %run_scoped3A = tpu.sem_alloc : memref<!tpu.dma_semaphore, #tpu.memory_space<semaphore_mem>>
      %dma_start3A = arith.constant 0 : i32
      %dma_start3A_34 = tpu.memref_slice %arg3[%select_n3A_8, %dma_start3A] : memref<1280x256xi32, #tpu.memory_space<hbm>> -> memref<80x256xi32, #tpu.memory_space<hbm>>
      %dma_start3A_35 = arith.constant 0 : i32
      %dma_start3A_36 = tpu.memref_slice %arg3[%select_n3A_8, %dma_start3A_35] : memref<1280x256xi32, #tpu.memory_space<hbm>> -> memref<80x256xi32, #tpu.memory_space<hbm>>
      tpu.enqueue_dma source(%dma_start3A_36 : memref<80x256xi32, #tpu.memory_space<hbm>>) target(%arg7 : memref<80x256xi32, #tpu.memory_space<vmem>>) target_semaphore(%run_scoped3A : memref<!tpu.dma_semaphore, #tpu.memory_space<semaphore_mem>>)
      %dma_wait3A = arith.constant 0 : i32
      %dma_wait3A_37 = tpu.memref_slice %arg3[%select_n3A_8, %dma_wait3A] : memref<1280x256xi32, #tpu.memory_space<hbm>> -> memref<80x256xi32, #tpu.memory_space<hbm>>
      %dma_wait3A_38 = arith.constant 0 : i32
      %dma_wait3A_39 = tpu.memref_slice %arg3[%select_n3A_8, %dma_wait3A_38] : memref<1280x256xi32, #tpu.memory_space<hbm>> -> memref<80x256xi32, #tpu.memory_space<hbm>>
      tpu.wait_dma2 semaphore(%run_scoped3A : memref<!tpu.dma_semaphore, #tpu.memory_space<semaphore_mem>>) src(%dma_wait3A_39 : memref<80x256xi32, #tpu.memory_space<hbm>>) dst(%arg7 : memref<80x256xi32, #tpu.memory_space<vmem>>)
      tpu.yield
    }) : () -> ()
    "tpu.region"() ({
      %run_scoped3A = tpu.sem_alloc : memref<!tpu.dma_semaphore, #tpu.memory_space<semaphore_mem>>
      %dma_start3A = arith.constant 0 : i32
      %dma_start3A_34 = tpu.memref_slice %arg4[%select_n3A_8, %dma_start3A] : memref<1280x256xi32, #tpu.memory_space<hbm>> -> memref<80x256xi32, #tpu.memory_space<hbm>>
      %dma_start3A_35 = arith.constant 0 : i32
      %dma_start3A_36 = tpu.memref_slice %arg4[%select_n3A_8, %dma_start3A_35] : memref<1280x256xi32, #tpu.memory_space<hbm>> -> memref<80x256xi32, #tpu.memory_space<hbm>>
      tpu.enqueue_dma source(%dma_start3A_36 : memref<80x256xi32, #tpu.memory_space<hbm>>) target(%arg8 : memref<80x256xi32, #tpu.memory_space<vmem>>) target_semaphore(%run_scoped3A : memref<!tpu.dma_semaphore, #tpu.memory_space<semaphore_mem>>)
      %dma_wait3A = arith.constant 0 : i32
      %dma_wait3A_37 = tpu.memref_slice %arg4[%select_n3A_8, %dma_wait3A] : memref<1280x256xi32, #tpu.memory_space<hbm>> -> memref<80x256xi32, #tpu.memory_space<hbm>>
      %dma_wait3A_38 = arith.constant 0 : i32
      %dma_wait3A_39 = tpu.memref_slice %arg4[%select_n3A_8, %dma_wait3A_38] : memref<1280x256xi32, #tpu.memory_space<hbm>> -> memref<80x256xi32, #tpu.memory_space<hbm>>
      tpu.wait_dma2 semaphore(%run_scoped3A : memref<!tpu.dma_semaphore, #tpu.memory_space<semaphore_mem>>) src(%dma_wait3A_39 : memref<80x256xi32, #tpu.memory_space<hbm>>) dst(%arg8 : memref<80x256xi32, #tpu.memory_space<vmem>>)
      tpu.yield
    }) : () -> ()
    %barrier3A = arith.constant 0 : index
    tpu.barrier barrier_id(%barrier3A)
    %mul3A_15 = arith.constant 2 : i32
    %mul3A_16 = arith.muli %mul3A_15, %select_n3A : i32
    %while3A = arith.constant 0 : i32
    %while3A_17 = arith.constant 0 : i32
    %while3A_18 = arith.subi %mul3A_16, %while3A_17 : i32
    %while3A_19 = arith.addi %while3A_17, %while3A_18 : i32
    %while3A_20 = arith.constant 1 : i32
    %while3A_21 = arith.divsi %while3A_18, %while3A_20 : i32
    %while3A_22 = arith.muli %while3A_21, %while3A_20 : i32
    %while3A_23 = arith.addi %while3A_17, %while3A_22 : i32
    %while3A_24 = arith.constant 1 : i32
    scf.for %while3A_34 = %while3A_17 to %while3A_23 step %while3A_24  : i32 {
      %mul3A_35 = arith.constant 2 : i32
      %mul3A_36 = arith.muli %while3A_34, %mul3A_35 : i32
      %add3A_37 = arith.constant 0 : i32
      %add3A_38 = arith.addi %mul3A_36, %add3A_37 : i32
      %rem3A = arith.remsi %add3A_38, %mul3A_10 : i32
      %dma_start3A = arith.constant 0 : i32
      %dma_start3A_39 = arith.constant 0 : i32
      %dma_start3A_40 = arith.constant 0 : i32
      %dma_start3A_41 = tpu.memref_slice %arg9[%dma_start3A, %dma_start3A_39, %dma_start3A_40] : memref<2x256x64xf32, #tpu.memory_space<vmem>> -> memref<1x256x64xf32, #tpu.memory_space<vmem>>
      %dma_start3A_42 = tpu.memref_squeeze %dma_start3A_41 : memref<1x256x64xf32, #tpu.memory_space<vmem>> -> memref<256x64xf32, #tpu.memory_space<vmem>>
      %dma_start3A_43 = arith.constant 0 : i32
      %dma_start3A_44 = tpu.memref_slice %arg7[%rem3A, %dma_start3A_43] : memref<80x256xi32, #tpu.memory_space<vmem>> -> memref<1x256xi32, #tpu.memory_space<vmem>>
      %dma_start3A_45 = tpu.memref_squeeze %dma_start3A_44 : memref<1x256xi32, #tpu.memory_space<vmem>> -> memref<256xi32, #tpu.memory_space<vmem>>
      %dma_start3A_46 = arith.constant 0 : i32
      %dma_start3A_47 = arith.constant 0 : i32
      %dma_start3A_48 = tpu.memref_slice %arg2[%dma_start3A_46, %dma_start3A_47] : memref<10000x64xf32, #tpu.memory_space<hbm>> -> memref<10000x64xf32, #tpu.memory_space<hbm>>
      tpu.enqueue_indirect_dma source(%dma_start3A_48 : memref<10000x64xf32, #tpu.memory_space<hbm>>) target(%dma_start3A_42 : memref<256x64xf32, #tpu.memory_space<vmem>>) offsets(%dma_start3A_45 : memref<256xi32, #tpu.memory_space<vmem>>) semaphore(%arg11 : memref<!tpu.dma_semaphore, #tpu.memory_space<semaphore_mem>>)
      %mul3A_49 = arith.constant 2 : i32
      %mul3A_50 = arith.muli %while3A_34, %mul3A_49 : i32
      %add3A_51 = arith.constant 1 : i32
      %add3A_52 = arith.addi %mul3A_50, %add3A_51 : i32
      %rem3A_53 = arith.remsi %add3A_52, %mul3A_10 : i32
      %dma_start3A_54 = arith.constant 1 : i32
      %dma_start3A_55 = arith.constant 0 : i32
      %dma_start3A_56 = arith.constant 0 : i32
      %dma_start3A_57 = tpu.memref_slice %arg9[%dma_start3A_54, %dma_start3A_55, %dma_start3A_56] : memref<2x256x64xf32, #tpu.memory_space<vmem>> -> memref<1x256x64xf32, #tpu.memory_space<vmem>>
      %dma_start3A_58 = tpu.memref_squeeze %dma_start3A_57 : memref<1x256x64xf32, #tpu.memory_space<vmem>> -> memref<256x64xf32, #tpu.memory_space<vmem>>
      %dma_start3A_59 = arith.constant 0 : i32
      %dma_start3A_60 = tpu.memref_slice %arg7[%rem3A_53, %dma_start3A_59] : memref<80x256xi32, #tpu.memory_space<vmem>> -> memref<1x256xi32, #tpu.memory_space<vmem>>
      %dma_start3A_61 = tpu.memref_squeeze %dma_start3A_60 : memref<1x256xi32, #tpu.memory_space<vmem>> -> memref<256xi32, #tpu.memory_space<vmem>>
      %dma_start3A_62 = arith.constant 0 : i32
      %dma_start3A_63 = arith.constant 0 : i32
      %dma_start3A_64 = tpu.memref_slice %arg2[%dma_start3A_62, %dma_start3A_63] : memref<10000x64xf32, #tpu.memory_space<hbm>> -> memref<10000x64xf32, #tpu.memory_space<hbm>>
      tpu.enqueue_indirect_dma source(%dma_start3A_64 : memref<10000x64xf32, #tpu.memory_space<hbm>>) target(%dma_start3A_58 : memref<256x64xf32, #tpu.memory_space<vmem>>) offsets(%dma_start3A_61 : memref<256xi32, #tpu.memory_space<vmem>>) semaphore(%arg11 : memref<!tpu.dma_semaphore, #tpu.memory_space<semaphore_mem>>)
      %mul3A_65 = arith.constant 2 : i32
      %mul3A_66 = arith.muli %while3A_34, %mul3A_65 : i32
      %add3A_67 = arith.constant 0 : i32
      %add3A_68 = arith.addi %mul3A_66, %add3A_67 : i32
      %rem3A_69 = arith.remsi %add3A_68, %mul3A_10 : i32
      %dma_wait3A = arith.constant 0 : i32
      %dma_wait3A_70 = arith.constant 0 : i32
      %dma_wait3A_71 = arith.constant 0 : i32
      %dma_wait3A_72 = tpu.memref_slice %arg9[%dma_wait3A, %dma_wait3A_70, %dma_wait3A_71] : memref<2x256x64xf32, #tpu.memory_space<vmem>> -> memref<1x256x64xf32, #tpu.memory_space<vmem>>
      %dma_wait3A_73 = tpu.memref_squeeze %dma_wait3A_72 : memref<1x256x64xf32, #tpu.memory_space<vmem>> -> memref<256x64xf32, #tpu.memory_space<vmem>>
      %dma_wait3A_74 = arith.constant 0 : i32
      %dma_wait3A_75 = tpu.memref_slice %arg7[%rem3A_69, %dma_wait3A_74] : memref<80x256xi32, #tpu.memory_space<vmem>> -> memref<1x256xi32, #tpu.memory_space<vmem>>
      %dma_wait3A_76 = tpu.memref_squeeze %dma_wait3A_75 : memref<1x256xi32, #tpu.memory_space<vmem>> -> memref<256xi32, #tpu.memory_space<vmem>>
      %dma_wait3A_77 = arith.constant 0 : i32
      %dma_wait3A_78 = arith.constant 0 : i32
      %dma_wait3A_79 = tpu.memref_slice %arg2[%dma_wait3A_77, %dma_wait3A_78] : memref<10000x64xf32, #tpu.memory_space<hbm>> -> memref<10000x64xf32, #tpu.memory_space<hbm>>
      tpu.wait_indirect_dma semaphore(%arg11 : memref<!tpu.dma_semaphore, #tpu.memory_space<semaphore_mem>>) src(%dma_wait3A_79 : memref<10000x64xf32, #tpu.memory_space<hbm>>) dst(%dma_wait3A_73 : memref<256x64xf32, #tpu.memory_space<vmem>>)
      %mul3A_80 = arith.constant 2 : i32
      %mul3A_81 = arith.muli %while3A_34, %mul3A_80 : i32
      %add3A_82 = arith.constant 1 : i32
      %add3A_83 = arith.addi %mul3A_81, %add3A_82 : i32
      %rem3A_84 = arith.remsi %add3A_83, %mul3A_10 : i32
      %dma_wait3A_85 = arith.constant 1 : i32
      %dma_wait3A_86 = arith.constant 0 : i32
      %dma_wait3A_87 = arith.constant 0 : i32
      %dma_wait3A_88 = tpu.memref_slice %arg9[%dma_wait3A_85, %dma_wait3A_86, %dma_wait3A_87] : memref<2x256x64xf32, #tpu.memory_space<vmem>> -> memref<1x256x64xf32, #tpu.memory_space<vmem>>
      %dma_wait3A_89 = tpu.memref_squeeze %dma_wait3A_88 : memref<1x256x64xf32, #tpu.memory_space<vmem>> -> memref<256x64xf32, #tpu.memory_space<vmem>>
      %dma_wait3A_90 = arith.constant 0 : i32
      %dma_wait3A_91 = tpu.memref_slice %arg7[%rem3A_84, %dma_wait3A_90] : memref<80x256xi32, #tpu.memory_space<vmem>> -> memref<1x256xi32, #tpu.memory_space<vmem>>
      %dma_wait3A_92 = tpu.memref_squeeze %dma_wait3A_91 : memref<1x256xi32, #tpu.memory_space<vmem>> -> memref<256xi32, #tpu.memory_space<vmem>>
      %dma_wait3A_93 = arith.constant 0 : i32
      %dma_wait3A_94 = arith.constant 0 : i32
      %dma_wait3A_95 = tpu.memref_slice %arg2[%dma_wait3A_93, %dma_wait3A_94] : memref<10000x64xf32, #tpu.memory_space<hbm>> -> memref<10000x64xf32, #tpu.memory_space<hbm>>
      tpu.wait_indirect_dma semaphore(%arg11 : memref<!tpu.dma_semaphore, #tpu.memory_space<semaphore_mem>>) src(%dma_wait3A_95 : memref<10000x64xf32, #tpu.memory_space<hbm>>) dst(%dma_wait3A_89 : memref<256x64xf32, #tpu.memory_space<vmem>>)
      %mul3A_96 = arith.constant 2 : i32
      %mul3A_97 = arith.muli %while3A_34, %mul3A_96 : i32
      %add3A_98 = arith.constant 0 : i32
      %add3A_99 = arith.addi %mul3A_97, %add3A_98 : i32
      %run_scoped3A = arith.constant 0 : i32
      "tpu.region"() ({
        %run_scoped3A_105 = tpu.sem_alloc : memref<!tpu.dma_semaphore, #tpu.memory_space<semaphore_mem>>
        %dma_start3A_106 = arith.constant 0 : i32
        %dma_start3A_107 = arith.constant 0 : i32
        %dma_start3A_108 = tpu.memref_slice %arg9[%run_scoped3A, %dma_start3A_106, %dma_start3A_107] : memref<2x256x64xf32, #tpu.memory_space<vmem>> -> memref<1x256x64xf32, #tpu.memory_space<vmem>>
        %dma_start3A_109 = tpu.memref_squeeze %dma_start3A_108 : memref<1x256x64xf32, #tpu.memory_space<vmem>> -> memref<256x64xf32, #tpu.memory_space<vmem>>
        %dma_start3A_110 = arith.constant 0 : i32
        %dma_start3A_111 = tpu.memref_slice %arg8[%add3A_99, %dma_start3A_110] : memref<80x256xi32, #tpu.memory_space<vmem>> -> memref<1x256xi32, #tpu.memory_space<vmem>>
        %dma_start3A_112 = tpu.memref_squeeze %dma_start3A_111 : memref<1x256xi32, #tpu.memory_space<vmem>> -> memref<256xi32, #tpu.memory_space<vmem>>
        %dma_start3A_113 = arith.constant 0 : i32
        %dma_start3A_114 = arith.constant 0 : i32
        %dma_start3A_115 = tpu.memref_slice %arg10[%dma_start3A_113, %dma_start3A_114] : memref<10240x64xf32, #tpu.memory_space<vmem_shared>> -> memref<10240x64xf32, #tpu.memory_space<vmem_shared>>
        tpu.enqueue_indirect_dma source(%dma_start3A_109 : memref<256x64xf32, #tpu.memory_space<vmem>>) target(%dma_start3A_115 : memref<10240x64xf32, #tpu.memory_space<vmem_shared>>) offsets(%dma_start3A_112 : memref<256xi32, #tpu.memory_space<vmem>>) semaphore(%run_scoped3A_105 : memref<!tpu.dma_semaphore, #tpu.memory_space<semaphore_mem>>) {add = true}
        %dma_wait3A_116 = arith.constant 0 : i32
        %dma_wait3A_117 = arith.constant 0 : i32
        %dma_wait3A_118 = tpu.memref_slice %arg9[%run_scoped3A, %dma_wait3A_116, %dma_wait3A_117] : memref<2x256x64xf32, #tpu.memory_space<vmem>> -> memref<1x256x64xf32, #tpu.memory_space<vmem>>
        %dma_wait3A_119 = tpu.memref_squeeze %dma_wait3A_118 : memref<1x256x64xf32, #tpu.memory_space<vmem>> -> memref<256x64xf32, #tpu.memory_space<vmem>>
        %dma_wait3A_120 = arith.constant 0 : i32
        %dma_wait3A_121 = tpu.memref_slice %arg8[%add3A_99, %dma_wait3A_120] : memref<80x256xi32, #tpu.memory_space<vmem>> -> memref<1x256xi32, #tpu.memory_space<vmem>>
        %dma_wait3A_122 = tpu.memref_squeeze %dma_wait3A_121 : memref<1x256xi32, #tpu.memory_space<vmem>> -> memref<256xi32, #tpu.memory_space<vmem>>
        %dma_wait3A_123 = arith.constant 0 : i32
        %dma_wait3A_124 = arith.constant 0 : i32
        %dma_wait3A_125 = tpu.memref_slice %arg10[%dma_wait3A_123, %dma_wait3A_124] : memref<10240x64xf32, #tpu.memory_space<vmem_shared>> -> memref<10240x64xf32, #tpu.memory_space<vmem_shared>>
        tpu.wait_indirect_dma semaphore(%run_scoped3A_105 : memref<!tpu.dma_semaphore, #tpu.memory_space<semaphore_mem>>) src(%dma_wait3A_119 : memref<256x64xf32, #tpu.memory_space<vmem>>) dst(%dma_wait3A_125 : memref<10240x64xf32, #tpu.memory_space<vmem_shared>>)
        tpu.yield
      }) : () -> ()
      %mul3A_100 = arith.constant 2 : i32
      %mul3A_101 = arith.muli %while3A_34, %mul3A_100 : i32
      %add3A_102 = arith.constant 1 : i32
      %add3A_103 = arith.addi %mul3A_101, %add3A_102 : i32
      %run_scoped3A_104 = arith.constant 1 : i32
      "tpu.region"() ({
        %run_scoped3A_105 = tpu.sem_alloc : memref<!tpu.dma_semaphore, #tpu.memory_space<semaphore_mem>>
        %dma_start3A_106 = arith.constant 0 : i32
        %dma_start3A_107 = arith.constant 0 : i32
        %dma_start3A_108 = tpu.memref_slice %arg9[%run_scoped3A_104, %dma_start3A_106, %dma_start3A_107] : memref<2x256x64xf32, #tpu.memory_space<vmem>> -> memref<1x256x64xf32, #tpu.memory_space<vmem>>
        %dma_start3A_109 = tpu.memref_squeeze %dma_start3A_108 : memref<1x256x64xf32, #tpu.memory_space<vmem>> -> memref<256x64xf32, #tpu.memory_space<vmem>>
        %dma_start3A_110 = arith.constant 0 : i32
        %dma_start3A_111 = tpu.memref_slice %arg8[%add3A_103, %dma_start3A_110] : memref<80x256xi32, #tpu.memory_space<vmem>> -> memref<1x256xi32, #tpu.memory_space<vmem>>
        %dma_start3A_112 = tpu.memref_squeeze %dma_start3A_111 : memref<1x256xi32, #tpu.memory_space<vmem>> -> memref<256xi32, #tpu.memory_space<vmem>>
        %dma_start3A_113 = arith.constant 0 : i32
        %dma_start3A_114 = arith.constant 0 : i32
        %dma_start3A_115 = tpu.memref_slice %arg10[%dma_start3A_113, %dma_start3A_114] : memref<10240x64xf32, #tpu.memory_space<vmem_shared>> -> memref<10240x64xf32, #tpu.memory_space<vmem_shared>>
        tpu.enqueue_indirect_dma source(%dma_start3A_109 : memref<256x64xf32, #tpu.memory_space<vmem>>) target(%dma_start3A_115 : memref<10240x64xf32, #tpu.memory_space<vmem_shared>>) offsets(%dma_start3A_112 : memref<256xi32, #tpu.memory_space<vmem>>) semaphore(%run_scoped3A_105 : memref<!tpu.dma_semaphore, #tpu.memory_space<semaphore_mem>>) {add = true}
        %dma_wait3A_116 = arith.constant 0 : i32
        %dma_wait3A_117 = arith.constant 0 : i32
        %dma_wait3A_118 = tpu.memref_slice %arg9[%run_scoped3A_104, %dma_wait3A_116, %dma_wait3A_117] : memref<2x256x64xf32, #tpu.memory_space<vmem>> -> memref<1x256x64xf32, #tpu.memory_space<vmem>>
        %dma_wait3A_119 = tpu.memref_squeeze %dma_wait3A_118 : memref<1x256x64xf32, #tpu.memory_space<vmem>> -> memref<256x64xf32, #tpu.memory_space<vmem>>
        %dma_wait3A_120 = arith.constant 0 : i32
        %dma_wait3A_121 = tpu.memref_slice %arg8[%add3A_103, %dma_wait3A_120] : memref<80x256xi32, #tpu.memory_space<vmem>> -> memref<1x256xi32, #tpu.memory_space<vmem>>
        %dma_wait3A_122 = tpu.memref_squeeze %dma_wait3A_121 : memref<1x256xi32, #tpu.memory_space<vmem>> -> memref<256xi32, #tpu.memory_space<vmem>>
        %dma_wait3A_123 = arith.constant 0 : i32
        %dma_wait3A_124 = arith.constant 0 : i32
        %dma_wait3A_125 = tpu.memref_slice %arg10[%dma_wait3A_123, %dma_wait3A_124] : memref<10240x64xf32, #tpu.memory_space<vmem_shared>> -> memref<10240x64xf32, #tpu.memory_space<vmem_shared>>
        tpu.wait_indirect_dma semaphore(%run_scoped3A_105 : memref<!tpu.dma_semaphore, #tpu.memory_space<semaphore_mem>>) src(%dma_wait3A_119 : memref<256x64xf32, #tpu.memory_space<vmem>>) dst(%dma_wait3A_125 : memref<10240x64xf32, #tpu.memory_space<vmem_shared>>)
        tpu.yield
      }) : () -> ()
    }
    %while3A_25 = arith.constant 1 : i32
    scf.for %while3A_34 = %while3A_23 to %while3A_19 step %while3A_25  : i32 {
      %mul3A_35 = arith.constant 2 : i32
      %mul3A_36 = arith.muli %while3A_34, %mul3A_35 : i32
      %add3A_37 = arith.constant 0 : i32
      %add3A_38 = arith.addi %mul3A_36, %add3A_37 : i32
      %rem3A = arith.remsi %add3A_38, %mul3A_10 : i32
      %dma_start3A = arith.constant 0 : i32
      %dma_start3A_39 = arith.constant 0 : i32
      %dma_start3A_40 = arith.constant 0 : i32
      %dma_start3A_41 = tpu.memref_slice %arg9[%dma_start3A, %dma_start3A_39, %dma_start3A_40] : memref<2x256x64xf32, #tpu.memory_space<vmem>> -> memref<1x256x64xf32, #tpu.memory_space<vmem>>
      %dma_start3A_42 = tpu.memref_squeeze %dma_start3A_41 : memref<1x256x64xf32, #tpu.memory_space<vmem>> -> memref<256x64xf32, #tpu.memory_space<vmem>>
      %dma_start3A_43 = arith.constant 0 : i32
      %dma_start3A_44 = tpu.memref_slice %arg7[%rem3A, %dma_start3A_43] : memref<80x256xi32, #tpu.memory_space<vmem>> -> memref<1x256xi32, #tpu.memory_space<vmem>>
      %dma_start3A_45 = tpu.memref_squeeze %dma_start3A_44 : memref<1x256xi32, #tpu.memory_space<vmem>> -> memref<256xi32, #tpu.memory_space<vmem>>
      %dma_start3A_46 = arith.constant 0 : i32
      %dma_start3A_47 = arith.constant 0 : i32
      %dma_start3A_48 = tpu.memref_slice %arg2[%dma_start3A_46, %dma_start3A_47] : memref<10000x64xf32, #tpu.memory_space<hbm>> -> memref<10000x64xf32, #tpu.memory_space<hbm>>
      tpu.enqueue_indirect_dma source(%dma_start3A_48 : memref<10000x64xf32, #tpu.memory_space<hbm>>) target(%dma_start3A_42 : memref<256x64xf32, #tpu.memory_space<vmem>>) offsets(%dma_start3A_45 : memref<256xi32, #tpu.memory_space<vmem>>) semaphore(%arg11 : memref<!tpu.dma_semaphore, #tpu.memory_space<semaphore_mem>>)
      %mul3A_49 = arith.constant 2 : i32
      %mul3A_50 = arith.muli %while3A_34, %mul3A_49 : i32
      %add3A_51 = arith.constant 1 : i32
      %add3A_52 = arith.addi %mul3A_50, %add3A_51 : i32
      %rem3A_53 = arith.remsi %add3A_52, %mul3A_10 : i32
      %dma_start3A_54 = arith.constant 1 : i32
      %dma_start3A_55 = arith.constant 0 : i32
      %dma_start3A_56 = arith.constant 0 : i32
      %dma_start3A_57 = tpu.memref_slice %arg9[%dma_start3A_54, %dma_start3A_55, %dma_start3A_56] : memref<2x256x64xf32, #tpu.memory_space<vmem>> -> memref<1x256x64xf32, #tpu.memory_space<vmem>>
      %dma_start3A_58 = tpu.memref_squeeze %dma_start3A_57 : memref<1x256x64xf32, #tpu.memory_space<vmem>> -> memref<256x64xf32, #tpu.memory_space<vmem>>
      %dma_start3A_59 = arith.constant 0 : i32
      %dma_start3A_60 = tpu.memref_slice %arg7[%rem3A_53, %dma_start3A_59] : memref<80x256xi32, #tpu.memory_space<vmem>> -> memref<1x256xi32, #tpu.memory_space<vmem>>
      %dma_start3A_61 = tpu.memref_squeeze %dma_start3A_60 : memref<1x256xi32, #tpu.memory_space<vmem>> -> memref<256xi32, #tpu.memory_space<vmem>>
      %dma_start3A_62 = arith.constant 0 : i32
      %dma_start3A_63 = arith.constant 0 : i32
      %dma_start3A_64 = tpu.memref_slice %arg2[%dma_start3A_62, %dma_start3A_63] : memref<10000x64xf32, #tpu.memory_space<hbm>> -> memref<10000x64xf32, #tpu.memory_space<hbm>>
      tpu.enqueue_indirect_dma source(%dma_start3A_64 : memref<10000x64xf32, #tpu.memory_space<hbm>>) target(%dma_start3A_58 : memref<256x64xf32, #tpu.memory_space<vmem>>) offsets(%dma_start3A_61 : memref<256xi32, #tpu.memory_space<vmem>>) semaphore(%arg11 : memref<!tpu.dma_semaphore, #tpu.memory_space<semaphore_mem>>)
      %mul3A_65 = arith.constant 2 : i32
      %mul3A_66 = arith.muli %while3A_34, %mul3A_65 : i32
      %add3A_67 = arith.constant 0 : i32
      %add3A_68 = arith.addi %mul3A_66, %add3A_67 : i32
      %rem3A_69 = arith.remsi %add3A_68, %mul3A_10 : i32
      %dma_wait3A = arith.constant 0 : i32
      %dma_wait3A_70 = arith.constant 0 : i32
      %dma_wait3A_71 = arith.constant 0 : i32
      %dma_wait3A_72 = tpu.memref_slice %arg9[%dma_wait3A, %dma_wait3A_70, %dma_wait3A_71] : memref<2x256x64xf32, #tpu.memory_space<vmem>> -> memref<1x256x64xf32, #tpu.memory_space<vmem>>
      %dma_wait3A_73 = tpu.memref_squeeze %dma_wait3A_72 : memref<1x256x64xf32, #tpu.memory_space<vmem>> -> memref<256x64xf32, #tpu.memory_space<vmem>>
      %dma_wait3A_74 = arith.constant 0 : i32
      %dma_wait3A_75 = tpu.memref_slice %arg7[%rem3A_69, %dma_wait3A_74] : memref<80x256xi32, #tpu.memory_space<vmem>> -> memref<1x256xi32, #tpu.memory_space<vmem>>
      %dma_wait3A_76 = tpu.memref_squeeze %dma_wait3A_75 : memref<1x256xi32, #tpu.memory_space<vmem>> -> memref<256xi32, #tpu.memory_space<vmem>>
      %dma_wait3A_77 = arith.constant 0 : i32
      %dma_wait3A_78 = arith.constant 0 : i32
      %dma_wait3A_79 = tpu.memref_slice %arg2[%dma_wait3A_77, %dma_wait3A_78] : memref<10000x64xf32, #tpu.memory_space<hbm>> -> memref<10000x64xf32, #tpu.memory_space<hbm>>
      tpu.wait_indirect_dma semaphore(%arg11 : memref<!tpu.dma_semaphore, #tpu.memory_space<semaphore_mem>>) src(%dma_wait3A_79 : memref<10000x64xf32, #tpu.memory_space<hbm>>) dst(%dma_wait3A_73 : memref<256x64xf32, #tpu.memory_space<vmem>>)
      %mul3A_80 = arith.constant 2 : i32
      %mul3A_81 = arith.muli %while3A_34, %mul3A_80 : i32
      %add3A_82 = arith.constant 1 : i32
      %add3A_83 = arith.addi %mul3A_81, %add3A_82 : i32
      %rem3A_84 = arith.remsi %add3A_83, %mul3A_10 : i32
      %dma_wait3A_85 = arith.constant 1 : i32
      %dma_wait3A_86 = arith.constant 0 : i32
      %dma_wait3A_87 = arith.constant 0 : i32
      %dma_wait3A_88 = tpu.memref_slice %arg9[%dma_wait3A_85, %dma_wait3A_86, %dma_wait3A_87] : memref<2x256x64xf32, #tpu.memory_space<vmem>> -> memref<1x256x64xf32, #tpu.memory_space<vmem>>
      %dma_wait3A_89 = tpu.memref_squeeze %dma_wait3A_88 : memref<1x256x64xf32, #tpu.memory_space<vmem>> -> memref<256x64xf32, #tpu.memory_space<vmem>>
      %dma_wait3A_90 = arith.constant 0 : i32
      %dma_wait3A_91 = tpu.memref_slice %arg7[%rem3A_84, %dma_wait3A_90] : memref<80x256xi32, #tpu.memory_space<vmem>> -> memref<1x256xi32, #tpu.memory_space<vmem>>
      %dma_wait3A_92 = tpu.memref_squeeze %dma_wait3A_91 : memref<1x256xi32, #tpu.memory_space<vmem>> -> memref<256xi32, #tpu.memory_space<vmem>>
      %dma_wait3A_93 = arith.constant 0 : i32
      %dma_wait3A_94 = arith.constant 0 : i32
      %dma_wait3A_95 = tpu.memref_slice %arg2[%dma_wait3A_93, %dma_wait3A_94] : memref<10000x64xf32, #tpu.memory_space<hbm>> -> memref<10000x64xf32, #tpu.memory_space<hbm>>
      tpu.wait_indirect_dma semaphore(%arg11 : memref<!tpu.dma_semaphore, #tpu.memory_space<semaphore_mem>>) src(%dma_wait3A_95 : memref<10000x64xf32, #tpu.memory_space<hbm>>) dst(%dma_wait3A_89 : memref<256x64xf32, #tpu.memory_space<vmem>>)
      %mul3A_96 = arith.constant 2 : i32
      %mul3A_97 = arith.muli %while3A_34, %mul3A_96 : i32
      %add3A_98 = arith.constant 0 : i32
      %add3A_99 = arith.addi %mul3A_97, %add3A_98 : i32
      %run_scoped3A = arith.constant 0 : i32
      "tpu.region"() ({
        %run_scoped3A_105 = tpu.sem_alloc : memref<!tpu.dma_semaphore, #tpu.memory_space<semaphore_mem>>
        %dma_start3A_106 = arith.constant 0 : i32
        %dma_start3A_107 = arith.constant 0 : i32
        %dma_start3A_108 = tpu.memref_slice %arg9[%run_scoped3A, %dma_start3A_106, %dma_start3A_107] : memref<2x256x64xf32, #tpu.memory_space<vmem>> -> memref<1x256x64xf32, #tpu.memory_space<vmem>>
        %dma_start3A_109 = tpu.memref_squeeze %dma_start3A_108 : memref<1x256x64xf32, #tpu.memory_space<vmem>> -> memref<256x64xf32, #tpu.memory_space<vmem>>
        %dma_start3A_110 = arith.constant 0 : i32
        %dma_start3A_111 = tpu.memref_slice %arg8[%add3A_99, %dma_start3A_110] : memref<80x256xi32, #tpu.memory_space<vmem>> -> memref<1x256xi32, #tpu.memory_space<vmem>>
        %dma_start3A_112 = tpu.memref_squeeze %dma_start3A_111 : memref<1x256xi32, #tpu.memory_space<vmem>> -> memref<256xi32, #tpu.memory_space<vmem>>
        %dma_start3A_113 = arith.constant 0 : i32
        %dma_start3A_114 = arith.constant 0 : i32
        %dma_start3A_115 = tpu.memref_slice %arg10[%dma_start3A_113, %dma_start3A_114] : memref<10240x64xf32, #tpu.memory_space<vmem_shared>> -> memref<10240x64xf32, #tpu.memory_space<vmem_shared>>
        tpu.enqueue_indirect_dma source(%dma_start3A_109 : memref<256x64xf32, #tpu.memory_space<vmem>>) target(%dma_start3A_115 : memref<10240x64xf32, #tpu.memory_space<vmem_shared>>) offsets(%dma_start3A_112 : memref<256xi32, #tpu.memory_space<vmem>>) semaphore(%run_scoped3A_105 : memref<!tpu.dma_semaphore, #tpu.memory_space<semaphore_mem>>) {add = true}
        %dma_wait3A_116 = arith.constant 0 : i32
        %dma_wait3A_117 = arith.constant 0 : i32
        %dma_wait3A_118 = tpu.memref_slice %arg9[%run_scoped3A, %dma_wait3A_116, %dma_wait3A_117] : memref<2x256x64xf32, #tpu.memory_space<vmem>> -> memref<1x256x64xf32, #tpu.memory_space<vmem>>
        %dma_wait3A_119 = tpu.memref_squeeze %dma_wait3A_118 : memref<1x256x64xf32, #tpu.memory_space<vmem>> -> memref<256x64xf32, #tpu.memory_space<vmem>>
        %dma_wait3A_120 = arith.constant 0 : i32
        %dma_wait3A_121 = tpu.memref_slice %arg8[%add3A_99, %dma_wait3A_120] : memref<80x256xi32, #tpu.memory_space<vmem>> -> memref<1x256xi32, #tpu.memory_space<vmem>>
        %dma_wait3A_122 = tpu.memref_squeeze %dma_wait3A_121 : memref<1x256xi32, #tpu.memory_space<vmem>> -> memref<256xi32, #tpu.memory_space<vmem>>
        %dma_wait3A_123 = arith.constant 0 : i32
        %dma_wait3A_124 = arith.constant 0 : i32
        %dma_wait3A_125 = tpu.memref_slice %arg10[%dma_wait3A_123, %dma_wait3A_124] : memref<10240x64xf32, #tpu.memory_space<vmem_shared>> -> memref<10240x64xf32, #tpu.memory_space<vmem_shared>>
        tpu.wait_indirect_dma semaphore(%run_scoped3A_105 : memref<!tpu.dma_semaphore, #tpu.memory_space<semaphore_mem>>) src(%dma_wait3A_119 : memref<256x64xf32, #tpu.memory_space<vmem>>) dst(%dma_wait3A_125 : memref<10240x64xf32, #tpu.memory_space<vmem_shared>>)
        tpu.yield
      }) : () -> ()
      %mul3A_100 = arith.constant 2 : i32
      %mul3A_101 = arith.muli %while3A_34, %mul3A_100 : i32
      %add3A_102 = arith.constant 1 : i32
      %add3A_103 = arith.addi %mul3A_101, %add3A_102 : i32
      %run_scoped3A_104 = arith.constant 1 : i32
      "tpu.region"() ({
        %run_scoped3A_105 = tpu.sem_alloc : memref<!tpu.dma_semaphore, #tpu.memory_space<semaphore_mem>>
        %dma_start3A_106 = arith.constant 0 : i32
        %dma_start3A_107 = arith.constant 0 : i32
        %dma_start3A_108 = tpu.memref_slice %arg9[%run_scoped3A_104, %dma_start3A_106, %dma_start3A_107] : memref<2x256x64xf32, #tpu.memory_space<vmem>> -> memref<1x256x64xf32, #tpu.memory_space<vmem>>
        %dma_start3A_109 = tpu.memref_squeeze %dma_start3A_108 : memref<1x256x64xf32, #tpu.memory_space<vmem>> -> memref<256x64xf32, #tpu.memory_space<vmem>>
        %dma_start3A_110 = arith.constant 0 : i32
        %dma_start3A_111 = tpu.memref_slice %arg8[%add3A_103, %dma_start3A_110] : memref<80x256xi32, #tpu.memory_space<vmem>> -> memref<1x256xi32, #tpu.memory_space<vmem>>
        %dma_start3A_112 = tpu.memref_squeeze %dma_start3A_111 : memref<1x256xi32, #tpu.memory_space<vmem>> -> memref<256xi32, #tpu.memory_space<vmem>>
        %dma_start3A_113 = arith.constant 0 : i32
        %dma_start3A_114 = arith.constant 0 : i32
        %dma_start3A_115 = tpu.memref_slice %arg10[%dma_start3A_113, %dma_start3A_114] : memref<10240x64xf32, #tpu.memory_space<vmem_shared>> -> memref<10240x64xf32, #tpu.memory_space<vmem_shared>>
        tpu.enqueue_indirect_dma source(%dma_start3A_109 : memref<256x64xf32, #tpu.memory_space<vmem>>) target(%dma_start3A_115 : memref<10240x64xf32, #tpu.memory_space<vmem_shared>>) offsets(%dma_start3A_112 : memref<256xi32, #tpu.memory_space<vmem>>) semaphore(%run_scoped3A_105 : memref<!tpu.dma_semaphore, #tpu.memory_space<semaphore_mem>>) {add = true}
        %dma_wait3A_116 = arith.constant 0 : i32
        %dma_wait3A_117 = arith.constant 0 : i32
        %dma_wait3A_118 = tpu.memref_slice %arg9[%run_scoped3A_104, %dma_wait3A_116, %dma_wait3A_117] : memref<2x256x64xf32, #tpu.memory_space<vmem>> -> memref<1x256x64xf32, #tpu.memory_space<vmem>>
        %dma_wait3A_119 = tpu.memref_squeeze %dma_wait3A_118 : memref<1x256x64xf32, #tpu.memory_space<vmem>> -> memref<256x64xf32, #tpu.memory_space<vmem>>
        %dma_wait3A_120 = arith.constant 0 : i32
        %dma_wait3A_121 = tpu.memref_slice %arg8[%add3A_103, %dma_wait3A_120] : memref<80x256xi32, #tpu.memory_space<vmem>> -> memref<1x256xi32, #tpu.memory_space<vmem>>
        %dma_wait3A_122 = tpu.memref_squeeze %dma_wait3A_121 : memref<1x256xi32, #tpu.memory_space<vmem>> -> memref<256xi32, #tpu.memory_space<vmem>>
        %dma_wait3A_123 = arith.constant 0 : i32
        %dma_wait3A_124 = arith.constant 0 : i32
        %dma_wait3A_125 = tpu.memref_slice %arg10[%dma_wait3A_123, %dma_wait3A_124] : memref<10240x64xf32, #tpu.memory_space<vmem_shared>> -> memref<10240x64xf32, #tpu.memory_space<vmem_shared>>
        tpu.wait_indirect_dma semaphore(%run_scoped3A_105 : memref<!tpu.dma_semaphore, #tpu.memory_space<semaphore_mem>>) src(%dma_wait3A_119 : memref<256x64xf32, #tpu.memory_space<vmem>>) dst(%dma_wait3A_125 : memref<10240x64xf32, #tpu.memory_space<vmem_shared>>)
        tpu.yield
      }) : () -> ()
    }
    %barrier3A_26 = arith.constant 0 : index
    tpu.barrier barrier_id(%barrier3A_26)
    %mul3A_27 = arith.constant 640 : i32
    %mul3A_28 = arith.muli %arg1, %mul3A_27 : i32
    %mul3A_29 = arith.constant 10240 : i32
    %mul3A_30 = arith.muli %arg0, %mul3A_29 : i32
    %mul3A_31 = arith.constant 640 : i32
    %mul3A_32 = arith.muli %arg1, %mul3A_31 : i32
    %add3A_33 = arith.addi %mul3A_30, %mul3A_32 : i32
    "tpu.region"() ({
      %run_scoped3A = tpu.sem_alloc : memref<!tpu.dma_semaphore, #tpu.memory_space<semaphore_mem>>
      %dma_start3A = arith.constant 0 : i32
      %dma_start3A_34 = tpu.memref_slice %arg6[%add3A_33, %dma_start3A] : memref<20480x64xf32, #tpu.memory_space<hbm>> -> memref<640x64xf32, #tpu.memory_space<hbm>>
      %dma_start3A_35 = arith.constant 0 : i32
      %dma_start3A_36 = tpu.memref_slice %arg10[%mul3A_28, %dma_start3A_35] : memref<10240x64xf32, #tpu.memory_space<vmem_shared>> -> memref<640x64xf32, #tpu.memory_space<vmem_shared>>
      tpu.enqueue_dma source(%dma_start3A_36 : memref<640x64xf32, #tpu.memory_space<vmem_shared>>) target(%dma_start3A_34 : memref<640x64xf32, #tpu.memory_space<hbm>>) target_semaphore(%run_scoped3A : memref<!tpu.dma_semaphore, #tpu.memory_space<semaphore_mem>>)
      %dma_wait3A = arith.constant 0 : i32
      %dma_wait3A_37 = tpu.memref_slice %arg6[%add3A_33, %dma_wait3A] : memref<20480x64xf32, #tpu.memory_space<hbm>> -> memref<640x64xf32, #tpu.memory_space<hbm>>
      %dma_wait3A_38 = arith.constant 0 : i32
      %dma_wait3A_39 = tpu.memref_slice %arg10[%mul3A_28, %dma_wait3A_38] : memref<10240x64xf32, #tpu.memory_space<vmem_shared>> -> memref<640x64xf32, #tpu.memory_space<vmem_shared>>
      tpu.wait_dma2 semaphore(%run_scoped3A : memref<!tpu.dma_semaphore, #tpu.memory_space<semaphore_mem>>) src(%dma_wait3A_39 : memref<640x64xf32, #tpu.memory_space<vmem_shared>>) dst(%dma_wait3A_37 : memref<640x64xf32, #tpu.memory_space<hbm>>)
      tpu.yield
    }) : () -> ()
    return
  }
}

module attributes {stable_mosaic.version = 14 : i64} {
  func.func @_tc_a_body(%arg0: memref<10000x128xf32, #tpu.memory_space<vmem>>, %arg1: memref<128x64xf32, #tpu.memory_space<vmem>>, %arg2: memref<128x64xf32, #tpu.memory_space<vmem>>, %arg3: memref<10000x64xf32, #tpu.memory_space<vmem>>, %arg4: memref<10000x64xf32, #tpu.memory_space<vmem>>) attributes {dimension_semantics = [], scalar_prefetch = 0 : i64, scratch_operands = 0 : i64, tpu.core_type = #tpu.core_type<tc>} {
    %get3A = arith.constant 0 : index
    %get3A_0 = arith.constant 0 : index
    %get3A_1 = vector.load %arg0[%get3A, %get3A_0] : memref<10000x128xf32, #tpu.memory_space<vmem>>, vector<10000x128xf32>
    %get3A_2 = arith.constant 0 : index
    %get3A_3 = arith.constant 0 : index
    %get3A_4 = vector.load %arg1[%get3A_2, %get3A_3] : memref<128x64xf32, #tpu.memory_space<vmem>>, vector<128x64xf32>
    %dot_general3A = arith.constant dense<0.000000e+00> : vector<10000x64xf32>
    %dot_general3A_5 = tpu.matmul %get3A_1, %get3A_4, %dot_general3A {dimension_numbers = #tpu.dot_dimension_numbers<[1], [0], [0], [1], [0, 0, 1, 1], [], []>, transpose_lhs_hint = false} : vector<10000x128xf32>, vector<128x64xf32>, vector<10000x64xf32> -> vector<10000x64xf32>
    %swap3A = arith.constant 0 : index
    %swap3A_6 = arith.constant 0 : index
    %swap3A_7 = vector.load %arg3[%swap3A, %swap3A_6] : memref<10000x64xf32, #tpu.memory_space<vmem>>, vector<10000x64xf32>
    tpu.vector_store %arg3[%swap3A, %swap3A_6], %dot_general3A_5 {strides = array<i32>} : memref<10000x64xf32, #tpu.memory_space<vmem>>, vector<10000x64xf32>,
    %get3A_8 = arith.constant 0 : index
    %get3A_9 = arith.constant 0 : index
    %get3A_10 = vector.load %arg2[%get3A_8, %get3A_9] : memref<128x64xf32, #tpu.memory_space<vmem>>, vector<128x64xf32>
    %dot_general3A_11 = arith.constant dense<0.000000e+00> : vector<10000x64xf32>
    %dot_general3A_12 = tpu.matmul %get3A_1, %get3A_10, %dot_general3A_11 {dimension_numbers = #tpu.dot_dimension_numbers<[1], [0], [0], [1], [0, 0, 1, 1], [], []>, transpose_lhs_hint = false} : vector<10000x128xf32>, vector<128x64xf32>, vector<10000x64xf32> -> vector<10000x64xf32>
    %swap3A_13 = arith.constant 0 : index
    %swap3A_14 = arith.constant 0 : index
    %swap3A_15 = vector.load %arg4[%swap3A_13, %swap3A_14] : memref<10000x64xf32, #tpu.memory_space<vmem>>, vector<10000x64xf32>
    tpu.vector_store %arg4[%swap3A_13, %swap3A_14], %dot_general3A_12 {strides = array<i32>} : memref<10000x64xf32, #tpu.memory_space<vmem>>, vector<10000x64xf32>,
    return
  }
}

module attributes {stable_mosaic.version = 14 : i64} {
  func.func @_tc_mid_body(%arg0: memref<10000x64xf32, #tpu.memory_space<vmem>>, %arg1: memref<20480x64xf32, #tpu.memory_space<vmem>>, %arg2: memref<20480x16xf32, #tpu.memory_space<vmem>>, %arg3: memref<64xf32, #tpu.memory_space<vmem>>, %arg4: memref<64xf32, #tpu.memory_space<vmem>>, %arg5: memref<64xf32, #tpu.memory_space<vmem>>, %arg6: memref<64x64xf32, #tpu.memory_space<vmem>>, %arg7: memref<64x64xf32, #tpu.memory_space<vmem>>, %arg8: memref<10000x64xf32, #tpu.memory_space<vmem>>, %arg9: memref<10000x64xf32, #tpu.memory_space<vmem>>) attributes {dimension_semantics = [], scalar_prefetch = 0 : i64, scratch_operands = 0 : i64, tpu.core_type = #tpu.core_type<tc>} {
    %get3A = arith.constant 0 : index
    %get3A_0 = arith.constant 0 : index
    %get3A_1 = vector.load %arg2[%get3A, %get3A_0] : memref<20480x16xf32, #tpu.memory_space<vmem>>, vector<10000x1xf32>
    %get3A_2 = arith.constant 10240 : index
    %get3A_3 = arith.constant 0 : index
    %get3A_4 = vector.load %arg2[%get3A_2, %get3A_3] : memref<20480x16xf32, #tpu.memory_space<vmem>>, vector<10000x1xf32>
    %add3A = arith.addf %get3A_1, %get3A_4 : vector<10000x1xf32>
    %max3A = arith.constant 1.000000e+00 : f32
    %max3A_5 = vector.broadcast %max3A : f32 to vector<10000x1xf32>
    %max3A_6 = arith.maximumf %add3A, %max3A_5 : vector<10000x1xf32>
    %div3A = arith.constant 1.000000e+00 : f32
    %div3A_7 = vector.broadcast %div3A : f32 to vector<10000x1xf32>
    %div3A_8 = arith.divf %div3A_7, %max3A_6 : vector<10000x1xf32>
    %get3A_9 = arith.constant 0 : index
    %get3A_10 = arith.constant 0 : index
    %get3A_11 = vector.load %arg1[%get3A_9, %get3A_10] : memref<20480x64xf32, #tpu.memory_space<vmem>>, vector<10000x64xf32>
    %get3A_12 = arith.constant 10240 : index
    %get3A_13 = arith.constant 0 : index
    %get3A_14 = vector.load %arg1[%get3A_12, %get3A_13] : memref<20480x64xf32, #tpu.memory_space<vmem>>, vector<10000x64xf32>
    %add3A_15 = arith.addf %get3A_11, %get3A_14 : vector<10000x64xf32>
    %mul3A = vector.broadcast %div3A_8 : vector<10000x1xf32> to vector<10000x64xf32>
    %mul3A_16 = arith.mulf %add3A_15, %mul3A : vector<10000x64xf32>
    %get3A_17 = arith.constant 0 : index
    %get3A_18 = arith.constant 0 : index
    %get3A_19 = vector.load %arg0[%get3A_17, %get3A_18] : memref<10000x64xf32, #tpu.memory_space<vmem>>, vector<10000x64xf32>
    %add3A_20 = arith.addf %get3A_19, %mul3A_16 : vector<10000x64xf32>
    %get3A_21 = arith.constant 0 : index
    %get3A_22 = vector.load %arg3[%get3A_21] : memref<64xf32, #tpu.memory_space<vmem>>, vector<64xf32>
    %broadcast_in_dim3A = vector.shape_cast %get3A_22 : vector<64xf32> to vector<1x64xf32>
    %add3A_23 = vector.broadcast %broadcast_in_dim3A : vector<1x64xf32> to vector<10000x64xf32>
    %add3A_24 = arith.addf %add3A_20, %add3A_23 : vector<10000x64xf32>
    %get3A_25 = arith.constant 0 : index
    %get3A_26 = vector.load %arg4[%get3A_25] : memref<64xf32, #tpu.memory_space<vmem>>, vector<64xf32>
    %broadcast_in_dim3A_27 = vector.shape_cast %get3A_26 : vector<64xf32> to vector<1x64xf32>
    %get3A_28 = arith.constant 0 : index
    %get3A_29 = vector.load %arg5[%get3A_28] : memref<64xf32, #tpu.memory_space<vmem>>, vector<64xf32>
    %broadcast_in_dim3A_30 = vector.shape_cast %get3A_29 : vector<64xf32> to vector<1x64xf32>
    %reduce_sum3A = arith.constant dense<0.000000e+00> : vector<64xf32>
    %reduce_sum3A_31 = vector.multi_reduction <add>, %add3A_24, %reduce_sum3A [0] : vector<10000x64xf32> to vector<64xf32>
    %broadcast_in_dim3A_32 = vector.shape_cast %reduce_sum3A_31 : vector<64xf32> to vector<1x64xf32>
    %div3A_33 = arith.constant 1.000000e+04 : f32
    %div3A_34 = vector.broadcast %div3A_33 : f32 to vector<1x64xf32>
    %div3A_35 = arith.divf %broadcast_in_dim3A_32, %div3A_34 : vector<1x64xf32>
    %sub3A = vector.broadcast %div3A_35 : vector<1x64xf32> to vector<10000x64xf32>
    %sub3A_36 = arith.subf %add3A_24, %sub3A : vector<10000x64xf32>
    %sub3A_37 = vector.broadcast %div3A_35 : vector<1x64xf32> to vector<10000x64xf32>
    %sub3A_38 = arith.subf %add3A_24, %sub3A_37 : vector<10000x64xf32>
    %mul3A_39 = arith.mulf %sub3A_36, %sub3A_38 : vector<10000x64xf32>
    %reduce_sum3A_40 = arith.constant dense<0.000000e+00> : vector<64xf32>
    %reduce_sum3A_41 = vector.multi_reduction <add>, %mul3A_39, %reduce_sum3A_40 [0] : vector<10000x64xf32> to vector<64xf32>
    %broadcast_in_dim3A_42 = vector.shape_cast %reduce_sum3A_41 : vector<64xf32> to vector<1x64xf32>
    %div3A_43 = arith.constant 1.000000e+04 : f32
    %div3A_44 = vector.broadcast %div3A_43 : f32 to vector<1x64xf32>
    %div3A_45 = arith.divf %broadcast_in_dim3A_42, %div3A_44 : vector<1x64xf32>
    %sub3A_46 = vector.broadcast %div3A_35 : vector<1x64xf32> to vector<10000x64xf32>
    %sub3A_47 = arith.subf %add3A_24, %sub3A_46 : vector<10000x64xf32>
    %add3A_48 = arith.constant 9.99999974E-6 : f32
    %add3A_49 = vector.broadcast %add3A_48 : f32 to vector<1x64xf32>
    %add3A_50 = arith.addf %div3A_45, %add3A_49 : vector<1x64xf32>
    %rsqrt3A = math.rsqrt %add3A_50 : vector<1x64xf32>
    %mul3A_51 = vector.broadcast %rsqrt3A : vector<1x64xf32> to vector<10000x64xf32>
    %mul3A_52 = arith.mulf %sub3A_47, %mul3A_51 : vector<10000x64xf32>
    %mul3A_53 = vector.broadcast %broadcast_in_dim3A_27 : vector<1x64xf32> to vector<10000x64xf32>
    %mul3A_54 = arith.mulf %mul3A_52, %mul3A_53 : vector<10000x64xf32>
    %add3A_55 = vector.broadcast %broadcast_in_dim3A_30 : vector<1x64xf32> to vector<10000x64xf32>
    %add3A_56 = arith.addf %mul3A_54, %add3A_55 : vector<10000x64xf32>
    %get3A_57 = arith.constant 0 : index
    %get3A_58 = arith.constant 0 : index
    %get3A_59 = vector.load %arg6[%get3A_57, %get3A_58] : memref<64x64xf32, #tpu.memory_space<vmem>>, vector<64x64xf32>
    %dot_general3A = arith.constant dense<0.000000e+00> : vector<10000x64xf32>
    %dot_general3A_60 = tpu.matmul %add3A_56, %get3A_59, %dot_general3A {dimension_numbers = #tpu.dot_dimension_numbers<[1], [0], [0], [1], [0, 0, 1, 1], [], []>, transpose_lhs_hint = false} : vector<10000x64xf32>, vector<64x64xf32>, vector<10000x64xf32> -> vector<10000x64xf32>
    %swap3A = arith.constant 0 : index
    %swap3A_61 = arith.constant 0 : index
    %swap3A_62 = vector.load %arg8[%swap3A, %swap3A_61] : memref<10000x64xf32, #tpu.memory_space<vmem>>, vector<10000x64xf32>
    tpu.vector_store %arg8[%swap3A, %swap3A_61], %dot_general3A_60 {strides = array<i32>} : memref<10000x64xf32, #tpu.memory_space<vmem>>, vector<10000x64xf32>,
    %get3A_63 = arith.constant 0 : index
    %get3A_64 = arith.constant 0 : index
    %get3A_65 = vector.load %arg7[%get3A_63, %get3A_64] : memref<64x64xf32, #tpu.memory_space<vmem>>, vector<64x64xf32>
    %dot_general3A_66 = arith.constant dense<0.000000e+00> : vector<10000x64xf32>
    %dot_general3A_67 = tpu.matmul %add3A_56, %get3A_65, %dot_general3A_66 {dimension_numbers = #tpu.dot_dimension_numbers<[1], [0], [0], [1], [0, 0, 1, 1], [], []>, transpose_lhs_hint = false} : vector<10000x64xf32>, vector<64x64xf32>, vector<10000x64xf32> -> vector<10000x64xf32>
    %swap3A_68 = arith.constant 0 : index
    %swap3A_69 = arith.constant 0 : index
    %swap3A_70 = vector.load %arg9[%swap3A_68, %swap3A_69] : memref<10000x64xf32, #tpu.memory_space<vmem>>, vector<10000x64xf32>
    tpu.vector_store %arg9[%swap3A_68, %swap3A_69], %dot_general3A_67 {strides = array<i32>} : memref<10000x64xf32, #tpu.memory_space<vmem>>, vector<10000x64xf32>,
    return
  }
}

module attributes {stable_mosaic.version = 14 : i64} {
  func.func @_tc_mid_body(%arg0: memref<10000x64xf32, #tpu.memory_space<vmem>>, %arg1: memref<20480x64xf32, #tpu.memory_space<vmem>>, %arg2: memref<20480x16xf32, #tpu.memory_space<vmem>>, %arg3: memref<64xf32, #tpu.memory_space<vmem>>, %arg4: memref<64xf32, #tpu.memory_space<vmem>>, %arg5: memref<64xf32, #tpu.memory_space<vmem>>, %arg6: memref<64x64xf32, #tpu.memory_space<vmem>>, %arg7: memref<64x64xf32, #tpu.memory_space<vmem>>, %arg8: memref<10000x64xf32, #tpu.memory_space<vmem>>, %arg9: memref<10000x64xf32, #tpu.memory_space<vmem>>) attributes {dimension_semantics = [], scalar_prefetch = 0 : i64, scratch_operands = 0 : i64, tpu.core_type = #tpu.core_type<tc>} {
    %get3A = arith.constant 0 : index
    %get3A_0 = arith.constant 0 : index
    %get3A_1 = vector.load %arg2[%get3A, %get3A_0] : memref<20480x16xf32, #tpu.memory_space<vmem>>, vector<10000x1xf32>
    %get3A_2 = arith.constant 10240 : index
    %get3A_3 = arith.constant 0 : index
    %get3A_4 = vector.load %arg2[%get3A_2, %get3A_3] : memref<20480x16xf32, #tpu.memory_space<vmem>>, vector<10000x1xf32>
    %add3A = arith.addf %get3A_1, %get3A_4 : vector<10000x1xf32>
    %max3A = arith.constant 1.000000e+00 : f32
    %max3A_5 = vector.broadcast %max3A : f32 to vector<10000x1xf32>
    %max3A_6 = arith.maximumf %add3A, %max3A_5 : vector<10000x1xf32>
    %div3A = arith.constant 1.000000e+00 : f32
    %div3A_7 = vector.broadcast %div3A : f32 to vector<10000x1xf32>
    %div3A_8 = arith.divf %div3A_7, %max3A_6 : vector<10000x1xf32>
    %get3A_9 = arith.constant 0 : index
    %get3A_10 = arith.constant 0 : index
    %get3A_11 = vector.load %arg1[%get3A_9, %get3A_10] : memref<20480x64xf32, #tpu.memory_space<vmem>>, vector<10000x64xf32>
    %get3A_12 = arith.constant 10240 : index
    %get3A_13 = arith.constant 0 : index
    %get3A_14 = vector.load %arg1[%get3A_12, %get3A_13] : memref<20480x64xf32, #tpu.memory_space<vmem>>, vector<10000x64xf32>
    %add3A_15 = arith.addf %get3A_11, %get3A_14 : vector<10000x64xf32>
    %mul3A = vector.broadcast %div3A_8 : vector<10000x1xf32> to vector<10000x64xf32>
    %mul3A_16 = arith.mulf %add3A_15, %mul3A : vector<10000x64xf32>
    %get3A_17 = arith.constant 0 : index
    %get3A_18 = arith.constant 0 : index
    %get3A_19 = vector.load %arg0[%get3A_17, %get3A_18] : memref<10000x64xf32, #tpu.memory_space<vmem>>, vector<10000x64xf32>
    %add3A_20 = arith.addf %get3A_19, %mul3A_16 : vector<10000x64xf32>
    %get3A_21 = arith.constant 0 : index
    %get3A_22 = vector.load %arg3[%get3A_21] : memref<64xf32, #tpu.memory_space<vmem>>, vector<64xf32>
    %broadcast_in_dim3A = vector.shape_cast %get3A_22 : vector<64xf32> to vector<1x64xf32>
    %add3A_23 = vector.broadcast %broadcast_in_dim3A : vector<1x64xf32> to vector<10000x64xf32>
    %add3A_24 = arith.addf %add3A_20, %add3A_23 : vector<10000x64xf32>
    %get3A_25 = arith.constant 0 : index
    %get3A_26 = vector.load %arg4[%get3A_25] : memref<64xf32, #tpu.memory_space<vmem>>, vector<64xf32>
    %broadcast_in_dim3A_27 = vector.shape_cast %get3A_26 : vector<64xf32> to vector<1x64xf32>
    %get3A_28 = arith.constant 0 : index
    %get3A_29 = vector.load %arg5[%get3A_28] : memref<64xf32, #tpu.memory_space<vmem>>, vector<64xf32>
    %broadcast_in_dim3A_30 = vector.shape_cast %get3A_29 : vector<64xf32> to vector<1x64xf32>
    %reduce_sum3A = arith.constant dense<0.000000e+00> : vector<64xf32>
    %reduce_sum3A_31 = vector.multi_reduction <add>, %add3A_24, %reduce_sum3A [0] : vector<10000x64xf32> to vector<64xf32>
    %broadcast_in_dim3A_32 = vector.shape_cast %reduce_sum3A_31 : vector<64xf32> to vector<1x64xf32>
    %div3A_33 = arith.constant 1.000000e+04 : f32
    %div3A_34 = vector.broadcast %div3A_33 : f32 to vector<1x64xf32>
    %div3A_35 = arith.divf %broadcast_in_dim3A_32, %div3A_34 : vector<1x64xf32>
    %sub3A = vector.broadcast %div3A_35 : vector<1x64xf32> to vector<10000x64xf32>
    %sub3A_36 = arith.subf %add3A_24, %sub3A : vector<10000x64xf32>
    %sub3A_37 = vector.broadcast %div3A_35 : vector<1x64xf32> to vector<10000x64xf32>
    %sub3A_38 = arith.subf %add3A_24, %sub3A_37 : vector<10000x64xf32>
    %mul3A_39 = arith.mulf %sub3A_36, %sub3A_38 : vector<10000x64xf32>
    %reduce_sum3A_40 = arith.constant dense<0.000000e+00> : vector<64xf32>
    %reduce_sum3A_41 = vector.multi_reduction <add>, %mul3A_39, %reduce_sum3A_40 [0] : vector<10000x64xf32> to vector<64xf32>
    %broadcast_in_dim3A_42 = vector.shape_cast %reduce_sum3A_41 : vector<64xf32> to vector<1x64xf32>
    %div3A_43 = arith.constant 1.000000e+04 : f32
    %div3A_44 = vector.broadcast %div3A_43 : f32 to vector<1x64xf32>
    %div3A_45 = arith.divf %broadcast_in_dim3A_42, %div3A_44 : vector<1x64xf32>
    %sub3A_46 = vector.broadcast %div3A_35 : vector<1x64xf32> to vector<10000x64xf32>
    %sub3A_47 = arith.subf %add3A_24, %sub3A_46 : vector<10000x64xf32>
    %add3A_48 = arith.constant 9.99999974E-6 : f32
    %add3A_49 = vector.broadcast %add3A_48 : f32 to vector<1x64xf32>
    %add3A_50 = arith.addf %div3A_45, %add3A_49 : vector<1x64xf32>
    %rsqrt3A = math.rsqrt %add3A_50 : vector<1x64xf32>
    %mul3A_51 = vector.broadcast %rsqrt3A : vector<1x64xf32> to vector<10000x64xf32>
    %mul3A_52 = arith.mulf %sub3A_47, %mul3A_51 : vector<10000x64xf32>
    %mul3A_53 = vector.broadcast %broadcast_in_dim3A_27 : vector<1x64xf32> to vector<10000x64xf32>
    %mul3A_54 = arith.mulf %mul3A_52, %mul3A_53 : vector<10000x64xf32>
    %add3A_55 = vector.broadcast %broadcast_in_dim3A_30 : vector<1x64xf32> to vector<10000x64xf32>
    %add3A_56 = arith.addf %mul3A_54, %add3A_55 : vector<10000x64xf32>
    %max3A_57 = arith.constant 0.000000e+00 : f32
    %max3A_58 = vector.broadcast %max3A_57 : f32 to vector<10000x64xf32>
    %max3A_59 = arith.maximumf %add3A_56, %max3A_58 : vector<10000x64xf32>
    %get3A_60 = arith.constant 0 : index
    %get3A_61 = arith.constant 0 : index
    %get3A_62 = vector.load %arg6[%get3A_60, %get3A_61] : memref<64x64xf32, #tpu.memory_space<vmem>>, vector<64x64xf32>
    %dot_general3A = arith.constant dense<0.000000e+00> : vector<10000x64xf32>
    %dot_general3A_63 = tpu.matmul %max3A_59, %get3A_62, %dot_general3A {dimension_numbers = #tpu.dot_dimension_numbers<[1], [0], [0], [1], [0, 0, 1, 1], [], []>, transpose_lhs_hint = false} : vector<10000x64xf32>, vector<64x64xf32>, vector<10000x64xf32> -> vector<10000x64xf32>
    %swap3A = arith.constant 0 : index
    %swap3A_64 = arith.constant 0 : index
    %swap3A_65 = vector.load %arg8[%swap3A, %swap3A_64] : memref<10000x64xf32, #tpu.memory_space<vmem>>, vector<10000x64xf32>
    tpu.vector_store %arg8[%swap3A, %swap3A_64], %dot_general3A_63 {strides = array<i32>} : memref<10000x64xf32, #tpu.memory_space<vmem>>, vector<10000x64xf32>,
    %get3A_66 = arith.constant 0 : index
    %get3A_67 = arith.constant 0 : index
    %get3A_68 = vector.load %arg7[%get3A_66, %get3A_67] : memref<64x64xf32, #tpu.memory_space<vmem>>, vector<64x64xf32>
    %dot_general3A_69 = arith.constant dense<0.000000e+00> : vector<10000x64xf32>
    %dot_general3A_70 = tpu.matmul %max3A_59, %get3A_68, %dot_general3A_69 {dimension_numbers = #tpu.dot_dimension_numbers<[1], [0], [0], [1], [0, 0, 1, 1], [], []>, transpose_lhs_hint = false} : vector<10000x64xf32>, vector<64x64xf32>, vector<10000x64xf32> -> vector<10000x64xf32>
    %swap3A_71 = arith.constant 0 : index
    %swap3A_72 = arith.constant 0 : index
    %swap3A_73 = vector.load %arg9[%swap3A_71, %swap3A_72] : memref<10000x64xf32, #tpu.memory_space<vmem>>, vector<10000x64xf32>
    tpu.vector_store %arg9[%swap3A_71, %swap3A_72], %dot_general3A_70 {strides = array<i32>} : memref<10000x64xf32, #tpu.memory_space<vmem>>, vector<10000x64xf32>,
    return
  }
}

module attributes {stable_mosaic.version = 14 : i64} {
  func.func @_tc_d_body(%arg0: memref<10000x64xf32, #tpu.memory_space<vmem>>, %arg1: memref<20480x64xf32, #tpu.memory_space<vmem>>, %arg2: memref<20480x16xf32, #tpu.memory_space<vmem>>, %arg3: memref<64xf32, #tpu.memory_space<vmem>>, %arg4: memref<64xf32, #tpu.memory_space<vmem>>, %arg5: memref<64xf32, #tpu.memory_space<vmem>>, %arg6: memref<64x128xf32, #tpu.memory_space<vmem>>, %arg7: memref<10000x128xf32, #tpu.memory_space<vmem>>, %arg8: memref<10000x64xf32, #tpu.memory_space<vmem>>) attributes {dimension_semantics = [], scalar_prefetch = 0 : i64, scratch_operands = 0 : i64, tpu.core_type = #tpu.core_type<tc>} {
    %get3A = arith.constant 0 : index
    %get3A_0 = arith.constant 0 : index
    %get3A_1 = vector.load %arg2[%get3A, %get3A_0] : memref<20480x16xf32, #tpu.memory_space<vmem>>, vector<10000x1xf32>
    %get3A_2 = arith.constant 10240 : index
    %get3A_3 = arith.constant 0 : index
    %get3A_4 = vector.load %arg2[%get3A_2, %get3A_3] : memref<20480x16xf32, #tpu.memory_space<vmem>>, vector<10000x1xf32>
    %add3A = arith.addf %get3A_1, %get3A_4 : vector<10000x1xf32>
    %max3A = arith.constant 1.000000e+00 : f32
    %max3A_5 = vector.broadcast %max3A : f32 to vector<10000x1xf32>
    %max3A_6 = arith.maximumf %add3A, %max3A_5 : vector<10000x1xf32>
    %div3A = arith.constant 1.000000e+00 : f32
    %div3A_7 = vector.broadcast %div3A : f32 to vector<10000x1xf32>
    %div3A_8 = arith.divf %div3A_7, %max3A_6 : vector<10000x1xf32>
    %get3A_9 = arith.constant 0 : index
    %get3A_10 = arith.constant 0 : index
    %get3A_11 = vector.load %arg1[%get3A_9, %get3A_10] : memref<20480x64xf32, #tpu.memory_space<vmem>>, vector<10000x64xf32>
    %get3A_12 = arith.constant 10240 : index
    %get3A_13 = arith.constant 0 : index
    %get3A_14 = vector.load %arg1[%get3A_12, %get3A_13] : memref<20480x64xf32, #tpu.memory_space<vmem>>, vector<10000x64xf32>
    %add3A_15 = arith.addf %get3A_11, %get3A_14 : vector<10000x64xf32>
    %mul3A = vector.broadcast %div3A_8 : vector<10000x1xf32> to vector<10000x64xf32>
    %mul3A_16 = arith.mulf %add3A_15, %mul3A : vector<10000x64xf32>
    %get3A_17 = arith.constant 0 : index
    %get3A_18 = arith.constant 0 : index
    %get3A_19 = vector.load %arg0[%get3A_17, %get3A_18] : memref<10000x64xf32, #tpu.memory_space<vmem>>, vector<10000x64xf32>
    %add3A_20 = arith.addf %get3A_19, %mul3A_16 : vector<10000x64xf32>
    %get3A_21 = arith.constant 0 : index
    %get3A_22 = vector.load %arg3[%get3A_21] : memref<64xf32, #tpu.memory_space<vmem>>, vector<64xf32>
    %broadcast_in_dim3A = vector.shape_cast %get3A_22 : vector<64xf32> to vector<1x64xf32>
    %add3A_23 = vector.broadcast %broadcast_in_dim3A : vector<1x64xf32> to vector<10000x64xf32>
    %add3A_24 = arith.addf %add3A_20, %add3A_23 : vector<10000x64xf32>
    %get3A_25 = arith.constant 0 : index
    %get3A_26 = vector.load %arg4[%get3A_25] : memref<64xf32, #tpu.memory_space<vmem>>, vector<64xf32>
    %broadcast_in_dim3A_27 = vector.shape_cast %get3A_26 : vector<64xf32> to vector<1x64xf32>
    %get3A_28 = arith.constant 0 : index
    %get3A_29 = vector.load %arg5[%get3A_28] : memref<64xf32, #tpu.memory_space<vmem>>, vector<64xf32>
    %broadcast_in_dim3A_30 = vector.shape_cast %get3A_29 : vector<64xf32> to vector<1x64xf32>
    %reduce_sum3A = arith.constant dense<0.000000e+00> : vector<64xf32>
    %reduce_sum3A_31 = vector.multi_reduction <add>, %add3A_24, %reduce_sum3A [0] : vector<10000x64xf32> to vector<64xf32>
    %broadcast_in_dim3A_32 = vector.shape_cast %reduce_sum3A_31 : vector<64xf32> to vector<1x64xf32>
    %div3A_33 = arith.constant 1.000000e+04 : f32
    %div3A_34 = vector.broadcast %div3A_33 : f32 to vector<1x64xf32>
    %div3A_35 = arith.divf %broadcast_in_dim3A_32, %div3A_34 : vector<1x64xf32>
    %sub3A = vector.broadcast %div3A_35 : vector<1x64xf32> to vector<10000x64xf32>
    %sub3A_36 = arith.subf %add3A_24, %sub3A : vector<10000x64xf32>
    %sub3A_37 = vector.broadcast %div3A_35 : vector<1x64xf32> to vector<10000x64xf32>
    %sub3A_38 = arith.subf %add3A_24, %sub3A_37 : vector<10000x64xf32>
    %mul3A_39 = arith.mulf %sub3A_36, %sub3A_38 : vector<10000x64xf32>
    %reduce_sum3A_40 = arith.constant dense<0.000000e+00> : vector<64xf32>
    %reduce_sum3A_41 = vector.multi_reduction <add>, %mul3A_39, %reduce_sum3A_40 [0] : vector<10000x64xf32> to vector<64xf32>
    %broadcast_in_dim3A_42 = vector.shape_cast %reduce_sum3A_41 : vector<64xf32> to vector<1x64xf32>
    %div3A_43 = arith.constant 1.000000e+04 : f32
    %div3A_44 = vector.broadcast %div3A_43 : f32 to vector<1x64xf32>
    %div3A_45 = arith.divf %broadcast_in_dim3A_42, %div3A_44 : vector<1x64xf32>
    %sub3A_46 = vector.broadcast %div3A_35 : vector<1x64xf32> to vector<10000x64xf32>
    %sub3A_47 = arith.subf %add3A_24, %sub3A_46 : vector<10000x64xf32>
    %add3A_48 = arith.constant 9.99999974E-6 : f32
    %add3A_49 = vector.broadcast %add3A_48 : f32 to vector<1x64xf32>
    %add3A_50 = arith.addf %div3A_45, %add3A_49 : vector<1x64xf32>
    %rsqrt3A = math.rsqrt %add3A_50 : vector<1x64xf32>
    %mul3A_51 = vector.broadcast %rsqrt3A : vector<1x64xf32> to vector<10000x64xf32>
    %mul3A_52 = arith.mulf %sub3A_47, %mul3A_51 : vector<10000x64xf32>
    %mul3A_53 = vector.broadcast %broadcast_in_dim3A_27 : vector<1x64xf32> to vector<10000x64xf32>
    %mul3A_54 = arith.mulf %mul3A_52, %mul3A_53 : vector<10000x64xf32>
    %add3A_55 = vector.broadcast %broadcast_in_dim3A_30 : vector<1x64xf32> to vector<10000x64xf32>
    %add3A_56 = arith.addf %mul3A_54, %add3A_55 : vector<10000x64xf32>
    %max3A_57 = arith.constant 0.000000e+00 : f32
    %max3A_58 = vector.broadcast %max3A_57 : f32 to vector<10000x64xf32>
    %max3A_59 = arith.maximumf %add3A_56, %max3A_58 : vector<10000x64xf32>
    %get3A_60 = arith.constant 0 : index
    %get3A_61 = arith.constant 0 : index
    %get3A_62 = vector.load %arg6[%get3A_60, %get3A_61] : memref<64x128xf32, #tpu.memory_space<vmem>>, vector<64x128xf32>
    %dot_general3A = arith.constant dense<0.000000e+00> : vector<10000x128xf32>
    %dot_general3A_63 = tpu.matmul %max3A_59, %get3A_62, %dot_general3A {dimension_numbers = #tpu.dot_dimension_numbers<[1], [0], [0], [1], [0, 0, 1, 1], [], []>, transpose_lhs_hint = false} : vector<10000x64xf32>, vector<64x128xf32>, vector<10000x128xf32> -> vector<10000x128xf32>
    %swap3A = arith.constant 0 : index
    %swap3A_64 = arith.constant 0 : index
    %swap3A_65 = vector.load %arg7[%swap3A, %swap3A_64] : memref<10000x128xf32, #tpu.memory_space<vmem>>, vector<10000x128xf32>
    tpu.vector_store %arg7[%swap3A, %swap3A_64], %dot_general3A_63 {strides = array<i32>} : memref<10000x128xf32, #tpu.memory_space<vmem>>, vector<10000x128xf32>,
    %swap3A_66 = arith.constant 0 : index
    %swap3A_67 = arith.constant 0 : index
    %swap3A_68 = vector.load %arg8[%swap3A_66, %swap3A_67] : memref<10000x64xf32, #tpu.memory_space<vmem>>, vector<10000x64xf32>
    tpu.vector_store %arg8[%swap3A_66, %swap3A_67], %max3A_59 {strides = array<i32>} : memref<10000x64xf32, #tpu.memory_space<vmem>>, vector<10000x64xf32>,
    return
  }
}

module attributes {stable_mosaic.version = 14 : i64} {
  func.func @_tc_e_body(%arg0: memref<10000x128xf32, #tpu.memory_space<vmem>>, %arg1: memref<20480x64xf32, #tpu.memory_space<vmem>>, %arg2: memref<20480x16xf32, #tpu.memory_space<vmem>>, %arg3: memref<64x128xf32, #tpu.memory_space<vmem>>, %arg4: memref<128xf32, #tpu.memory_space<vmem>>, %arg5: memref<10000x128xf32, #tpu.memory_space<vmem>>) attributes {dimension_semantics = [], scalar_prefetch = 0 : i64, scratch_operands = 0 : i64, tpu.core_type = #tpu.core_type<tc>} {
    %get3A = arith.constant 0 : index
    %get3A_0 = arith.constant 0 : index
    %get3A_1 = vector.load %arg2[%get3A, %get3A_0] : memref<20480x16xf32, #tpu.memory_space<vmem>>, vector<10000x1xf32>
    %get3A_2 = arith.constant 10240 : index
    %get3A_3 = arith.constant 0 : index
    %get3A_4 = vector.load %arg2[%get3A_2, %get3A_3] : memref<20480x16xf32, #tpu.memory_space<vmem>>, vector<10000x1xf32>
    %add3A = arith.addf %get3A_1, %get3A_4 : vector<10000x1xf32>
    %max3A = arith.constant 1.000000e+00 : f32
    %max3A_5 = vector.broadcast %max3A : f32 to vector<10000x1xf32>
    %max3A_6 = arith.maximumf %add3A, %max3A_5 : vector<10000x1xf32>
    %div3A = arith.constant 1.000000e+00 : f32
    %div3A_7 = vector.broadcast %div3A : f32 to vector<10000x1xf32>
    %div3A_8 = arith.divf %div3A_7, %max3A_6 : vector<10000x1xf32>
    %get3A_9 = arith.constant 0 : index
    %get3A_10 = arith.constant 0 : index
    %get3A_11 = vector.load %arg1[%get3A_9, %get3A_10] : memref<20480x64xf32, #tpu.memory_space<vmem>>, vector<10000x64xf32>
    %get3A_12 = arith.constant 10240 : index
    %get3A_13 = arith.constant 0 : index
    %get3A_14 = vector.load %arg1[%get3A_12, %get3A_13] : memref<20480x64xf32, #tpu.memory_space<vmem>>, vector<10000x64xf32>
    %add3A_15 = arith.addf %get3A_11, %get3A_14 : vector<10000x64xf32>
    %mul3A = vector.broadcast %div3A_8 : vector<10000x1xf32> to vector<10000x64xf32>
    %mul3A_16 = arith.mulf %add3A_15, %mul3A : vector<10000x64xf32>
    %get3A_17 = arith.constant 0 : index
    %get3A_18 = arith.constant 0 : index
    %get3A_19 = vector.load %arg0[%get3A_17, %get3A_18] : memref<10000x128xf32, #tpu.memory_space<vmem>>, vector<10000x128xf32>
    %get3A_20 = arith.constant 0 : index
    %get3A_21 = arith.constant 0 : index
    %get3A_22 = vector.load %arg3[%get3A_20, %get3A_21] : memref<64x128xf32, #tpu.memory_space<vmem>>, vector<64x128xf32>
    %dot_general3A = arith.constant dense<0.000000e+00> : vector<10000x128xf32>
    %dot_general3A_23 = tpu.matmul %mul3A_16, %get3A_22, %dot_general3A {dimension_numbers = #tpu.dot_dimension_numbers<[1], [0], [0], [1], [0, 0, 1, 1], [], []>, transpose_lhs_hint = false} : vector<10000x64xf32>, vector<64x128xf32>, vector<10000x128xf32> -> vector<10000x128xf32>
    %add3A_24 = arith.addf %get3A_19, %dot_general3A_23 : vector<10000x128xf32>
    %get3A_25 = arith.constant 0 : index
    %get3A_26 = vector.load %arg4[%get3A_25] : memref<128xf32, #tpu.memory_space<vmem>>, vector<128xf32>
    %broadcast_in_dim3A = vector.shape_cast %get3A_26 : vector<128xf32> to vector<1x128xf32>
    %add3A_27 = vector.broadcast %broadcast_in_dim3A : vector<1x128xf32> to vector<10000x128xf32>
    %add3A_28 = arith.addf %add3A_24, %add3A_27 : vector<10000x128xf32>
    %swap3A = arith.constant 0 : index
    %swap3A_29 = arith.constant 0 : index
    %swap3A_30 = vector.load %arg5[%swap3A, %swap3A_29] : memref<10000x128xf32, #tpu.memory_space<vmem>>, vector<10000x128xf32>
    tpu.vector_store %arg5[%swap3A, %swap3A_29], %add3A_28 {strides = array<i32>} : memref<10000x128xf32, #tpu.memory_space<vmem>>, vector<10000x128xf32>,
    return
  }
}

</mosaic_0001>

<sc_bundles>
// kernel: kernel.12.cloned.1.call-start
scs
__scs_entry_jumppad:
0x0: {  	(pc) =	sbr.rel $0x88, $3  }
0x1: {  	(tag) =	ssettag $0x0;
	lr =	simm.s32 $0x1  }
0x2: {  	[smem:$0x3F8D] =	sst lr;
	_ =	strace $0xD0000000  }
0x3: {  	_ = 	snop  }
0x4: {  	_ = 	snop  }
0x5: {  	_ = 	snop  }
0x6: {  	_ = 	snop  }
0x7: {  	_ = 	snop  }
__scs_overlays_trampoline_lowered:
0x8: {  	[smem:$0x3F9C] =	sst s0  }
0x9: {  	[smem:$0x3F9D] =	sst s1  }
0xa: {  	[smem:$0x3F9E] =	sst s2  }
0xb: {  	[smem:$0x3F9F] =	sst s3  }
0xc: {  	[smem:$0x3FA0] =	sst s4  }
0xd: {  	[smem:$0x3FA1] =	sst s5  }
0xe: {  	[smem:$0x3FA2] =	sst s6  }
0xf: {  	[smem:$0x3FA3] =	sst s7  }
0x10: {  	[smem:$0x3FA4] =	sst s8  }
0x11: {  	[smem:$0x3FA5] =	sst s9;
	s0 =	simm.s32 @!p0 $0x0  }
0x12: {  	s1 =	sld [smem:$0x3F8B];
	s0 =	simm.s32 @p0 $0x1  }
0x13: {  	[smem:$0x3FA6] =	sst s0;
	s0 =	simm.s32 @!p1 $0x0  }
0x14: {  	s2 =	sld [smem:$0x3F8A];
	s0 =	simm.s32 @p1 $0x1  }
0x15: {  	[smem:$0x3FA7] =	sst s0;
	s0 =	simm.s32 @!p2 $0x0  }
0x16: {  	s3 =	sld [smem:$0x3FDB];
	s0 =	simm.s32 @p2 $0x1  }
0x17: {  	s4 =	simm.s32 $0x1BF5;
	[smem:$0x3FA9] =	sst s0  }
0x18: {  	s0 =	sld [smem:$0x3F8C];
	_ =	swait.ge [sflag:s4], $0x0  }
0x19: {  	s7 =	sld [smem:$0x3F8D]  }
0x1a: {  	s8 =	sadd.s32 $0xFFFFE003, lr  }
0x1b: {  	s9 =	sadd.s32 $0xFFFFFEF7, lr;
	s5 =	simm.s32 $0xFFFFFFFF;
	p2 =	slt.u32 s8, $0xFFFFF086  }
0x1c: {  	p1 =	slt.u32 s9, $0xF7A;
	s5 =	simm.s32 @!p2 $0x0  }
0x1d: {  	s5 =	simm.s32 @p1 $0x1;
	p0 =	seq.s32 s7, s2  }
0x1e: {  	s7 =	smul.u32 @!p0 $0xF7A, s2;
	p2 =	seq.s32 @!p0 s5, $0x0  }
0x1f: {  	s9 =	smul.u32 $0xF7A, s1;
	s8 =	simm.s32 @!p0 $0x1BF5;
	p2 =	por !p2, p0  }
0x20: {  	[sflag:s8] =	ssyncset.s32 @!p0 $0xFFFFF086;
	s6 =	sadd.s32 @!p0 s3, s7;
	s7 =	simm.s32 @!p0 $0x108  }
0x21: {  	s3 =	sadd.s32 s3, s9;
	s6 =	sadd.s32 @!p0 $0x88, s6;
	s7 =	simm.s32 @p2 $0x1082  }
0x22: {  	[simem:s7], [sflag:s8] =	dma.local @!p0 [hbm:s6], $0xF7A  }
0x23: {  	s9 =	sor.u32 $0xD0000000, s2;
	s6 =	simm.s32 $0x108;
	_ =	swait.ge @!p0 [sflag:s8], $0x0  }
0x24: {  	s3 =	sadd.s32 $0x88, s3;
	s6 =	simm.s32 @!p1 $0x1082;
	[sflag:s4] =	ssyncset.s32 $0xFFFFF086  }
0x25: {  	[simem:s6], [sflag:s4] =	dma.local [hbm:s3], $0xF7A  }
0x26: {  	[smem:$0x3F8D] =	sst s1;
	(tag) =	ssettag s2;
	_ =	strace s9  }
0x27: {  	s1 =	sld [smem:$0x3F9D]  }
0x28: {  	s2 =	sld [smem:$0x3F9E]  }
0x29: {  	s4 =	sld [smem:$0x3FA0]  }
0x2a: {  	p0 =	seq.s32 s5, $0x0;
	s5 =	sld [smem:$0x3FA1]  }
0x2b: {  	s6 =	sld [smem:$0x3FA2]  }
0x2c: {  	s7 =	sld [smem:$0x3FA3]  }
0x2d: {  	s3 =	simm.s32 $0x108;
	s8 =	sld [smem:$0x3FA4]  }
0x2e: {  	s3 =	simm.s32 @!p0 $0x1082;
	s9 =	sld [smem:$0x3FA5]  }
0x2f: {  	lr =	sadd.s32 s0, s3;
	s0 =	sld [smem:$0x3F9C]  }
0x30: {  	s3 =	sld [smem:$0x3F9F]  }
0x31: {  	[smem:$0x3FA8] =	sst s10  }
0x32: {  	s10 =	sld [smem:$0x3FA6];
	_ =	sdelay $0x3  }
0x33: {  	p0 =	seq.s32 s10, $0x1;
	s10 =	sld [smem:$0x3FA8];
	_ =	sdelay $0x3  }
0x34: {  	[smem:$0x3FA8] =	sst s10  }
0x35: {  	s10 =	sld [smem:$0x3FA7];
	_ =	sdelay $0x3  }
0x36: {  	p1 =	seq.s32 s10, $0x1;
	s10 =	sld [smem:$0x3FA8];
	_ =	sdelay $0x3  }
0x37: {  	[smem:$0x3FA8] =	sst s10  }
0x38: {  	s10 =	sld [smem:$0x3FA9]  }
0x39: {  	_ = 	snop;
	(pc) =	sbr.ind lr, $3  }
0x3a: {  	_ = 	snop  }
0x3b: {  	_ = 	snop  }
0x3c: {  	p2 =	seq.s32 s10, $0x1;
	s10 =	sld [smem:$0x3FA8]  }
0x3d: {  	_ =	shalt  }
0x3e: {  	_ =	shalt  }
0x3f: {  	_ =	shalt  }
0x40: {  	_ =	shalt  }
0x41: {  	_ =	shalt  }
0x42: {  	_ =	shalt  }
0x43: {  	_ =	shalt  }
0x44: {  	_ =	shalt  }
0x45: {  	_ =	shalt  }
0x46: {  	_ =	shalt  }
0x47: {  	_ =	shalt  }
0x48: {  	_ =	shalt  }
0x49: {  	_ =	shalt  }
0x4a: {  	_ =	shalt  }
0x4b: {  	_ =	shalt  }
0x4c: {  	_ =	shalt  }
0x4d: {  	_ =	shalt  }
0x4e: {  	_ =	shalt  }
0x4f: {  	_ =	shalt  }
0x50: {  	_ =	shalt  }
0x51: {  	_ =	shalt  }
0x52: {  	_ =	shalt  }
0x53: {  	_ =	shalt  }
0x54: {  	_ =	shalt  }
0x55: {  	_ =	shalt  }
0x56: {  	_ =	shalt  }
0x57: {  	_ =	shalt  }
0x58: {  	_ =	shalt  }
0x59: {  	_ =	shalt  }
0x5a: {  	_ =	shalt  }
0x5b: {  	_ =	shalt  }
0x5c: {  	_ =	shalt  }
0x5d: {  	_ =	shalt  }
0x5e: {  	_ =	shalt  }
0x5f: {  	_ =	shalt  }
0x60: {  	_ =	shalt  }
0x61: {  	_ =	shalt  }
0x62: {  	_ =	shalt  }
0x63: {  	_ =	shalt  }
0x64: {  	_ =	shalt  }
0x65: {  	_ =	shalt  }
0x66: {  	_ =	shalt  }
0x67: {  	_ =	shalt  }
0x68: {  	_ =	shalt  }
0x69: {  	_ =	shalt  }
0x6a: {  	_ =	shalt  }
0x6b: {  	_ =	shalt  }
0x6c: {  	_ =	shalt  }
0x6d: {  	_ =	shalt  }
0x6e: {  	_ =	shalt  }
0x6f: {  	_ =	shalt  }
0x70: {  	_ =	shalt  }
0x71: {  	_ =	shalt  }
0x72: {  	_ =	shalt  }
0x73: {  	_ =	shalt  }
0x74: {  	_ =	shalt  }
0x75: {  	_ =	shalt  }
0x76: {  	_ =	shalt  }
0x77: {  	_ =	shalt  }
0x78: {  	_ =	shalt  }
0x79: {  	_ =	shalt  }
0x7a: {  	_ =	shalt  }
0x7b: {  	_ =	shalt  }
0x7c: {  	_ =	shalt  }
0x7d: {  	_ =	shalt  }
0x7e: {  	_ =	shalt  }
0x7f: {  	_ =	shalt  }
0x80: {  	_ =	shalt  }
0x81: {  	_ =	shalt  }
0x82: {  	_ =	shalt  }
0x83: {  	_ =	shalt  }
0x84: {  	_ =	shalt  }
0x85: {  	_ =	shalt  }
0x86: {  	_ =	shalt  }
0x87: {  	_ =	shalt  }
.Lfunc_end0:
.L_simem_size_0:
called_computation_lowered:
.L_overlay_start_0:
0x88: {  	s2 =	sld [smem:$0x3FD9]  }
0x89: {  	s3 =	sld [smem:$0x3FFE];
	_ =	sdelay $0x1  }
0x8a: {  	s1 =	srdreg.scid  }
0x8b: {  	s0 =	sand.u32 $0x1, s1  }
0x8c: {  	s16 =	sshll.u32 s0, $0xA;
	s2 =	sadd.s32 s3, s2  }
0x8d: {  	s2 =	sadd.s32 s2, s16  }
0x8e: {  	[smem:$0x3FB4] =	sst s2  }
0x8f: {  	_ = 	snop  }
0x90: {  	(tm) =	ssettm $0x1  }
0x91: {  	s17 =	sld [smem:$0x3FFB];
	_ =	sdelay $0x3  }
0x92: {  	_ =	strace s17  }
0x93: {  	s2 =	sld [smem:$0x3FFC];
	_ =	sdelay $0x3  }
0x94: {  	_ =	strace s2  }
0x95: {  	s2 =	sld [smem:$0x3FFD];
	_ =	sdelay $0x3  }
0x96: {  	_ =	strace s2  }
0x97: {  	_ =	strace $0x8FFFFFFF  }
0x98: {  	s18 =	sld [smem:$0x3FDB];
	_ =	sdelay $0x1  }
0x99: {  	s19 =	simm.s32 $_scs_section_size  }
0x9a: {  	s4 =	simm.s32 $_size__tile_overlayer_lowered;
	s5 =	simm.s32 $_tile_overlayer_lowered  }
0x9b: {  	s22 =	simm.s32 $0x1BFF;
	s21 =	sshll.u32 s5, $0x1;
	s2 =	sadd.s32 s19, s18  }
0x9c: {  	s6 =	simm.s32 $0x0;
	s20 =	sshll.u32 s4, $0x1;
	s4 =	sadd.s32 s21, s2  }
0x9d: {  	[timem:s6], [sflag:s22] =	dma.local [hbm:s4], s20  }
0x9e: {  	_ =	swait.ge [sflag:s22], s20  }
0x9f: {  	s3 =	ssub.s32 $0x0, s20;
	[sflag:s22] =	ssyncset.done $0x0  }
0xa0: {  	[sflag:s22] =	ssyncadd.s32 s3;
	_ =	sdelay $0x1  }
0xa1: {  	s23 =	simm.s32 $0x1B8B  }
0xa2: {  	_ =	swait.ge [sflag:s23], $0x1  }
0xa3: {  	[sflag:s23] =	ssyncset.done $0x0  }
0xa4: {  	s25 =	simm.s32 $0x1B8E;
	s24 =	sld [smem:$0x3FFE];
	[sflag:s23] =	ssyncadd.s32 $0xFFFFFFFF  }
0xa5: {  	s26 =	simm.s32 $execute0_lowered;
	[smem:$0x3FD2] =	sst s25  }
0xa6: {  	s4 =	sshll.u32 s26, $0x1;
	_ =	strace $0x80000046;
	[dreg:$0x1] =	wrdreg $0xFFFFFFFF  }
0xa7: {  	s28 =	simm.s32 $_size_execute0_lowered;
	s2 =	sadd.s32 s2, s4;
	[dreg:$0x0] =	wrdreg $0x0  }
0xa8: {  	s4 =	sshll.u32 s28, $0x1;
	[dreg:$0x2] =	wrdreg s2  }
0xa9: {  	[dreg:$0x3] =	wrdreg s4  }
0xaa: {  	[dreg:$0x4] =	wrdreg $0xC0  }
0xab: {  	_ =	task [dreg:s6], $0x5FFFF  }
0xac: {  	[dreg:$0x1] =	wrdreg $0xFFFFFFFF  }
0xad: {  	[dreg:$0x0] =	wrdreg $0x60  }
0xae: {  	[dreg:$0x2] =	wrdreg s24  }
0xaf: {  	[dreg:$0x3] =	wrdreg $0x38000  }
0xb0: {  	[dreg:$0x4] =	wrdreg $0x9  }
0xb1: {  	_ =	task.clear_ibuf [dreg:s6], $0x5FFFF;
	_ =	strace $0x90000046  }
0xb2: {  	s29 =	simm.s32 $0x9;
	_ =	strace $0x80000048  }
0xb3: {  	_ =	swait.ge [sflag:s29], $0x1  }
0xb4: {  	[sflag:s29] =	ssyncadd.s32 $0xFFFFFFFF  }
0xb5: {  	_ =	strace $0x90000048  }
0xb6: {  	_ =	sfence  }
0xb7: {  	s30 =	sld [smem:$0x0];
	_ =	sdelay $0x2  }
0xb8: {  	s31 =	sshll.u32 s1, $0xD;
	s1 =	sshrl.u32 s1, $0x2  }
0xb9: {  	s3 =	sand.u32 $0x4000, s31;
	s1 =	sadd.s32 s1, s30  }
0xba: {  	s0 =	sor.u32 s3, s0;
	s1 =	sshll.u32 s1, $0x11  }
0xbb: {  	s0 =	sor.u32 s1, s0  }
0xbc: {  	s0 =	sadd.s32 $0x8F2B, s0  }
0xbd: {  	[sflag:s0] =	ssyncadd.remote.s32 $0x1  }
0xbe: {  	_ =	sfence.sel $0xFFFF  }
0xbf: {  	[dreg:$0x0] =	wrdreg $0xFFFFFFFF;
	(pc) =	sbr.abs _section_cstart, $3  }
0xc0: {  	[dreg:$0x1] =	wrdreg $0xFFFFFFFF  }
0xc1: {  	_ =	task.clear_ibuf [dreg:s6], $0x2FFFF;
	_ =	strace $0x9FFFFFFF  }
0xc2: {  	(tm) =	ssettm $0x7FFFFFFF  }
0xc3: {  	_ =	shalt  }
tec
execute0_lowered:
.L_overlay_start_1:
0x0: {  	(tag) =	ssettag $0x1  }
0x1: {  	s5 =	rddreg [dreg:$0x0]  }
0x2: {  	s0 =	srdreg.scid;
	s2 =	rddreg [dreg:$0x1]  }
0x3: {  	s3 =	simm.s32 $0x0;
	s4 =	sand.u32 $0x1, s0;
	s0 =	stileid.u32  }
0x4: {  	s12 =	simm.s32 $0x2800;
	s13 =	simm.s32 $0x100;
	s7 =	smul.u32 $0x2800, s0  }
0x5: {  	s14 =	simm.s32 $0x0;
	[smem:$0x7FF] =	sst s3;
	s8 =	smul.u32 $0x500, s0  }
0x6: {  	s1 =	sshll.u32 s4, $0x4;
	s9 =	smul.u32 $0x5000, s4;
	s11 =	ssub.s32 $0x2, s4  }
0x7: {  	s4 =	sadd.s32 $0xE000, s5;
	s31 =	sshll.u32 s0, $0x6;
	s1 =	sor.u32 s0, s1  }
0x8: {  	s29 =	sshrl.u32 s11, $0x1;
	s6 =	smul.u32 $0x500, s1;
	s1 =	rddreg [dreg:$0x2]  }
0x9: {  	_ =	strace $0x80000047;
	s28 =	sshrl.u32 s7, $0x3;
	s8 =	sadd.s32 s8, s9  }
0xa: {  	s9 =	ssub.s32 s11, s29;
	s30 =	sadd.s32 s7, s2;
	s11 =	simm.s32 $0x1  }
0xb: {  	s8 =	sadd.s32 s8, s5;
	s10 =	sadd.s32 s6, s5;
	s6 =	sadd.s32 s28, s5  }
0xc: {  	s9 =	smax.u32 s9, $0x1;
	s8 =	sadd.s32 $0x13200, s8;
	s5 =	sadd.s32 $0xE200, s6  }
0xd: {  	s6 =	sor.u32 $0x1C01, s31;
	s7 =	sadd.s32 $0x4000, s10;
	s10 =	sshrl.u32 s30, $0x3  }
.LBB2_1:
0xe: {  	[spmem:s10], [sflag:s6] =	dma.local [hbm:s5], $0x500  }
0xf: {  	_ =	swait.ge [sflag:s11], $0x500  }
0x10: {  	[sflag:s11] =	ssyncset.done $0x0  }
0x11: {  	[sflag:s11] =	ssyncadd.s32 $0xFFFFFB00  }
0x12: {  	[tilespmem:s3], [sflag:$0x1] =	stream.linear.gather [hbm4b:s7+s3], $0x2800, $0x38;
	[tilespmem:$0x6000] =	vst v63  }
0x13: {  	_ =	swait.ge [sflag:s11], $0x2800  }
0x14: {  	[sflag:s11] =	ssyncset.done $0x0  }
0x15: {  	[sflag:s11] =	ssyncadd.s32 $0xFFFFD800  }
0x16: {  	[tilespmem:s12], [sflag:$0x1] =	stream.linear.gather [hbm4b:s4+s3], $0x1000, $0x38;
	[tilespmem:$0x6000] =	vst v63  }
0x17: {  	_ =	swait.ge [sflag:s11], $0x1000  }
0x18: {  	[sflag:s11] =	ssyncset.done $0x0  }
0x19: {  	[sflag:s11] =	ssyncadd.s32 $0xFFFFF000  }
0x1a: {  	s15 =	simm.s32 $0x0;
	[bflag:$0x0] =	sbarrier.arrive $0xFFFF  }
0x1b: {  	[spmem:s2] =	stream.indirect.scatter.add.f32 [tilespmem:s12], [sflag:$0x1], $0x10, s15, s13, $0xb8;
	[tilespmem:$0x6000] =	vst v63  }
0x1c: {  	_ =	swait.ge [sflag:s11], $0x1000  }
0x1d: {  	s15 =	simm.s32 $0x400;
	[sflag:s11] =	ssyncset.done $0x0  }
.LBB2_2:
0x1e: {  	s16 =	sshra.s32 s15, $0x2;
	[sflag:s11] =	ssyncadd.s32 $0xFFFFF000;
	p0 =	sne.s32 s15, $0x9C00  }
0x1f: {  	[spmem:s2] =	stream.indirect.scatter.add.f32 [tilespmem:s12], [sflag:$0x1], $0x10, s16, s13, $0xb8;
	[tilespmem:$0x6000] =	vst v63  }
.Ltmp0:
0x20: {  	_ = 	snop;
	(pc) =	sbr.rel @p0 .LBB2_2-.Ltmp0, $4  }
0x21: {  	_ = 	snop  }
0x22: {  	s15 =	sadd.s32 $0x400, s15  }
0x23: {  	_ =	swait.ge [sflag:s11], $0x1000  }
0x24: {  	[sflag:s11] =	ssyncset.done $0x0  }
0x25: {  	s14 =	sadd.s32 $0x1, s14  }
0x26: {  	[sflag:s11] =	ssyncadd.s32 $0xFFFFF000;
	p0 =	sne.s32 s14, s9  }
.Ltmp1:
0x27: {  	[bflag:$0x0] =	sbarrier.arrive $0xFFFF;
	(pc) =	sbr.rel @p0 .LBB2_1-.Ltmp1, $4  }
0x28: {  	[hbm:s8], [sflag:s6] =	dma.local [spmem:s10], $0x500  }
0x29: {  	_ =	swait.ge [sflag:s11], $0x500  }
0x2a: {  	[sflag:s11] =	ssyncset.done $0x0  }
0x2b: {  	[sflag:s11] =	ssyncadd.s32 $0xFFFFFB00  }
0x2c: {  	_ =	sfence.sel $0x180000  }
0x2d: {  	[bflag:$0x0] =	sbarrier.arrive $0xFFFF  }
0x2e: {  	p0 =	sne.s32 s0, $0x0;
	_ =	strace $0x90000047  }
0x2f: {  	s0 =	sadd.s32 @!p0 $0x100000, s1;
	[bflag:$0x2] =	sbarrier.arrive $0xFFFF  }
0x30: {  	[sflag:s0] =	ssyncadd.tile.s32 @!p0 $0x1;
	_ =	shalt  }
.Lfunc_end2:
_tile_overlayer_lowered:
.L_overlay_start_2:
0x31: {  	(tag) =	ssettag $0x2  }
0x32: {  	s0 =	rddreg [dreg:$0x0];
	s2 =	stileid.u32  }
0x33: {  	s1 =	rddreg [dreg:$0x1];
	p0 =	sne.s32 s2, $0x0  }
0x34: {  	s3 =	rddreg [dreg:$0x2];
	[bflag:$0x3] =	sbarrier.arrive $0xFFFF;
	s2 =	simm.s32 @!p0 $0x1C01  }
0x35: {  	[timem:s3], [sflag:s2] =	dma.local @!p0 [hbm:s0], s1  }
0x36: {  	s0 =	simm.s32 @!p0 $0x1  }
0x37: {  	_ =	swait.ge @!p0 [sflag:s0], s1  }
0x38: {  	s1 =	ssub.s32 @!p0 $0x0, s1;
	[sflag:s0] =	ssyncset.done @!p0 $0x0  }
0x39: {  	[sflag:s0] =	ssyncadd.s32 @!p0 s1  }
0x3a: {  	[bflag:$0x3] =	sbarrier.arrive $0xFFFF  }
0x3b: {  	_ =	shalt  }

// kernel: kernel.15.cloned.1.call-start
scs
__scs_entry_jumppad:
0x0: {  	(pc) =	sbr.rel $0x88, $3  }
0x1: {  	(tag) =	ssettag $0x0;
	lr =	simm.s32 $0x1  }
0x2: {  	[smem:$0x3F8D] =	sst lr;
	_ =	strace $0xD0000000  }
0x3: {  	_ = 	snop  }
0x4: {  	_ = 	snop  }
0x5: {  	_ = 	snop  }
0x6: {  	_ = 	snop  }
0x7: {  	_ = 	snop  }
__scs_overlays_trampoline_lowered:
0x8: {  	[smem:$0x3F9C] =	sst s0  }
0x9: {  	[smem:$0x3F9D] =	sst s1  }
0xa: {  	[smem:$0x3F9E] =	sst s2  }
0xb: {  	[smem:$0x3F9F] =	sst s3  }
0xc: {  	[smem:$0x3FA0] =	sst s4  }
0xd: {  	[smem:$0x3FA1] =	sst s5  }
0xe: {  	[smem:$0x3FA2] =	sst s6  }
0xf: {  	[smem:$0x3FA3] =	sst s7  }
0x10: {  	[smem:$0x3FA4] =	sst s8  }
0x11: {  	[smem:$0x3FA5] =	sst s9;
	s0 =	simm.s32 @!p0 $0x0  }
0x12: {  	s1 =	sld [smem:$0x3F8B];
	s0 =	simm.s32 @p0 $0x1  }
0x13: {  	[smem:$0x3FA6] =	sst s0;
	s0 =	simm.s32 @!p1 $0x0  }
0x14: {  	s2 =	sld [smem:$0x3F8A];
	s0 =	simm.s32 @p1 $0x1  }
0x15: {  	[smem:$0x3FA7] =	sst s0;
	s0 =	simm.s32 @!p2 $0x0  }
0x16: {  	s3 =	sld [smem:$0x3FDB];
	s0 =	simm.s32 @p2 $0x1  }
0x17: {  	s4 =	simm.s32 $0x1BF5;
	[smem:$0x3FA9] =	sst s0  }
0x18: {  	s0 =	sld [smem:$0x3F8C];
	_ =	swait.ge [sflag:s4], $0x0  }
0x19: {  	s7 =	sld [smem:$0x3F8D]  }
0x1a: {  	s8 =	sadd.s32 $0xFFFFE003, lr  }
0x1b: {  	s9 =	sadd.s32 $0xFFFFFEF7, lr;
	s5 =	simm.s32 $0xFFFFFFFF;
	p2 =	slt.u32 s8, $0xFFFFF086  }
0x1c: {  	p1 =	slt.u32 s9, $0xF7A;
	s5 =	simm.s32 @!p2 $0x0  }
0x1d: {  	s5 =	simm.s32 @p1 $0x1;
	p0 =	seq.s32 s7, s2  }
0x1e: {  	s7 =	smul.u32 @!p0 $0xF7A, s2;
	p2 =	seq.s32 @!p0 s5, $0x0  }
0x1f: {  	s9 =	smul.u32 $0xF7A, s1;
	s8 =	simm.s32 @!p0 $0x1BF5;
	p2 =	por !p2, p0  }
0x20: {  	[sflag:s8] =	ssyncset.s32 @!p0 $0xFFFFF086;
	s6 =	sadd.s32 @!p0 s3, s7;
	s7 =	simm.s32 @!p0 $0x108  }
0x21: {  	s3 =	sadd.s32 s3, s9;
	s6 =	sadd.s32 @!p0 $0x88, s6;
	s7 =	simm.s32 @p2 $0x1082  }
0x22: {  	[simem:s7], [sflag:s8] =	dma.local @!p0 [hbm:s6], $0xF7A  }
0x23: {  	s9 =	sor.u32 $0xD0000000, s2;
	s6 =	simm.s32 $0x108;
	_ =	swait.ge @!p0 [sflag:s8], $0x0  }
0x24: {  	s3 =	sadd.s32 $0x88, s3;
	s6 =	simm.s32 @!p1 $0x1082;
	[sflag:s4] =	ssyncset.s32 $0xFFFFF086  }
0x25: {  	[simem:s6], [sflag:s4] =	dma.local [hbm:s3], $0xF7A  }
0x26: {  	[smem:$0x3F8D] =	sst s1;
	(tag) =	ssettag s2;
	_ =	strace s9  }
0x27: {  	s1 =	sld [smem:$0x3F9D]  }
0x28: {  	s2 =	sld [smem:$0x3F9E]  }
0x29: {  	s4 =	sld [smem:$0x3FA0]  }
0x2a: {  	p0 =	seq.s32 s5, $0x0;
	s5 =	sld [smem:$0x3FA1]  }
0x2b: {  	s6 =	sld [smem:$0x3FA2]  }
0x2c: {  	s7 =	sld [smem:$0x3FA3]  }
0x2d: {  	s3 =	simm.s32 $0x108;
	s8 =	sld [smem:$0x3FA4]  }
0x2e: {  	s3 =	simm.s32 @!p0 $0x1082;
	s9 =	sld [smem:$0x3FA5]  }
0x2f: {  	lr =	sadd.s32 s0, s3;
	s0 =	sld [smem:$0x3F9C]  }
0x30: {  	s3 =	sld [smem:$0x3F9F]  }
0x31: {  	[smem:$0x3FA8] =	sst s10  }
0x32: {  	s10 =	sld [smem:$0x3FA6];
	_ =	sdelay $0x3  }
0x33: {  	p0 =	seq.s32 s10, $0x1;
	s10 =	sld [smem:$0x3FA8];
	_ =	sdelay $0x3  }
0x34: {  	[smem:$0x3FA8] =	sst s10  }
0x35: {  	s10 =	sld [smem:$0x3FA7];
	_ =	sdelay $0x3  }
0x36: {  	p1 =	seq.s32 s10, $0x1;
	s10 =	sld [smem:$0x3FA8];
	_ =	sdelay $0x3  }
0x37: {  	[smem:$0x3FA8] =	sst s10  }
0x38: {  	s10 =	sld [smem:$0x3FA9]  }
0x39: {  	_ = 	snop;
	(pc) =	sbr.ind lr, $3  }
0x3a: {  	_ = 	snop  }
0x3b: {  	_ = 	snop  }
0x3c: {  	p2 =	seq.s32 s10, $0x1;
	s10 =	sld [smem:$0x3FA8]  }
0x3d: {  	_ =	shalt  }
0x3e: {  	_ =	shalt  }
0x3f: {  	_ =	shalt  }
0x40: {  	_ =	shalt  }
0x41: {  	_ =	shalt  }
0x42: {  	_ =	shalt  }
0x43: {  	_ =	shalt  }
0x44: {  	_ =	shalt  }
0x45: {  	_ =	shalt  }
0x46: {  	_ =	shalt  }
0x47: {  	_ =	shalt  }
0x48: {  	_ =	shalt  }
0x49: {  	_ =	shalt  }
0x4a: {  	_ =	shalt  }
0x4b: {  	_ =	shalt  }
0x4c: {  	_ =	shalt  }
0x4d: {  	_ =	shalt  }
0x4e: {  	_ =	shalt  }
0x4f: {  	_ =	shalt  }
0x50: {  	_ =	shalt  }
0x51: {  	_ =	shalt  }
0x52: {  	_ =	shalt  }
0x53: {  	_ =	shalt  }
0x54: {  	_ =	shalt  }
0x55: {  	_ =	shalt  }
0x56: {  	_ =	shalt  }
0x57: {  	_ =	shalt  }
0x58: {  	_ =	shalt  }
0x59: {  	_ =	shalt  }
0x5a: {  	_ =	shalt  }
0x5b: {  	_ =	shalt  }
0x5c: {  	_ =	shalt  }
0x5d: {  	_ =	shalt  }
0x5e: {  	_ =	shalt  }
0x5f: {  	_ =	shalt  }
0x60: {  	_ =	shalt  }
0x61: {  	_ =	shalt  }
0x62: {  	_ =	shalt  }
0x63: {  	_ =	shalt  }
0x64: {  	_ =	shalt  }
0x65: {  	_ =	shalt  }
0x66: {  	_ =	shalt  }
0x67: {  	_ =	shalt  }
0x68: {  	_ =	shalt  }
0x69: {  	_ =	shalt  }
0x6a: {  	_ =	shalt  }
0x6b: {  	_ =	shalt  }
0x6c: {  	_ =	shalt  }
0x6d: {  	_ =	shalt  }
0x6e: {  	_ =	shalt  }
0x6f: {  	_ =	shalt  }
0x70: {  	_ =	shalt  }
0x71: {  	_ =	shalt  }
0x72: {  	_ =	shalt  }
0x73: {  	_ =	shalt  }
0x74: {  	_ =	shalt  }
0x75: {  	_ =	shalt  }
0x76: {  	_ =	shalt  }
0x77: {  	_ =	shalt  }
0x78: {  	_ =	shalt  }
0x79: {  	_ =	shalt  }
0x7a: {  	_ =	shalt  }
0x7b: {  	_ =	shalt  }
0x7c: {  	_ =	shalt  }
0x7d: {  	_ =	shalt  }
0x7e: {  	_ =	shalt  }
0x7f: {  	_ =	shalt  }
0x80: {  	_ =	shalt  }
0x81: {  	_ =	shalt  }
0x82: {  	_ =	shalt  }
0x83: {  	_ =	shalt  }
0x84: {  	_ =	shalt  }
0x85: {  	_ =	shalt  }
0x86: {  	_ =	shalt  }
0x87: {  	_ =	shalt  }
.Lfunc_end0:
.L_simem_size_0:
called_computation.1_lowered:
.L_overlay_start_0:
0x88: {  	s2 =	sld [smem:$0x3FD9]  }
0x89: {  	s3 =	sld [smem:$0x3FFE];
	_ =	sdelay $0x1  }
0x8a: {  	s1 =	srdreg.scid  }
0x8b: {  	s0 =	sand.u32 $0x1, s1  }
0x8c: {  	s17 =	sshll.u32 s0, $0xA;
	s2 =	sadd.s32 s3, s2  }
0x8d: {  	s2 =	sadd.s32 s2, s17  }
0x8e: {  	[smem:$0x3FB4] =	sst s2  }
0x8f: {  	_ = 	snop  }
0x90: {  	s18 =	sld [smem:$0x3FD0];
	(tm) =	ssettm $0x1  }
0x91: {  	s19 =	sld [smem:$0x3FFB];
	_ =	sdelay $0x3  }
0x92: {  	_ =	strace s19  }
0x93: {  	s2 =	sld [smem:$0x3FFC];
	_ =	sdelay $0x3  }
0x94: {  	_ =	strace s2  }
0x95: {  	s2 =	sld [smem:$0x3FFD];
	_ =	sdelay $0x3  }
0x96: {  	_ =	strace s2  }
0x97: {  	_ =	strace $0x8FFFFFFF  }
0x98: {  	s20 =	sld [smem:$0x3FDB];
	_ =	sdelay $0x1  }
0x99: {  	s4 =	simm.s32 $_scs_section_size  }
0x9a: {  	s5 =	simm.s32 $_size__tile_overlayer_lowered;
	s6 =	simm.s32 $_tile_overlayer_lowered  }
0x9b: {  	s7 =	simm.s32 $0x1BFF;
	s21 =	sshll.u32 s6, $0x1;
	s4 =	sadd.s32 s4, s20  }
0x9c: {  	s22 =	simm.s32 $0x0;
	s5 =	sshll.u32 s5, $0x1;
	s6 =	sadd.s32 s21, s4  }
0x9d: {  	[timem:s22], [sflag:s7] =	dma.local [hbm:s6], s5  }
0x9e: {  	_ =	swait.ge [sflag:s7], s5  }
0x9f: {  	s5 =	ssub.s32 $0x0, s5;
	[sflag:s7] =	ssyncset.done $0x0  }
0xa0: {  	[sflag:s7] =	ssyncadd.s32 s5;
	_ =	sdelay $0x1  }
0xa1: {  	s23 =	simm.s32 $0x1B8B  }
0xa2: {  	_ =	swait.ge [sflag:s23], $0x1  }
0xa3: {  	[sflag:s23] =	ssyncset.done $0x0  }
0xa4: {  	[sflag:s23] =	ssyncadd.s32 $0xFFFFFFFF  }
0xa5: {  	s5 =	sld [smem:$0x0]  }
0xa6: {  	s6 =	sand.u32 $0xFFFFFFFE, s1  }
0xa7: {  	p0 =	sne.s32 s1, s6  }
0xa8: {  	s6 =	sshll.u32 @p0 s6, $0xE  }
0xa9: {  	s6 =	sadd.s32 @p0 $0x11B8D, s6;
	s7 =	sshll.u32 @p0 s5, $0x11  }
0xaa: {  	s6 =	sor.u32 @p0 s7, s6  }
0xab: {  	[sflag:s6] =	ssyncadd.remote.s32 @p0 $0x1;
	_ =	sdelay $0x1  }
0xac: {  	s6 =	simm.s32 @p0 $0x1B8D  }
0xad: {  	_ =	swait.eq @p0 [sflag:s6], $0x1  }
0xae: {  	[sflag:s6] =	ssyncadd.s32 @p0 $0xFFFFFFFF  }
0xaf: {  	s7 =	sshll.u32 @!p0 s1, $0xE  }
0xb0: {  	s7 =	sor.u32 @!p0 $0x4000, s7;
	s6 =	simm.s32 @!p0 $0x1B8D  }
0xb1: {  	s5 =	sshll.u32 @!p0 s5, $0x11;
	s7 =	sadd.s32 @!p0 $0x11B8D, s7;
	_ =	swait.eq @!p0 [sflag:s6], $0x1  }
0xb2: {  	s5 =	sor.u32 @!p0 s5, s7;
	[sflag:s6] =	ssyncadd.s32 @!p0 $0xFFFFFFFF  }
0xb3: {  	s25 =	simm.s32 $0x1B8E;
	s24 =	sld [smem:$0x3FFE];
	[sflag:s5] =	ssyncadd.remote.s32 @!p0 $0x1  }
0xb4: {  	s26 =	simm.s32 $execute0_lowered;
	[smem:$0x3FD2] =	sst s25  }
0xb5: {  	s6 =	sshll.u32 s26, $0x1;
	_ =	strace $0x80000049;
	[dreg:$0x1] =	wrdreg $0xFFFFFFFF  }
0xb6: {  	s28 =	simm.s32 $_size_execute0_lowered;
	s4 =	sadd.s32 s4, s6;
	[dreg:$0x0] =	wrdreg $0x0  }
0xb7: {  	s6 =	sshll.u32 s28, $0x1;
	[dreg:$0x2] =	wrdreg s4  }
0xb8: {  	[dreg:$0x3] =	wrdreg s6  }
0xb9: {  	[dreg:$0x4] =	wrdreg $0xC0  }
0xba: {  	_ =	task [dreg:s22], $0x5FFFF  }
0xbb: {  	[dreg:$0x1] =	wrdreg $0xFFFFFFFF  }
0xbc: {  	[dreg:$0x0] =	wrdreg $0x60  }
0xbd: {  	[dreg:$0x2] =	wrdreg s24  }
0xbe: {  	[dreg:$0x3] =	wrdreg s18  }
0xbf: {  	[dreg:$0x4] =	wrdreg $0x120000  }
0xc0: {  	[dreg:$0x5] =	wrdreg $0xA  }
0xc1: {  	_ =	task.clear_ibuf [dreg:s22], $0x6FFFF;
	_ =	strace $0x90000049  }
0xc2: {  	s29 =	simm.s32 $0xA;
	_ =	strace $0x8000004B  }
0xc3: {  	_ =	swait.ge [sflag:s29], $0x1  }
0xc4: {  	[sflag:s29] =	ssyncadd.s32 $0xFFFFFFFF  }
0xc5: {  	_ =	strace $0x9000004B  }
0xc6: {  	_ =	sfence  }
0xc7: {  	s30 =	sld [smem:$0x0];
	_ =	sdelay $0x2  }
0xc8: {  	s31 =	sshll.u32 s1, $0xD;
	s1 =	sshrl.u32 s1, $0x2  }
0xc9: {  	s4 =	sand.u32 $0x4000, s31;
	s1 =	sadd.s32 s1, s30  }
0xca: {  	s0 =	sor.u32 s4, s0;
	s1 =	sshll.u32 s1, $0x11  }
0xcb: {  	s0 =	sor.u32 s1, s0  }
0xcc: {  	s0 =	sadd.s32 $0x8F2B, s0  }
0xcd: {  	[sflag:s0] =	ssyncadd.remote.s32 $0x1  }
0xce: {  	_ =	sfence.sel $0xFFFF  }
0xcf: {  	[dreg:$0x0] =	wrdreg $0xFFFFFFFF;
	(pc) =	sbr.abs _section_cstart, $3  }
0xd0: {  	[dreg:$0x1] =	wrdreg $0xFFFFFFFF  }
0xd1: {  	_ =	task.clear_ibuf [dreg:s22], $0x2FFFF;
	_ =	strace $0x9FFFFFFF  }
0xd2: {  	(tm) =	ssettm $0x7FFFFFFF  }
0xd3: {  	_ =	shalt  }
tec
execute0_lowered:
.L_overlay_start_1:
0x0: {  	(tag) =	ssettag $0x1  }
0x1: {  	s5 =	rddreg [dreg:$0x0]  }
0x2: {  	s6 =	rddreg [dreg:$0x1]  }
0x3: {  	s2 =	rddreg [dreg:$0x2]  }
0x4: {  	s0 =	rddreg [dreg:$0x3]  }
0x5: {  	s1 =	stileid.u32;
	s4 =	srdreg.scid;
	s3 =	simm.s32 $0x0  }
0x6: {  	s16 =	simm.s32 $0xA000;
	s17 =	simm.s32 $0xE000;
	s18 =	simm.s32 $0x1  }
0x7: {  	s19 =	simm.s32 $0x0;
	s7 =	smul.u32 $0xA00, s1;
	s8 =	sand.u32 $0x1, s4  }
0x8: {  	s9 =	smul.u32 $0x1400, s1;
	[smem:$0x7FF] =	sst s3;
	s4 =	sadd.s32 $0x1D200, s5  }
0x9: {  	s26 =	smul.u32 $0xA000, s1;
	s30 =	sshll.u32 s1, $0x6;
	p0 =	seq.s32 s8, $0x1  }
0xa: {  	s10 =	smul.u32 $0x14000, s8;
	_ =	strace $0x8000004A;
	s8 =	ssub.s32 $0x2, s8  }
0xb: {  	s7 =	simm.s32 @p0 $0xA000;
	s28 =	sshrl.u32 s8, $0x1;
	s29 =	sshrl.u32 s26, $0x3  }
0xc: {  	s14 =	sadd.s32 s26, s2;
	s11 =	sadd.s32 s7, s5;
	s25 =	sadd.s32 s9, s10  }
0xd: {  	s9 =	simm.s32 $0x0;
	s13 =	ssub.s32 s8, s28;
	s6 =	sadd.s32 s6, s29  }
.Ltmp0:
0xe: {  	s7 =	sor.u32 $0x1C02, s30;
	s9 =	simm.s32 @!p0 $0x14;
	(pc) =	sbr.rel .LBB2_1-.Ltmp0, $4  }
0xf: {  	s12 =	sadd.s32 s25, s5;
	s8 =	sadd.s32 $0x30C00, s11;
	s5 =	sshll.u32 s9, $0x2  }
0x10: {  	s15 =	sshll.u32 s9, $0x1;
	s9 =	sadd.s32 $0x4000, s11;
	s10 =	sadd.s32 $0x3AC00, s12  }
0x11: {  	s11 =	smax.u32 s13, $0x1;
	s13 =	sshrl.u32 s14, $0x3;
	s31 =	smax.u32 s15, $0x1  }
0x12: {  	s14 =	simm.s32 $0x2;
	s15 =	simm.s32 $0x100;
	s12 =	sshll.u32 s31, $0x1  }
.LBB2_5:
0x13: {  	s21 =	spop (drf)  }
0x14: {  	_ =	swait.ge @p1 [sflag:s14], $0x4000  }
0x15: {  	[sflag:s14] =	ssyncset.done @p1 $0x0  }
0x16: {  	s21 =	sshll.u32 s21, $0x8;
	s22 =	spop (drf);
	[sflag:s14] =	ssyncadd.s32 @p1 $0xFFFFC000  }
0x17: {  	[tilespmem:s16], [sflag:$0x1] =	stream.indirect.gather [hbm4b:s4+s15], $0x40, s21, s15, $0xb8;
	[tilespmem:$0x1C000] =	vst v63  }
0x18: {  	s30 =	sshll.u32 s22, $0x8  }
0x19: {  	[tilespmem:s17], [sflag:$0x1] =	stream.indirect.gather [hbm4b:s4+s15], $0x40, s30, s15, $0xb8;
	[tilespmem:$0x1C000] =	vst v63  }
0x1a: {  	_ =	swait.ge [sflag:s18], $0x4000  }
0x1b: {  	[sflag:s18] =	ssyncset.done $0x0  }
0x1c: {  	[sflag:s18] =	ssyncadd.s32 $0xFFFFC000  }
0x1d: {  	_ =	swait.ge [sflag:s18], $0x4000  }
0x1e: {  	[sflag:s18] =	ssyncset.done $0x0  }
0x1f: {  	[sflag:s18] =	ssyncadd.s32 $0xFFFFC000  }
0x20: {  	[spmem:s2] =	stream.indirect.scatter.add.f32 [tilespmem:s16], [sflag:$0x2], $0x40, s20, s15, $0xb8;
	[tilespmem:$0x1C000] =	vst v63  }
0x21: {  	_ =	swait.ge [sflag:s14], $0x4000  }
0x22: {  	[sflag:s14] =	ssyncset.done $0x0  }
0x23: {  	s31 =	sadd.s32 $0x100, s20;
	[sflag:s14] =	ssyncadd.s32 $0xFFFFC000  }
0x24: {  	[spmem:s2] =	stream.indirect.scatter.add.f32 [tilespmem:s17], [sflag:$0x2], $0x40, s31, s15, $0xb8;
	[tilespmem:$0x1C000] =	vst v63  }
0x25: {  	_ =	swait.ge [sflag:s14], $0x4000  }
0x26: {  	[sflag:s14] =	ssyncset.done $0x0  }
0x27: {  	[sflag:s14] =	ssyncadd.s32 $0xFFFFC000  }
.LBB2_6:
0x28: {  	s19 =	sadd.s32 $0x1, s19  }
0x29: {  	p1 =	sne.s32 s19, s11  }
.Ltmp1:
0x2a: {  	[bflag:$0x0] =	sbarrier.arrive $0xFFFF;
	(pc) =	sbr.rel @!p1 .LBB2_7-.Ltmp1, $4  }
0x2b: {  	[hbm:s10], [sflag:s7] =	dma.local [spmem:s13], $0x1400  }
0x2c: {  	_ =	swait.ge [sflag:s14], $0x1400  }
0x2d: {  	[sflag:s14] =	ssyncset.done $0x0  }
0x2e: {  	[sflag:s14] =	ssyncadd.s32 $0xFFFFEC00  }
.LBB2_1:
0x2f: {  	[spmem:s13], [sflag:s7] =	dma.local [hbm:s6], $0x1400  }
0x30: {  	_ =	swait.ge [sflag:s14], $0x1400  }
0x31: {  	[sflag:s14] =	ssyncset.done $0x0  }
0x32: {  	[sflag:s14] =	ssyncadd.s32 $0xFFFFEC00  }
0x33: {  	[tilespmem:s3], [sflag:$0x2] =	stream.linear.gather [hbm4b:s8+s3], $0x5000, $0x38;
	[tilespmem:$0x1C000] =	vst v63  }
0x34: {  	_ =	swait.ge [sflag:s14], $0x5000  }
0x35: {  	[sflag:s14] =	ssyncset.done $0x0  }
0x36: {  	s20 =	simm.s32 $0x5000;
	[sflag:s14] =	ssyncadd.s32 $0xFFFFB000  }
0x37: {  	[tilespmem:s20], [sflag:$0x2] =	stream.linear.gather [hbm4b:s9+s3], $0x5000, $0x38;
	[tilespmem:$0x1C000] =	vst v63  }
.Ltmp2:
0x38: {  	_ =	swait.ge [sflag:s14], $0x5000;
	(pc) =	sbr.rel @p0 .LBB2_6-.Ltmp2, $3  }
0x39: {  	[sflag:s14] =	ssyncset.done $0x0  }
0x3a: {  	[sflag:s14] =	ssyncadd.s32 $0xFFFFB000  }
0x3b: {  	[bflag:$0x0] =	sbarrier.arrive $0xFFFF;
	_ =	sdelay $0x1  }
0x3c: {  	(drf) =	srem.u32 s3, s5;
	_ =	sdelay $0x1  }
0x3d: {  	s22 =	simm.s32 $0x1  }
0x3e: {  	p2 =	sne.s32 s12, $0x2;
	(drf) =	srem.u32 s22, s5  }
.Ltmp3:
0x3f: {  	_ = 	snop;
	(pc) =	sbr.rel @!p2 .LBB2_5-.Ltmp3, $2  }
0x40: {  	_ =	sdelay $0x2  }
0x41: {  	s21 =	simm.s32 $0x2;
	p1 =	por $0x0, $0x0  }
0x42: {  	s22 =	spop (drf)  }
0x43: {  	s22 =	sshll.u32 s22, $0x8  }
0x44: {  	[tilespmem:s16], [sflag:$0x1] =	stream.indirect.gather [hbm4b:s4+s15], $0x40, s22, s15, $0xb8;
	[tilespmem:$0x1C000] =	vst v63  }
0x45: {  	s23 =	spop (drf)  }
0x46: {  	s29 =	sshll.u32 s23, $0x8  }
0x47: {  	[tilespmem:s17], [sflag:$0x1] =	stream.indirect.gather [hbm4b:s4+s15], $0x40, s29, s15, $0xb8;
	[tilespmem:$0x1C000] =	vst v63  }
0x48: {  	_ =	swait.ge [sflag:s18], $0x4000  }
0x49: {  	[sflag:s18] =	ssyncset.done $0x0  }
0x4a: {  	(drf) =	srem.u32 s21, s5;
	[sflag:s18] =	ssyncadd.s32 $0xFFFFC000  }
0x4b: {  	_ =	swait.ge [sflag:s18], $0x4000  }
0x4c: {  	s30 =	simm.s32 $0x3;
	[sflag:s18] =	ssyncset.done $0x0  }
0x4d: {  	p2 =	sne.s32 s12, $0x4;
	(drf) =	srem.u32 s30, s5;
	[sflag:s18] =	ssyncadd.s32 $0xFFFFC000  }
0x4e: {  	[spmem:s2] =	stream.indirect.scatter.add.f32 [tilespmem:s16], [sflag:$0x2], $0x40, s20, s15, $0xb8;
	[tilespmem:$0x1C000] =	vst v63  }
.Ltmp4:
0x4f: {  	_ = 	snop;
	(pc) =	sbr.rel @!p2 .LBB2_5-.Ltmp4, $4  }
0x50: {  	_ =	swait.ge [sflag:s14], $0x4000  }
0x51: {  	s31 =	simm.s32 $0x5100;
	p1 =	por $0x1, $0x1;
	[sflag:s14] =	ssyncset.done $0x0  }
0x52: {  	s21 =	simm.s32 $0x4;
	s20 =	simm.s32 $0x5200;
	[sflag:s14] =	ssyncadd.s32 $0xFFFFC000  }
0x53: {  	[spmem:s2] =	stream.indirect.scatter.add.f32 [tilespmem:s17], [sflag:$0x2], $0x40, s31, s15, $0xb8;
	[tilespmem:$0x1C000] =	vst v63  }
.LBB2_4:
0x54: {  	s22 =	spop (drf)  }
0x55: {  	s23 =	smov.u32 s21;
	s21 =	sadd.s32 $0x2, s21;
	_ =	swait.ge [sflag:s14], $0x4000  }
0x56: {  	p2 =	sne.s32 s12, s21;
	s22 =	sshll.u32 s22, $0x8;
	[sflag:s14] =	ssyncset.done $0x0  }
0x57: {  	s24 =	spop (drf);
	[sflag:s14] =	ssyncadd.s32 $0xFFFFC000  }
0x58: {  	[tilespmem:s16], [sflag:$0x1] =	stream.indirect.gather [hbm4b:s4+s15], $0x40, s22, s15, $0xb8;
	[tilespmem:$0x1C000] =	vst v63  }
0x59: {  	_ = 	snop  }
0x5a: {  	s22 =	sshll.u32 s24, $0x8  }
0x5b: {  	[tilespmem:s17], [sflag:$0x1] =	stream.indirect.gather [hbm4b:s4+s15], $0x40, s22, s15, $0xb8;
	[tilespmem:$0x1C000] =	vst v63  }
0x5c: {  	_ =	swait.ge [sflag:s18], $0x4000  }
0x5d: {  	[sflag:s18] =	ssyncset.done $0x0  }
0x5e: {  	(drf) =	srem.u32 s23, s5;
	[sflag:s18] =	ssyncadd.s32 $0xFFFFC000  }
0x5f: {  	s22 =	sadd.s32 $0x1, s23;
	_ =	swait.ge [sflag:s18], $0x4000  }
0x60: {  	(drf) =	srem.u32 s22, s5;
	[sflag:s18] =	ssyncset.done $0x0  }
0x61: {  	[sflag:s18] =	ssyncadd.s32 $0xFFFFC000  }
0x62: {  	[spmem:s2] =	stream.indirect.scatter.add.f32 [tilespmem:s16], [sflag:$0x2], $0x40, s20, s15, $0xb8;
	[tilespmem:$0x1C000] =	vst v63  }
.Ltmp5:
0x63: {  	_ = 	snop;
	(pc) =	sbr.rel @p2 .LBB2_4-.Ltmp5, $4  }
0x64: {  	_ =	swait.ge [sflag:s14], $0x4000  }
0x65: {  	s22 =	sadd.s32 $0x100, s20;
	[sflag:s14] =	ssyncset.done $0x0  }
0x66: {  	s20 =	sadd.s32 $0x200, s20;
	[sflag:s14] =	ssyncadd.s32 $0xFFFFC000  }
0x67: {  	[spmem:s2] =	stream.indirect.scatter.add.f32 [tilespmem:s17], [sflag:$0x2], $0x40, s22, s15, $0xb8;
	[tilespmem:$0x1C000] =	vst v63  }
.Ltmp6:
0x68: {  	_ = 	snop;
	(pc) =	sbr.rel .LBB2_5-.Ltmp6, $1  }
0x69: {  	_ =	sdelay $0x3  }
.LBB2_7:
0x6a: {  	_ =	sfence.sel $0x180000  }
0x6b: {  	[bflag:$0x0] =	sbarrier.arrive $0xFFFF  }
0x6c: {  	p0 =	sne.s32 s1, $0x0;
	_ =	strace $0x9000004A  }
0x6d: {  	s0 =	sadd.s32 @!p0 $0x100000, s0;
	[bflag:$0x2] =	sbarrier.arrive $0xFFFF  }
0x6e: {  	[sflag:s0] =	ssyncadd.tile.s32 @!p0 $0x1;
	_ =	shalt  }
.Lfunc_end2:
_tile_overlayer_lowered:
.L_overlay_start_2:
0x6f: {  	(tag) =	ssettag $0x2  }
0x70: {  	s0 =	rddreg [dreg:$0x0];
	s2 =	stileid.u32  }
0x71: {  	s1 =	rddreg [dreg:$0x1];
	p0 =	sne.s32 s2, $0x0  }
0x72: {  	s3 =	rddreg [dreg:$0x2];
	[bflag:$0x3] =	sbarrier.arrive $0xFFFF;
	s2 =	simm.s32 @!p0 $0x1C02  }
0x73: {  	[timem:s3], [sflag:s2] =	dma.local @!p0 [hbm:s0], s1  }
0x74: {  	s0 =	simm.s32 @!p0 $0x2  }
0x75: {  	_ =	swait.ge @!p0 [sflag:s0], s1  }
0x76: {  	s1 =	ssub.s32 @!p0 $0x0, s1;
	[sflag:s0] =	ssyncset.done @!p0 $0x0  }
0x77: {  	[sflag:s0] =	ssyncadd.s32 @!p0 s1  }
0x78: {  	[bflag:$0x3] =	sbarrier.arrive $0xFFFF  }
0x79: {  	_ =	shalt  }

// kernel: kernel.18.cloned.1.call-start
scs
__scs_entry_jumppad:
0x0: {  	(pc) =	sbr.rel $0x88, $3  }
0x1: {  	(tag) =	ssettag $0x0;
	lr =	simm.s32 $0x1  }
0x2: {  	[smem:$0x3F8D] =	sst lr;
	_ =	strace $0xD0000000  }
0x3: {  	_ = 	snop  }
0x4: {  	_ = 	snop  }
0x5: {  	_ = 	snop  }
0x6: {  	_ = 	snop  }
0x7: {  	_ = 	snop  }
__scs_overlays_trampoline_lowered:
0x8: {  	[smem:$0x3F9C] =	sst s0  }
0x9: {  	[smem:$0x3F9D] =	sst s1  }
0xa: {  	[smem:$0x3F9E] =	sst s2  }
0xb: {  	[smem:$0x3F9F] =	sst s3  }
0xc: {  	[smem:$0x3FA0] =	sst s4  }
0xd: {  	[smem:$0x3FA1] =	sst s5  }
0xe: {  	[smem:$0x3FA2] =	sst s6  }
0xf: {  	[smem:$0x3FA3] =	sst s7  }
0x10: {  	[smem:$0x3FA4] =	sst s8  }
0x11: {  	[smem:$0x3FA5] =	sst s9;
	s0 =	simm.s32 @!p0 $0x0  }
0x12: {  	s1 =	sld [smem:$0x3F8B];
	s0 =	simm.s32 @p0 $0x1  }
0x13: {  	[smem:$0x3FA6] =	sst s0;
	s0 =	simm.s32 @!p1 $0x0  }
0x14: {  	s2 =	sld [smem:$0x3F8A];
	s0 =	simm.s32 @p1 $0x1  }
0x15: {  	[smem:$0x3FA7] =	sst s0;
	s0 =	simm.s32 @!p2 $0x0  }
0x16: {  	s3 =	sld [smem:$0x3FDB];
	s0 =	simm.s32 @p2 $0x1  }
0x17: {  	s4 =	simm.s32 $0x1BF5;
	[smem:$0x3FA9] =	sst s0  }
0x18: {  	s0 =	sld [smem:$0x3F8C];
	_ =	swait.ge [sflag:s4], $0x0  }
0x19: {  	s7 =	sld [smem:$0x3F8D]  }
0x1a: {  	s8 =	sadd.s32 $0xFFFFE003, lr  }
0x1b: {  	s9 =	sadd.s32 $0xFFFFFEF7, lr;
	s5 =	simm.s32 $0xFFFFFFFF;
	p2 =	slt.u32 s8, $0xFFFFF086  }
0x1c: {  	p1 =	slt.u32 s9, $0xF7A;
	s5 =	simm.s32 @!p2 $0x0  }
0x1d: {  	s5 =	simm.s32 @p1 $0x1;
	p0 =	seq.s32 s7, s2  }
0x1e: {  	s7 =	smul.u32 @!p0 $0xF7A, s2;
	p2 =	seq.s32 @!p0 s5, $0x0  }
0x1f: {  	s9 =	smul.u32 $0xF7A, s1;
	s8 =	simm.s32 @!p0 $0x1BF5;
	p2 =	por !p2, p0  }
0x20: {  	[sflag:s8] =	ssyncset.s32 @!p0 $0xFFFFF086;
	s6 =	sadd.s32 @!p0 s3, s7;
	s7 =	simm.s32 @!p0 $0x108  }
0x21: {  	s3 =	sadd.s32 s3, s9;
	s6 =	sadd.s32 @!p0 $0x88, s6;
	s7 =	simm.s32 @p2 $0x1082  }
0x22: {  	[simem:s7], [sflag:s8] =	dma.local @!p0 [hbm:s6], $0xF7A  }
0x23: {  	s9 =	sor.u32 $0xD0000000, s2;
	s6 =	simm.s32 $0x108;
	_ =	swait.ge @!p0 [sflag:s8], $0x0  }
0x24: {  	s3 =	sadd.s32 $0x88, s3;
	s6 =	simm.s32 @!p1 $0x1082;
	[sflag:s4] =	ssyncset.s32 $0xFFFFF086  }
0x25: {  	[simem:s6], [sflag:s4] =	dma.local [hbm:s3], $0xF7A  }
0x26: {  	[smem:$0x3F8D] =	sst s1;
	(tag) =	ssettag s2;
	_ =	strace s9  }
0x27: {  	s1 =	sld [smem:$0x3F9D]  }
0x28: {  	s2 =	sld [smem:$0x3F9E]  }
0x29: {  	s4 =	sld [smem:$0x3FA0]  }
0x2a: {  	p0 =	seq.s32 s5, $0x0;
	s5 =	sld [smem:$0x3FA1]  }
0x2b: {  	s6 =	sld [smem:$0x3FA2]  }
0x2c: {  	s7 =	sld [smem:$0x3FA3]  }
0x2d: {  	s3 =	simm.s32 $0x108;
	s8 =	sld [smem:$0x3FA4]  }
0x2e: {  	s3 =	simm.s32 @!p0 $0x1082;
	s9 =	sld [smem:$0x3FA5]  }
0x2f: {  	lr =	sadd.s32 s0, s3;
	s0 =	sld [smem:$0x3F9C]  }
0x30: {  	s3 =	sld [smem:$0x3F9F]  }
0x31: {  	[smem:$0x3FA8] =	sst s10  }
0x32: {  	s10 =	sld [smem:$0x3FA6];
	_ =	sdelay $0x3  }
0x33: {  	p0 =	seq.s32 s10, $0x1;
	s10 =	sld [smem:$0x3FA8];
	_ =	sdelay $0x3  }
0x34: {  	[smem:$0x3FA8] =	sst s10  }
0x35: {  	s10 =	sld [smem:$0x3FA7];
	_ =	sdelay $0x3  }
0x36: {  	p1 =	seq.s32 s10, $0x1;
	s10 =	sld [smem:$0x3FA8];
	_ =	sdelay $0x3  }
0x37: {  	[smem:$0x3FA8] =	sst s10  }
0x38: {  	s10 =	sld [smem:$0x3FA9]  }
0x39: {  	_ = 	snop;
	(pc) =	sbr.ind lr, $3  }
0x3a: {  	_ = 	snop  }
0x3b: {  	_ = 	snop  }
0x3c: {  	p2 =	seq.s32 s10, $0x1;
	s10 =	sld [smem:$0x3FA8]  }
0x3d: {  	_ =	shalt  }
0x3e: {  	_ =	shalt  }
0x3f: {  	_ =	shalt  }
0x40: {  	_ =	shalt  }
0x41: {  	_ =	shalt  }
0x42: {  	_ =	shalt  }
0x43: {  	_ =	shalt  }
0x44: {  	_ =	shalt  }
0x45: {  	_ =	shalt  }
0x46: {  	_ =	shalt  }
0x47: {  	_ =	shalt  }
0x48: {  	_ =	shalt  }
0x49: {  	_ =	shalt  }
0x4a: {  	_ =	shalt  }
0x4b: {  	_ =	shalt  }
0x4c: {  	_ =	shalt  }
0x4d: {  	_ =	shalt  }
0x4e: {  	_ =	shalt  }
0x4f: {  	_ =	shalt  }
0x50: {  	_ =	shalt  }
0x51: {  	_ =	shalt  }
0x52: {  	_ =	shalt  }
0x53: {  	_ =	shalt  }
0x54: {  	_ =	shalt  }
0x55: {  	_ =	shalt  }
0x56: {  	_ =	shalt  }
0x57: {  	_ =	shalt  }
0x58: {  	_ =	shalt  }
0x59: {  	_ =	shalt  }
0x5a: {  	_ =	shalt  }
0x5b: {  	_ =	shalt  }
0x5c: {  	_ =	shalt  }
0x5d: {  	_ =	shalt  }
0x5e: {  	_ =	shalt  }
0x5f: {  	_ =	shalt  }
0x60: {  	_ =	shalt  }
0x61: {  	_ =	shalt  }
0x62: {  	_ =	shalt  }
0x63: {  	_ =	shalt  }
0x64: {  	_ =	shalt  }
0x65: {  	_ =	shalt  }
0x66: {  	_ =	shalt  }
0x67: {  	_ =	shalt  }
0x68: {  	_ =	shalt  }
0x69: {  	_ =	shalt  }
0x6a: {  	_ =	shalt  }
0x6b: {  	_ =	shalt  }
0x6c: {  	_ =	shalt  }
0x6d: {  	_ =	shalt  }
0x6e: {  	_ =	shalt  }
0x6f: {  	_ =	shalt  }
0x70: {  	_ =	shalt  }
0x71: {  	_ =	shalt  }
0x72: {  	_ =	shalt  }
0x73: {  	_ =	shalt  }
0x74: {  	_ =	shalt  }
0x75: {  	_ =	shalt  }
0x76: {  	_ =	shalt  }
0x77: {  	_ =	shalt  }
0x78: {  	_ =	shalt  }
0x79: {  	_ =	shalt  }
0x7a: {  	_ =	shalt  }
0x7b: {  	_ =	shalt  }
0x7c: {  	_ =	shalt  }
0x7d: {  	_ =	shalt  }
0x7e: {  	_ =	shalt  }
0x7f: {  	_ =	shalt  }
0x80: {  	_ =	shalt  }
0x81: {  	_ =	shalt  }
0x82: {  	_ =	shalt  }
0x83: {  	_ =	shalt  }
0x84: {  	_ =	shalt  }
0x85: {  	_ =	shalt  }
0x86: {  	_ =	shalt  }
0x87: {  	_ =	shalt  }
.Lfunc_end0:
.L_simem_size_0:
called_computation.2_lowered:
.L_overlay_start_0:
0x88: {  	s2 =	sld [smem:$0x3FD9]  }
0x89: {  	s3 =	sld [smem:$0x3FFE];
	_ =	sdelay $0x1  }
0x8a: {  	s1 =	srdreg.scid  }
0x8b: {  	s0 =	sand.u32 $0x1, s1  }
0x8c: {  	s17 =	sshll.u32 s0, $0xA;
	s2 =	sadd.s32 s3, s2  }
0x8d: {  	s2 =	sadd.s32 s2, s17  }
0x8e: {  	[smem:$0x3FB4] =	sst s2  }
0x8f: {  	_ = 	snop  }
0x90: {  	s2 =	sld [smem:$0x3FD0];
	(tm) =	ssettm $0x1  }
0x91: {  	s18 =	sld [smem:$0x3FFB];
	_ =	sdelay $0x3  }
0x92: {  	_ =	strace s18  }
0x93: {  	s3 =	sld [smem:$0x3FFC];
	_ =	sdelay $0x3  }
0x94: {  	_ =	strace s3  }
0x95: {  	s3 =	sld [smem:$0x3FFD];
	_ =	sdelay $0x3  }
0x96: {  	_ =	strace s3  }
0x97: {  	_ =	strace $0x8FFFFFFF  }
0x98: {  	s19 =	sld [smem:$0x3FDB];
	_ =	sdelay $0x1  }
0x99: {  	s4 =	simm.s32 $_scs_section_size  }
0x9a: {  	s5 =	simm.s32 $_size__tile_overlayer_lowered;
	s6 =	simm.s32 $_tile_overlayer_lowered  }
0x9b: {  	s22 =	simm.s32 $0x1BFF;
	s21 =	sshll.u32 s6, $0x1;
	s3 =	sadd.s32 s4, s19  }
0x9c: {  	s7 =	simm.s32 $0x0;
	s20 =	sshll.u32 s5, $0x1;
	s5 =	sadd.s32 s21, s3  }
0x9d: {  	[timem:s7], [sflag:s22] =	dma.local [hbm:s5], s20  }
0x9e: {  	_ =	swait.ge [sflag:s22], s20  }
0x9f: {  	s4 =	ssub.s32 $0x0, s20;
	[sflag:s22] =	ssyncset.done $0x0  }
0xa0: {  	[sflag:s22] =	ssyncadd.s32 s4;
	_ =	sdelay $0x1  }
0xa1: {  	s23 =	simm.s32 $0x1B8B  }
0xa2: {  	_ =	swait.ge [sflag:s23], $0x1  }
0xa3: {  	[sflag:s23] =	ssyncset.done $0x0  }
0xa4: {  	s25 =	simm.s32 $0x1B8E;
	s24 =	sld [smem:$0x3FFE];
	[sflag:s23] =	ssyncadd.s32 $0xFFFFFFFF  }
0xa5: {  	s26 =	simm.s32 $execute0_lowered;
	[smem:$0x3FD2] =	sst s25  }
0xa6: {  	s5 =	sshll.u32 s26, $0x1;
	_ =	strace $0x8000004C;
	[dreg:$0x1] =	wrdreg $0xFFFFFFFF  }
0xa7: {  	s28 =	simm.s32 $_size_execute0_lowered;
	s3 =	sadd.s32 s3, s5;
	[dreg:$0x0] =	wrdreg $0x0  }
0xa8: {  	s5 =	sshll.u32 s28, $0x1;
	[dreg:$0x2] =	wrdreg s3  }
0xa9: {  	[dreg:$0x3] =	wrdreg s5  }
0xaa: {  	[dreg:$0x4] =	wrdreg $0xC0  }
0xab: {  	_ =	task [dreg:s7], $0x5FFFF  }
0xac: {  	[dreg:$0x1] =	wrdreg $0xFFFFFFFF  }
0xad: {  	[dreg:$0x0] =	wrdreg $0x60  }
0xae: {  	[dreg:$0x2] =	wrdreg s24  }
0xaf: {  	[dreg:$0x3] =	wrdreg s2  }
0xb0: {  	[dreg:$0x4] =	wrdreg $0x120000  }
0xb1: {  	[dreg:$0x5] =	wrdreg $0x9  }
0xb2: {  	_ =	task.clear_ibuf [dreg:s7], $0x6FFFF;
	_ =	strace $0x9000004C  }
0xb3: {  	s29 =	simm.s32 $0x9;
	_ =	strace $0x8000004E  }
0xb4: {  	_ =	swait.ge [sflag:s29], $0x1  }
0xb5: {  	[sflag:s29] =	ssyncadd.s32 $0xFFFFFFFF  }
0xb6: {  	_ =	strace $0x9000004E  }
0xb7: {  	_ =	sfence  }
0xb8: {  	s30 =	sld [smem:$0x0];
	_ =	sdelay $0x2  }
0xb9: {  	s31 =	sshll.u32 s1, $0xD;
	s1 =	sshrl.u32 s1, $0x2  }
0xba: {  	s3 =	sand.u32 $0x4000, s31;
	s1 =	sadd.s32 s1, s30  }
0xbb: {  	s0 =	sor.u32 s3, s0;
	s1 =	sshll.u32 s1, $0x11  }
0xbc: {  	s0 =	sor.u32 s1, s0  }
0xbd: {  	s0 =	sadd.s32 $0x8F2B, s0  }
0xbe: {  	[sflag:s0] =	ssyncadd.remote.s32 $0x1  }
0xbf: {  	_ =	sfence.sel $0xFFFF  }
0xc0: {  	[dreg:$0x0] =	wrdreg $0xFFFFFFFF;
	(pc) =	sbr.abs _section_cstart, $3  }
0xc1: {  	[dreg:$0x1] =	wrdreg $0xFFFFFFFF  }
0xc2: {  	_ =	task.clear_ibuf [dreg:s7], $0x2FFFF;
	_ =	strace $0x9FFFFFFF  }
0xc3: {  	(tm) =	ssettm $0x7FFFFFFF  }
tec
execute0_lowered:
.L_overlay_start_1:
0x0: {  	(tag) =	ssettag $0x1  }
0x1: {  	s5 =	rddreg [dreg:$0x0]  }
0x2: {  	s6 =	rddreg [dreg:$0x1]  }
0x3: {  	s2 =	rddreg [dreg:$0x2]  }
0x4: {  	s0 =	rddreg [dreg:$0x3]  }
0x5: {  	s1 =	stileid.u32;
	s4 =	srdreg.scid;
	s3 =	simm.s32 $0x0  }
0x6: {  	s16 =	simm.s32 $0xA000;
	s17 =	simm.s32 $0xE000;
	s18 =	simm.s32 $0x1  }
0x7: {  	s19 =	simm.s32 $0x0;
	s7 =	smul.u32 $0xA00, s1;
	s8 =	sand.u32 $0x1, s4  }
0x8: {  	s9 =	smul.u32 $0x1400, s1;
	[smem:$0x7FF] =	sst s3;
	s4 =	sadd.s32 $0xE000, s5  }
0x9: {  	s26 =	smul.u32 $0xA000, s1;
	s30 =	sshll.u32 s1, $0x6;
	p0 =	seq.s32 s8, $0x1  }
0xa: {  	s10 =	smul.u32 $0x14000, s8;
	_ =	strace $0x8000004D;
	s8 =	ssub.s32 $0x2, s8  }
0xb: {  	s7 =	simm.s32 @p0 $0xA000;
	s28 =	sshrl.u32 s8, $0x1;
	s29 =	sshrl.u32 s26, $0x3  }
0xc: {  	s14 =	sadd.s32 s26, s2;
	s11 =	sadd.s32 s7, s5;
	s25 =	sadd.s32 s9, s10  }
0xd: {  	s9 =	simm.s32 $0x0;
	s13 =	ssub.s32 s8, s28;
	s6 =	sadd.s32 s6, s29  }
.Ltmp0:
0xe: {  	s7 =	sor.u32 $0x1C02, s30;
	s9 =	simm.s32 @!p0 $0x14;
	(pc) =	sbr.rel .LBB2_1-.Ltmp0, $4  }
0xf: {  	s12 =	sadd.s32 s25, s5;
	s8 =	sadd.s32 $0x30C00, s11;
	s5 =	sshll.u32 s9, $0x2  }
0x10: {  	s15 =	sshll.u32 s9, $0x1;
	s9 =	sadd.s32 $0x4000, s11;
	s10 =	sadd.s32 $0x3AC00, s12  }
0x11: {  	s11 =	smax.u32 s13, $0x1;
	s13 =	sshrl.u32 s14, $0x3;
	s31 =	smax.u32 s15, $0x1  }
0x12: {  	s14 =	simm.s32 $0x2;
	s15 =	simm.s32 $0x100;
	s12 =	sshll.u32 s31, $0x1  }
.LBB2_5:
0x13: {  	s21 =	spop (drf)  }
0x14: {  	_ =	swait.ge @p1 [sflag:s14], $0x4000  }
0x15: {  	[sflag:s14] =	ssyncset.done @p1 $0x0  }
0x16: {  	s21 =	sshll.u32 s21, $0x8;
	s22 =	spop (drf);
	[sflag:s14] =	ssyncadd.s32 @p1 $0xFFFFC000  }
0x17: {  	[tilespmem:s16], [sflag:$0x1] =	stream.indirect.gather [hbm4b:s4+s15], $0x40, s21, s15, $0xb8;
	[tilespmem:$0x1C000] =	vst v63  }
0x18: {  	s30 =	sshll.u32 s22, $0x8  }
0x19: {  	[tilespmem:s17], [sflag:$0x1] =	stream.indirect.gather [hbm4b:s4+s15], $0x40, s30, s15, $0xb8;
	[tilespmem:$0x1C000] =	vst v63  }
0x1a: {  	_ =	swait.ge [sflag:s18], $0x4000  }
0x1b: {  	[sflag:s18] =	ssyncset.done $0x0  }
0x1c: {  	[sflag:s18] =	ssyncadd.s32 $0xFFFFC000  }
0x1d: {  	_ =	swait.ge [sflag:s18], $0x4000  }
0x1e: {  	[sflag:s18] =	ssyncset.done $0x0  }
0x1f: {  	[sflag:s18] =	ssyncadd.s32 $0xFFFFC000  }
0x20: {  	[spmem:s2] =	stream.indirect.scatter.add.f32 [tilespmem:s16], [sflag:$0x2], $0x40, s20, s15, $0xb8;
	[tilespmem:$0x1C000] =	vst v63  }
0x21: {  	_ =	swait.ge [sflag:s14], $0x4000  }
0x22: {  	[sflag:s14] =	ssyncset.done $0x0  }
0x23: {  	s31 =	sadd.s32 $0x100, s20;
	[sflag:s14] =	ssyncadd.s32 $0xFFFFC000  }
0x24: {  	[spmem:s2] =	stream.indirect.scatter.add.f32 [tilespmem:s17], [sflag:$0x2], $0x40, s31, s15, $0xb8;
	[tilespmem:$0x1C000] =	vst v63  }
0x25: {  	_ =	swait.ge [sflag:s14], $0x4000  }
0x26: {  	[sflag:s14] =	ssyncset.done $0x0  }
0x27: {  	[sflag:s14] =	ssyncadd.s32 $0xFFFFC000  }
.LBB2_6:
0x28: {  	s19 =	sadd.s32 $0x1, s19  }
0x29: {  	p1 =	sne.s32 s19, s11  }
.Ltmp1:
0x2a: {  	[bflag:$0x0] =	sbarrier.arrive $0xFFFF;
	(pc) =	sbr.rel @!p1 .LBB2_7-.Ltmp1, $4  }
0x2b: {  	[hbm:s10], [sflag:s7] =	dma.local [spmem:s13], $0x1400  }
0x2c: {  	_ =	swait.ge [sflag:s14], $0x1400  }
0x2d: {  	[sflag:s14] =	ssyncset.done $0x0  }
0x2e: {  	[sflag:s14] =	ssyncadd.s32 $0xFFFFEC00  }
.LBB2_1:
0x2f: {  	[spmem:s13], [sflag:s7] =	dma.local [hbm:s6], $0x1400  }
0x30: {  	_ =	swait.ge [sflag:s14], $0x1400  }
0x31: {  	[sflag:s14] =	ssyncset.done $0x0  }
0x32: {  	[sflag:s14] =	ssyncadd.s32 $0xFFFFEC00  }
0x33: {  	[tilespmem:s3], [sflag:$0x2] =	stream.linear.gather [hbm4b:s8+s3], $0x5000, $0x38;
	[tilespmem:$0x1C000] =	vst v63  }
0x34: {  	_ =	swait.ge [sflag:s14], $0x5000  }
0x35: {  	[sflag:s14] =	ssyncset.done $0x0  }
0x36: {  	s20 =	simm.s32 $0x5000;
	[sflag:s14] =	ssyncadd.s32 $0xFFFFB000  }
0x37: {  	[tilespmem:s20], [sflag:$0x2] =	stream.linear.gather [hbm4b:s9+s3], $0x5000, $0x38;
	[tilespmem:$0x1C000] =	vst v63  }
.Ltmp2:
0x38: {  	_ =	swait.ge [sflag:s14], $0x5000;
	(pc) =	sbr.rel @p0 .LBB2_6-.Ltmp2, $3  }
0x39: {  	[sflag:s14] =	ssyncset.done $0x0  }
0x3a: {  	[sflag:s14] =	ssyncadd.s32 $0xFFFFB000  }
0x3b: {  	[bflag:$0x0] =	sbarrier.arrive $0xFFFF;
	_ =	sdelay $0x1  }
0x3c: {  	(drf) =	srem.u32 s3, s5;
	_ =	sdelay $0x1  }
0x3d: {  	s22 =	simm.s32 $0x1  }
0x3e: {  	p2 =	sne.s32 s12, $0x2;
	(drf) =	srem.u32 s22, s5  }
.Ltmp3:
0x3f: {  	_ = 	snop;
	(pc) =	sbr.rel @!p2 .LBB2_5-.Ltmp3, $2  }
0x40: {  	_ =	sdelay $0x2  }
0x41: {  	s21 =	simm.s32 $0x2;
	p1 =	por $0x0, $0x0  }
0x42: {  	s22 =	spop (drf)  }
0x43: {  	s22 =	sshll.u32 s22, $0x8  }
0x44: {  	[tilespmem:s16], [sflag:$0x1] =	stream.indirect.gather [hbm4b:s4+s15], $0x40, s22, s15, $0xb8;
	[tilespmem:$0x1C000] =	vst v63  }
0x45: {  	s23 =	spop (drf)  }
0x46: {  	s29 =	sshll.u32 s23, $0x8  }
0x47: {  	[tilespmem:s17], [sflag:$0x1] =	stream.indirect.gather [hbm4b:s4+s15], $0x40, s29, s15, $0xb8;
	[tilespmem:$0x1C000] =	vst v63  }
0x48: {  	_ =	swait.ge [sflag:s18], $0x4000  }
0x49: {  	[sflag:s18] =	ssyncset.done $0x0  }
0x4a: {  	(drf) =	srem.u32 s21, s5;
	[sflag:s18] =	ssyncadd.s32 $0xFFFFC000  }
0x4b: {  	_ =	swait.ge [sflag:s18], $0x4000  }
0x4c: {  	s30 =	simm.s32 $0x3;
	[sflag:s18] =	ssyncset.done $0x0  }
0x4d: {  	p2 =	sne.s32 s12, $0x4;
	(drf) =	srem.u32 s30, s5;
	[sflag:s18] =	ssyncadd.s32 $0xFFFFC000  }
0x4e: {  	[spmem:s2] =	stream.indirect.scatter.add.f32 [tilespmem:s16], [sflag:$0x2], $0x40, s20, s15, $0xb8;
	[tilespmem:$0x1C000] =	vst v63  }
.Ltmp4:
0x4f: {  	_ = 	snop;
	(pc) =	sbr.rel @!p2 .LBB2_5-.Ltmp4, $4  }
0x50: {  	_ =	swait.ge [sflag:s14], $0x4000  }
0x51: {  	s31 =	simm.s32 $0x5100;
	p1 =	por $0x1, $0x1;
	[sflag:s14] =	ssyncset.done $0x0  }
0x52: {  	s21 =	simm.s32 $0x4;
	s20 =	simm.s32 $0x5200;
	[sflag:s14] =	ssyncadd.s32 $0xFFFFC000  }
0x53: {  	[spmem:s2] =	stream.indirect.scatter.add.f32 [tilespmem:s17], [sflag:$0x2], $0x40, s31, s15, $0xb8;
	[tilespmem:$0x1C000] =	vst v63  }
.LBB2_4:
0x54: {  	s22 =	spop (drf)  }
0x55: {  	s23 =	smov.u32 s21;
	s21 =	sadd.s32 $0x2, s21;
	_ =	swait.ge [sflag:s14], $0x4000  }
0x56: {  	p2 =	sne.s32 s12, s21;
	s22 =	sshll.u32 s22, $0x8;
	[sflag:s14] =	ssyncset.done $0x0  }
0x57: {  	s24 =	spop (drf);
	[sflag:s14] =	ssyncadd.s32 $0xFFFFC000  }
0x58: {  	[tilespmem:s16], [sflag:$0x1] =	stream.indirect.gather [hbm4b:s4+s15], $0x40, s22, s15, $0xb8;
	[tilespmem:$0x1C000] =	vst v63  }
0x59: {  	_ = 	snop  }
0x5a: {  	s22 =	sshll.u32 s24, $0x8  }
0x5b: {  	[tilespmem:s17], [sflag:$0x1] =	stream.indirect.gather [hbm4b:s4+s15], $0x40, s22, s15, $0xb8;
	[tilespmem:$0x1C000] =	vst v63  }
0x5c: {  	_ =	swait.ge [sflag:s18], $0x4000  }
0x5d: {  	[sflag:s18] =	ssyncset.done $0x0  }
0x5e: {  	(drf) =	srem.u32 s23, s5;
	[sflag:s18] =	ssyncadd.s32 $0xFFFFC000  }
0x5f: {  	s22 =	sadd.s32 $0x1, s23;
	_ =	swait.ge [sflag:s18], $0x4000  }
0x60: {  	(drf) =	srem.u32 s22, s5;
	[sflag:s18] =	ssyncset.done $0x0  }
0x61: {  	[sflag:s18] =	ssyncadd.s32 $0xFFFFC000  }
0x62: {  	[spmem:s2] =	stream.indirect.scatter.add.f32 [tilespmem:s16], [sflag:$0x2], $0x40, s20, s15, $0xb8;
	[tilespmem:$0x1C000] =	vst v63  }
.Ltmp5:
0x63: {  	_ = 	snop;
	(pc) =	sbr.rel @p2 .LBB2_4-.Ltmp5, $4  }
0x64: {  	_ =	swait.ge [sflag:s14], $0x4000  }
0x65: {  	s22 =	sadd.s32 $0x100, s20;
	[sflag:s14] =	ssyncset.done $0x0  }
0x66: {  	s20 =	sadd.s32 $0x200, s20;
	[sflag:s14] =	ssyncadd.s32 $0xFFFFC000  }
0x67: {  	[spmem:s2] =	stream.indirect.scatter.add.f32 [tilespmem:s17], [sflag:$0x2], $0x40, s22, s15, $0xb8;
	[tilespmem:$0x1C000] =	vst v63  }
.Ltmp6:
0x68: {  	_ = 	snop;
	(pc) =	sbr.rel .LBB2_5-.Ltmp6, $1  }
0x69: {  	_ =	sdelay $0x3  }
.LBB2_7:
0x6a: {  	_ =	sfence.sel $0x180000  }
0x6b: {  	[bflag:$0x0] =	sbarrier.arrive $0xFFFF  }
0x6c: {  	p0 =	sne.s32 s1, $0x0;
	_ =	strace $0x9000004D  }
0x6d: {  	s0 =	sadd.s32 @!p0 $0x100000, s0;
	[bflag:$0x2] =	sbarrier.arrive $0xFFFF  }
0x6e: {  	[sflag:s0] =	ssyncadd.tile.s32 @!p0 $0x1;
	_ =	shalt  }
.Lfunc_end2:
_tile_overlayer_lowered:
.L_overlay_start_2:
0x6f: {  	(tag) =	ssettag $0x2  }
0x70: {  	s0 =	rddreg [dreg:$0x0];
	s2 =	stileid.u32  }
0x71: {  	s1 =	rddreg [dreg:$0x1];
	p0 =	sne.s32 s2, $0x0  }
0x72: {  	s3 =	rddreg [dreg:$0x2];
	[bflag:$0x3] =	sbarrier.arrive $0xFFFF;
	s2 =	simm.s32 @!p0 $0x1C02  }
0x73: {  	[timem:s3], [sflag:s2] =	dma.local @!p0 [hbm:s0], s1  }
0x74: {  	s0 =	simm.s32 @!p0 $0x2  }
0x75: {  	_ =	swait.ge @!p0 [sflag:s0], s1  }
0x76: {  	s1 =	ssub.s32 @!p0 $0x0, s1;
	[sflag:s0] =	ssyncset.done @!p0 $0x0  }
0x77: {  	[sflag:s0] =	ssyncadd.s32 @!p0 s1  }
0x78: {  	[bflag:$0x3] =	sbarrier.arrive $0xFFFF  }
0x79: {  	_ =	shalt  }

// kernel: kernel.21.cloned.1.call-start
scs
__scs_entry_jumppad:
0x0: {  	(pc) =	sbr.rel $0x88, $3  }
0x1: {  	(tag) =	ssettag $0x0;
	lr =	simm.s32 $0x1  }
0x2: {  	[smem:$0x3F8D] =	sst lr;
	_ =	strace $0xD0000000  }
0x3: {  	_ = 	snop  }
0x4: {  	_ = 	snop  }
0x5: {  	_ = 	snop  }
0x6: {  	_ = 	snop  }
0x7: {  	_ = 	snop  }
__scs_overlays_trampoline_lowered:
0x8: {  	[smem:$0x3F9C] =	sst s0  }
0x9: {  	[smem:$0x3F9D] =	sst s1  }
0xa: {  	[smem:$0x3F9E] =	sst s2  }
0xb: {  	[smem:$0x3F9F] =	sst s3  }
0xc: {  	[smem:$0x3FA0] =	sst s4  }
0xd: {  	[smem:$0x3FA1] =	sst s5  }
0xe: {  	[smem:$0x3FA2] =	sst s6  }
0xf: {  	[smem:$0x3FA3] =	sst s7  }
0x10: {  	[smem:$0x3FA4] =	sst s8  }
0x11: {  	[smem:$0x3FA5] =	sst s9;
	s0 =	simm.s32 @!p0 $0x0  }
0x12: {  	s1 =	sld [smem:$0x3F8B];
	s0 =	simm.s32 @p0 $0x1  }
0x13: {  	[smem:$0x3FA6] =	sst s0;
	s0 =	simm.s32 @!p1 $0x0  }
0x14: {  	s2 =	sld [smem:$0x3F8A];
	s0 =	simm.s32 @p1 $0x1  }
0x15: {  	[smem:$0x3FA7] =	sst s0;
	s0 =	simm.s32 @!p2 $0x0  }
0x16: {  	s3 =	sld [smem:$0x3FDB];
	s0 =	simm.s32 @p2 $0x1  }
0x17: {  	s4 =	simm.s32 $0x1BF5;
	[smem:$0x3FA9] =	sst s0  }
0x18: {  	s0 =	sld [smem:$0x3F8C];
	_ =	swait.ge [sflag:s4], $0x0  }
0x19: {  	s7 =	sld [smem:$0x3F8D]  }
0x1a: {  	s8 =	sadd.s32 $0xFFFFE003, lr  }
0x1b: {  	s9 =	sadd.s32 $0xFFFFFEF7, lr;
	s5 =	simm.s32 $0xFFFFFFFF;
	p2 =	slt.u32 s8, $0xFFFFF086  }
0x1c: {  	p1 =	slt.u32 s9, $0xF7A;
	s5 =	simm.s32 @!p2 $0x0  }
0x1d: {  	s5 =	simm.s32 @p1 $0x1;
	p0 =	seq.s32 s7, s2  }
0x1e: {  	s7 =	smul.u32 @!p0 $0xF7A, s2;
	p2 =	seq.s32 @!p0 s5, $0x0  }
0x1f: {  	s9 =	smul.u32 $0xF7A, s1;
	s8 =	simm.s32 @!p0 $0x1BF5;
	p2 =	por !p2, p0  }
0x20: {  	[sflag:s8] =	ssyncset.s32 @!p0 $0xFFFFF086;
	s6 =	sadd.s32 @!p0 s3, s7;
	s7 =	simm.s32 @!p0 $0x108  }
0x21: {  	s3 =	sadd.s32 s3, s9;
	s6 =	sadd.s32 @!p0 $0x88, s6;
	s7 =	simm.s32 @p2 $0x1082  }
0x22: {  	[simem:s7], [sflag:s8] =	dma.local @!p0 [hbm:s6], $0xF7A  }
0x23: {  	s9 =	sor.u32 $0xD0000000, s2;
	s6 =	simm.s32 $0x108;
	_ =	swait.ge @!p0 [sflag:s8], $0x0  }
0x24: {  	s3 =	sadd.s32 $0x88, s3;
	s6 =	simm.s32 @!p1 $0x1082;
	[sflag:s4] =	ssyncset.s32 $0xFFFFF086  }
0x25: {  	[simem:s6], [sflag:s4] =	dma.local [hbm:s3], $0xF7A  }
0x26: {  	[smem:$0x3F8D] =	sst s1;
	(tag) =	ssettag s2;
	_ =	strace s9  }
0x27: {  	s1 =	sld [smem:$0x3F9D]  }
0x28: {  	s2 =	sld [smem:$0x3F9E]  }
0x29: {  	s4 =	sld [smem:$0x3FA0]  }
0x2a: {  	p0 =	seq.s32 s5, $0x0;
	s5 =	sld [smem:$0x3FA1]  }
0x2b: {  	s6 =	sld [smem:$0x3FA2]  }
0x2c: {  	s7 =	sld [smem:$0x3FA3]  }
0x2d: {  	s3 =	simm.s32 $0x108;
	s8 =	sld [smem:$0x3FA4]  }
0x2e: {  	s3 =	simm.s32 @!p0 $0x1082;
	s9 =	sld [smem:$0x3FA5]  }
0x2f: {  	lr =	sadd.s32 s0, s3;
	s0 =	sld [smem:$0x3F9C]  }
0x30: {  	s3 =	sld [smem:$0x3F9F]  }
0x31: {  	[smem:$0x3FA8] =	sst s10  }
0x32: {  	s10 =	sld [smem:$0x3FA6];
	_ =	sdelay $0x3  }
0x33: {  	p0 =	seq.s32 s10, $0x1;
	s10 =	sld [smem:$0x3FA8];
	_ =	sdelay $0x3  }
0x34: {  	[smem:$0x3FA8] =	sst s10  }
0x35: {  	s10 =	sld [smem:$0x3FA7];
	_ =	sdelay $0x3  }
0x36: {  	p1 =	seq.s32 s10, $0x1;
	s10 =	sld [smem:$0x3FA8];
	_ =	sdelay $0x3  }
0x37: {  	[smem:$0x3FA8] =	sst s10  }
0x38: {  	s10 =	sld [smem:$0x3FA9]  }
0x39: {  	_ = 	snop;
	(pc) =	sbr.ind lr, $3  }
0x3a: {  	_ = 	snop  }
0x3b: {  	_ = 	snop  }
0x3c: {  	p2 =	seq.s32 s10, $0x1;
	s10 =	sld [smem:$0x3FA8]  }
0x3d: {  	_ =	shalt  }
0x3e: {  	_ =	shalt  }
0x3f: {  	_ =	shalt  }
0x40: {  	_ =	shalt  }
0x41: {  	_ =	shalt  }
0x42: {  	_ =	shalt  }
0x43: {  	_ =	shalt  }
0x44: {  	_ =	shalt  }
0x45: {  	_ =	shalt  }
0x46: {  	_ =	shalt  }
0x47: {  	_ =	shalt  }
0x48: {  	_ =	shalt  }
0x49: {  	_ =	shalt  }
0x4a: {  	_ =	shalt  }
0x4b: {  	_ =	shalt  }
0x4c: {  	_ =	shalt  }
0x4d: {  	_ =	shalt  }
0x4e: {  	_ =	shalt  }
0x4f: {  	_ =	shalt  }
0x50: {  	_ =	shalt  }
0x51: {  	_ =	shalt  }
0x52: {  	_ =	shalt  }
0x53: {  	_ =	shalt  }
0x54: {  	_ =	shalt  }
0x55: {  	_ =	shalt  }
0x56: {  	_ =	shalt  }
0x57: {  	_ =	shalt  }
0x58: {  	_ =	shalt  }
0x59: {  	_ =	shalt  }
0x5a: {  	_ =	shalt  }
0x5b: {  	_ =	shalt  }
0x5c: {  	_ =	shalt  }
0x5d: {  	_ =	shalt  }
0x5e: {  	_ =	shalt  }
0x5f: {  	_ =	shalt  }
0x60: {  	_ =	shalt  }
0x61: {  	_ =	shalt  }
0x62: {  	_ =	shalt  }
0x63: {  	_ =	shalt  }
0x64: {  	_ =	shalt  }
0x65: {  	_ =	shalt  }
0x66: {  	_ =	shalt  }
0x67: {  	_ =	shalt  }
0x68: {  	_ =	shalt  }
0x69: {  	_ =	shalt  }
0x6a: {  	_ =	shalt  }
0x6b: {  	_ =	shalt  }
0x6c: {  	_ =	shalt  }
0x6d: {  	_ =	shalt  }
0x6e: {  	_ =	shalt  }
0x6f: {  	_ =	shalt  }
0x70: {  	_ =	shalt  }
0x71: {  	_ =	shalt  }
0x72: {  	_ =	shalt  }
0x73: {  	_ =	shalt  }
0x74: {  	_ =	shalt  }
0x75: {  	_ =	shalt  }
0x76: {  	_ =	shalt  }
0x77: {  	_ =	shalt  }
0x78: {  	_ =	shalt  }
0x79: {  	_ =	shalt  }
0x7a: {  	_ =	shalt  }
0x7b: {  	_ =	shalt  }
0x7c: {  	_ =	shalt  }
0x7d: {  	_ =	shalt  }
0x7e: {  	_ =	shalt  }
0x7f: {  	_ =	shalt  }
0x80: {  	_ =	shalt  }
0x81: {  	_ =	shalt  }
0x82: {  	_ =	shalt  }
0x83: {  	_ =	shalt  }
0x84: {  	_ =	shalt  }
0x85: {  	_ =	shalt  }
0x86: {  	_ =	shalt  }
0x87: {  	_ =	shalt  }
.Lfunc_end0:
.L_simem_size_0:
called_computation.3_lowered:
.L_overlay_start_0:
0x88: {  	s2 =	sld [smem:$0x3FD9]  }
0x89: {  	s3 =	sld [smem:$0x3FFE];
	_ =	sdelay $0x1  }
0x8a: {  	s1 =	srdreg.scid  }
0x8b: {  	s0 =	sand.u32 $0x1, s1  }
0x8c: {  	s17 =	sshll.u32 s0, $0xA;
	s2 =	sadd.s32 s3, s2  }
0x8d: {  	s2 =	sadd.s32 s2, s17  }
0x8e: {  	[smem:$0x3FB4] =	sst s2  }
0x8f: {  	_ = 	snop  }
0x90: {  	s2 =	sld [smem:$0x3FD0];
	(tm) =	ssettm $0x1  }
0x91: {  	s18 =	sld [smem:$0x3FFB];
	_ =	sdelay $0x3  }
0x92: {  	_ =	strace s18  }
0x93: {  	s3 =	sld [smem:$0x3FFC];
	_ =	sdelay $0x3  }
0x94: {  	_ =	strace s3  }
0x95: {  	s3 =	sld [smem:$0x3FFD];
	_ =	sdelay $0x3  }
0x96: {  	_ =	strace s3  }
0x97: {  	_ =	strace $0x8FFFFFFF  }
0x98: {  	s19 =	sld [smem:$0x3FDB];
	_ =	sdelay $0x1  }
0x99: {  	s4 =	simm.s32 $_scs_section_size  }
0x9a: {  	s5 =	simm.s32 $_size__tile_overlayer_lowered;
	s6 =	simm.s32 $_tile_overlayer_lowered  }
0x9b: {  	s22 =	simm.s32 $0x1BFF;
	s21 =	sshll.u32 s6, $0x1;
	s3 =	sadd.s32 s4, s19  }
0x9c: {  	s7 =	simm.s32 $0x0;
	s20 =	sshll.u32 s5, $0x1;
	s5 =	sadd.s32 s21, s3  }
0x9d: {  	[timem:s7], [sflag:s22] =	dma.local [hbm:s5], s20  }
0x9e: {  	_ =	swait.ge [sflag:s22], s20  }
0x9f: {  	s4 =	ssub.s32 $0x0, s20;
	[sflag:s22] =	ssyncset.done $0x0  }
0xa0: {  	[sflag:s22] =	ssyncadd.s32 s4;
	_ =	sdelay $0x1  }
0xa1: {  	s23 =	simm.s32 $0x1B8B  }
0xa2: {  	_ =	swait.ge [sflag:s23], $0x1  }
0xa3: {  	[sflag:s23] =	ssyncset.done $0x0  }
0xa4: {  	s25 =	simm.s32 $0x1B8E;
	s24 =	sld [smem:$0x3FFE];
	[sflag:s23] =	ssyncadd.s32 $0xFFFFFFFF  }
0xa5: {  	s26 =	simm.s32 $execute0_lowered;
	[smem:$0x3FD2] =	sst s25  }
0xa6: {  	s5 =	sshll.u32 s26, $0x1;
	_ =	strace $0x8000004F;
	[dreg:$0x1] =	wrdreg $0xFFFFFFFF  }
0xa7: {  	s28 =	simm.s32 $_size_execute0_lowered;
	s3 =	sadd.s32 s3, s5;
	[dreg:$0x0] =	wrdreg $0x0  }
0xa8: {  	s5 =	sshll.u32 s28, $0x1;
	[dreg:$0x2] =	wrdreg s3  }
0xa9: {  	[dreg:$0x3] =	wrdreg s5  }
0xaa: {  	[dreg:$0x4] =	wrdreg $0xC0  }
0xab: {  	_ =	task [dreg:s7], $0x5FFFF  }
0xac: {  	[dreg:$0x1] =	wrdreg $0xFFFFFFFF  }
0xad: {  	[dreg:$0x0] =	wrdreg $0x60  }
0xae: {  	[dreg:$0x2] =	wrdreg s24  }
0xaf: {  	[dreg:$0x3] =	wrdreg s2  }
0xb0: {  	[dreg:$0x4] =	wrdreg $0x120000  }
0xb1: {  	[dreg:$0x5] =	wrdreg $0x9  }
0xb2: {  	_ =	task.clear_ibuf [dreg:s7], $0x6FFFF;
	_ =	strace $0x9000004F  }
0xb3: {  	s29 =	simm.s32 $0x9;
	_ =	strace $0x80000051  }
0xb4: {  	_ =	swait.ge [sflag:s29], $0x1  }
0xb5: {  	[sflag:s29] =	ssyncadd.s32 $0xFFFFFFFF  }
0xb6: {  	_ =	strace $0x90000051  }
0xb7: {  	_ =	sfence  }
0xb8: {  	s30 =	sld [smem:$0x0];
	_ =	sdelay $0x2  }
0xb9: {  	s31 =	sshll.u32 s1, $0xD;
	s1 =	sshrl.u32 s1, $0x2  }
0xba: {  	s3 =	sand.u32 $0x4000, s31;
	s1 =	sadd.s32 s1, s30  }
0xbb: {  	s0 =	sor.u32 s3, s0;
	s1 =	sshll.u32 s1, $0x11  }
0xbc: {  	s0 =	sor.u32 s1, s0  }
0xbd: {  	s0 =	sadd.s32 $0x8F2B, s0  }
0xbe: {  	[sflag:s0] =	ssyncadd.remote.s32 $0x1  }
0xbf: {  	_ =	sfence.sel $0xFFFF  }
0xc0: {  	[dreg:$0x0] =	wrdreg $0xFFFFFFFF;
	(pc) =	sbr.abs _section_cstart, $3  }
0xc1: {  	[dreg:$0x1] =	wrdreg $0xFFFFFFFF  }
0xc2: {  	_ =	task.clear_ibuf [dreg:s7], $0x2FFFF;
	_ =	strace $0x9FFFFFFF  }
0xc3: {  	(tm) =	ssettm $0x7FFFFFFF  }
tec
execute0_lowered:
.L_overlay_start_1:
0x0: {  	(tag) =	ssettag $0x1  }
0x1: {  	s5 =	rddreg [dreg:$0x0]  }
0x2: {  	s6 =	rddreg [dreg:$0x1]  }
0x3: {  	s2 =	rddreg [dreg:$0x2]  }
0x4: {  	s0 =	rddreg [dreg:$0x3]  }
0x5: {  	s1 =	stileid.u32;
	s4 =	srdreg.scid;
	s3 =	simm.s32 $0x0  }
0x6: {  	s16 =	simm.s32 $0xA000;
	s17 =	simm.s32 $0xE000;
	s18 =	simm.s32 $0x1  }
0x7: {  	s19 =	simm.s32 $0x0;
	s7 =	smul.u32 $0xA00, s1;
	s8 =	sand.u32 $0x1, s4  }
0x8: {  	s9 =	smul.u32 $0x1400, s1;
	[smem:$0x7FF] =	sst s3;
	s4 =	sadd.s32 $0xE000, s5  }
0x9: {  	s26 =	smul.u32 $0xA000, s1;
	s30 =	sshll.u32 s1, $0x6;
	p0 =	seq.s32 s8, $0x1  }
0xa: {  	s10 =	smul.u32 $0x14000, s8;
	_ =	strace $0x80000050;
	s8 =	ssub.s32 $0x2, s8  }
0xb: {  	s7 =	simm.s32 @p0 $0xA000;
	s28 =	sshrl.u32 s8, $0x1;
	s29 =	sshrl.u32 s26, $0x3  }
0xc: {  	s14 =	sadd.s32 s26, s2;
	s11 =	sadd.s32 s7, s5;
	s25 =	sadd.s32 s9, s10  }
0xd: {  	s9 =	simm.s32 $0x0;
	s13 =	ssub.s32 s8, s28;
	s6 =	sadd.s32 s6, s29  }
.Ltmp0:
0xe: {  	s7 =	sor.u32 $0x1C02, s30;
	s9 =	simm.s32 @!p0 $0x14;
	(pc) =	sbr.rel .LBB2_1-.Ltmp0, $4  }
0xf: {  	s12 =	sadd.s32 s25, s5;
	s8 =	sadd.s32 $0x30C00, s11;
	s5 =	sshll.u32 s9, $0x2  }
0x10: {  	s15 =	sshll.u32 s9, $0x1;
	s9 =	sadd.s32 $0x4000, s11;
	s10 =	sadd.s32 $0x3AC00, s12  }
0x11: {  	s11 =	smax.u32 s13, $0x1;
	s13 =	sshrl.u32 s14, $0x3;
	s31 =	smax.u32 s15, $0x1  }
0x12: {  	s14 =	simm.s32 $0x2;
	s15 =	simm.s32 $0x100;
	s12 =	sshll.u32 s31, $0x1  }
.LBB2_5:
0x13: {  	s21 =	spop (drf)  }
0x14: {  	_ =	swait.ge @p1 [sflag:s14], $0x4000  }
0x15: {  	[sflag:s14] =	ssyncset.done @p1 $0x0  }
0x16: {  	s21 =	sshll.u32 s21, $0x8;
	s22 =	spop (drf);
	[sflag:s14] =	ssyncadd.s32 @p1 $0xFFFFC000  }
0x17: {  	[tilespmem:s16], [sflag:$0x1] =	stream.indirect.gather [hbm4b:s4+s15], $0x40, s21, s15, $0xb8;
	[tilespmem:$0x1C000] =	vst v63  }
0x18: {  	s30 =	sshll.u32 s22, $0x8  }
0x19: {  	[tilespmem:s17], [sflag:$0x1] =	stream.indirect.gather [hbm4b:s4+s15], $0x40, s30, s15, $0xb8;
	[tilespmem:$0x1C000] =	vst v63  }
0x1a: {  	_ =	swait.ge [sflag:s18], $0x4000  }
0x1b: {  	[sflag:s18] =	ssyncset.done $0x0  }
0x1c: {  	[sflag:s18] =	ssyncadd.s32 $0xFFFFC000  }
0x1d: {  	_ =	swait.ge [sflag:s18], $0x4000  }
0x1e: {  	[sflag:s18] =	ssyncset.done $0x0  }
0x1f: {  	[sflag:s18] =	ssyncadd.s32 $0xFFFFC000  }
0x20: {  	[spmem:s2] =	stream.indirect.scatter.add.f32 [tilespmem:s16], [sflag:$0x2], $0x40, s20, s15, $0xb8;
	[tilespmem:$0x1C000] =	vst v63  }
0x21: {  	_ =	swait.ge [sflag:s14], $0x4000  }
0x22: {  	[sflag:s14] =	ssyncset.done $0x0  }
0x23: {  	s31 =	sadd.s32 $0x100, s20;
	[sflag:s14] =	ssyncadd.s32 $0xFFFFC000  }
0x24: {  	[spmem:s2] =	stream.indirect.scatter.add.f32 [tilespmem:s17], [sflag:$0x2], $0x40, s31, s15, $0xb8;
	[tilespmem:$0x1C000] =	vst v63  }
0x25: {  	_ =	swait.ge [sflag:s14], $0x4000  }
0x26: {  	[sflag:s14] =	ssyncset.done $0x0  }
0x27: {  	[sflag:s14] =	ssyncadd.s32 $0xFFFFC000  }
.LBB2_6:
0x28: {  	s19 =	sadd.s32 $0x1, s19  }
0x29: {  	p1 =	sne.s32 s19, s11  }
.Ltmp1:
0x2a: {  	[bflag:$0x0] =	sbarrier.arrive $0xFFFF;
	(pc) =	sbr.rel @!p1 .LBB2_7-.Ltmp1, $4  }
0x2b: {  	[hbm:s10], [sflag:s7] =	dma.local [spmem:s13], $0x1400  }
0x2c: {  	_ =	swait.ge [sflag:s14], $0x1400  }
0x2d: {  	[sflag:s14] =	ssyncset.done $0x0  }
0x2e: {  	[sflag:s14] =	ssyncadd.s32 $0xFFFFEC00  }
.LBB2_1:
0x2f: {  	[spmem:s13], [sflag:s7] =	dma.local [hbm:s6], $0x1400  }
0x30: {  	_ =	swait.ge [sflag:s14], $0x1400  }
0x31: {  	[sflag:s14] =	ssyncset.done $0x0  }
0x32: {  	[sflag:s14] =	ssyncadd.s32 $0xFFFFEC00  }
0x33: {  	[tilespmem:s3], [sflag:$0x2] =	stream.linear.gather [hbm4b:s8+s3], $0x5000, $0x38;
	[tilespmem:$0x1C000] =	vst v63  }
0x34: {  	_ =	swait.ge [sflag:s14], $0x5000  }
0x35: {  	[sflag:s14] =	ssyncset.done $0x0  }
0x36: {  	s20 =	simm.s32 $0x5000;
	[sflag:s14] =	ssyncadd.s32 $0xFFFFB000  }
0x37: {  	[tilespmem:s20], [sflag:$0x2] =	stream.linear.gather [hbm4b:s9+s3], $0x5000, $0x38;
	[tilespmem:$0x1C000] =	vst v63  }
.Ltmp2:
0x38: {  	_ =	swait.ge [sflag:s14], $0x5000;
	(pc) =	sbr.rel @p0 .LBB2_6-.Ltmp2, $3  }
0x39: {  	[sflag:s14] =	ssyncset.done $0x0  }
0x3a: {  	[sflag:s14] =	ssyncadd.s32 $0xFFFFB000  }
0x3b: {  	[bflag:$0x0] =	sbarrier.arrive $0xFFFF;
	_ =	sdelay $0x1  }
0x3c: {  	(drf) =	srem.u32 s3, s5;
	_ =	sdelay $0x1  }
0x3d: {  	s22 =	simm.s32 $0x1  }
0x3e: {  	p2 =	sne.s32 s12, $0x2;
	(drf) =	srem.u32 s22, s5  }
.Ltmp3:
0x3f: {  	_ = 	snop;
	(pc) =	sbr.rel @!p2 .LBB2_5-.Ltmp3, $2  }
0x40: {  	_ =	sdelay $0x2  }
0x41: {  	s21 =	simm.s32 $0x2;
	p1 =	por $0x0, $0x0  }
0x42: {  	s22 =	spop (drf)  }
0x43: {  	s22 =	sshll.u32 s22, $0x8  }
0x44: {  	[tilespmem:s16], [sflag:$0x1] =	stream.indirect.gather [hbm4b:s4+s15], $0x40, s22, s15, $0xb8;
	[tilespmem:$0x1C000] =	vst v63  }
0x45: {  	s23 =	spop (drf)  }
0x46: {  	s29 =	sshll.u32 s23, $0x8  }
0x47: {  	[tilespmem:s17], [sflag:$0x1] =	stream.indirect.gather [hbm4b:s4+s15], $0x40, s29, s15, $0xb8;
	[tilespmem:$0x1C000] =	vst v63  }
0x48: {  	_ =	swait.ge [sflag:s18], $0x4000  }
0x49: {  	[sflag:s18] =	ssyncset.done $0x0  }
0x4a: {  	(drf) =	srem.u32 s21, s5;
	[sflag:s18] =	ssyncadd.s32 $0xFFFFC000  }
0x4b: {  	_ =	swait.ge [sflag:s18], $0x4000  }
0x4c: {  	s30 =	simm.s32 $0x3;
	[sflag:s18] =	ssyncset.done $0x0  }
0x4d: {  	p2 =	sne.s32 s12, $0x4;
	(drf) =	srem.u32 s30, s5;
	[sflag:s18] =	ssyncadd.s32 $0xFFFFC000  }
0x4e: {  	[spmem:s2] =	stream.indirect.scatter.add.f32 [tilespmem:s16], [sflag:$0x2], $0x40, s20, s15, $0xb8;
	[tilespmem:$0x1C000] =	vst v63  }
.Ltmp4:
0x4f: {  	_ = 	snop;
	(pc) =	sbr.rel @!p2 .LBB2_5-.Ltmp4, $4  }
0x50: {  	_ =	swait.ge [sflag:s14], $0x4000  }
0x51: {  	s31 =	simm.s32 $0x5100;
	p1 =	por $0x1, $0x1;
	[sflag:s14] =	ssyncset.done $0x0  }
0x52: {  	s21 =	simm.s32 $0x4;
	s20 =	simm.s32 $0x5200;
	[sflag:s14] =	ssyncadd.s32 $0xFFFFC000  }
0x53: {  	[spmem:s2] =	stream.indirect.scatter.add.f32 [tilespmem:s17], [sflag:$0x2], $0x40, s31, s15, $0xb8;
	[tilespmem:$0x1C000] =	vst v63  }
.LBB2_4:
0x54: {  	s22 =	spop (drf)  }
0x55: {  	s23 =	smov.u32 s21;
	s21 =	sadd.s32 $0x2, s21;
	_ =	swait.ge [sflag:s14], $0x4000  }
0x56: {  	p2 =	sne.s32 s12, s21;
	s22 =	sshll.u32 s22, $0x8;
	[sflag:s14] =	ssyncset.done $0x0  }
0x57: {  	s24 =	spop (drf);
	[sflag:s14] =	ssyncadd.s32 $0xFFFFC000  }
0x58: {  	[tilespmem:s16], [sflag:$0x1] =	stream.indirect.gather [hbm4b:s4+s15], $0x40, s22, s15, $0xb8;
	[tilespmem:$0x1C000] =	vst v63  }
0x59: {  	_ = 	snop  }
0x5a: {  	s22 =	sshll.u32 s24, $0x8  }
0x5b: {  	[tilespmem:s17], [sflag:$0x1] =	stream.indirect.gather [hbm4b:s4+s15], $0x40, s22, s15, $0xb8;
	[tilespmem:$0x1C000] =	vst v63  }
0x5c: {  	_ =	swait.ge [sflag:s18], $0x4000  }
0x5d: {  	[sflag:s18] =	ssyncset.done $0x0  }
0x5e: {  	(drf) =	srem.u32 s23, s5;
	[sflag:s18] =	ssyncadd.s32 $0xFFFFC000  }
0x5f: {  	s22 =	sadd.s32 $0x1, s23;
	_ =	swait.ge [sflag:s18], $0x4000  }
0x60: {  	(drf) =	srem.u32 s22, s5;
	[sflag:s18] =	ssyncset.done $0x0  }
0x61: {  	[sflag:s18] =	ssyncadd.s32 $0xFFFFC000  }
0x62: {  	[spmem:s2] =	stream.indirect.scatter.add.f32 [tilespmem:s16], [sflag:$0x2], $0x40, s20, s15, $0xb8;
	[tilespmem:$0x1C000] =	vst v63  }
.Ltmp5:
0x63: {  	_ = 	snop;
	(pc) =	sbr.rel @p2 .LBB2_4-.Ltmp5, $4  }
0x64: {  	_ =	swait.ge [sflag:s14], $0x4000  }
0x65: {  	s22 =	sadd.s32 $0x100, s20;
	[sflag:s14] =	ssyncset.done $0x0  }
0x66: {  	s20 =	sadd.s32 $0x200, s20;
	[sflag:s14] =	ssyncadd.s32 $0xFFFFC000  }
0x67: {  	[spmem:s2] =	stream.indirect.scatter.add.f32 [tilespmem:s17], [sflag:$0x2], $0x40, s22, s15, $0xb8;
	[tilespmem:$0x1C000] =	vst v63  }
.Ltmp6:
0x68: {  	_ = 	snop;
	(pc) =	sbr.rel .LBB2_5-.Ltmp6, $1  }
0x69: {  	_ =	sdelay $0x3  }
.LBB2_7:
0x6a: {  	_ =	sfence.sel $0x180000  }
0x6b: {  	[bflag:$0x0] =	sbarrier.arrive $0xFFFF  }
0x6c: {  	p0 =	sne.s32 s1, $0x0;
	_ =	strace $0x90000050  }
0x6d: {  	s0 =	sadd.s32 @!p0 $0x100000, s0;
	[bflag:$0x2] =	sbarrier.arrive $0xFFFF  }
0x6e: {  	[sflag:s0] =	ssyncadd.tile.s32 @!p0 $0x1;
	_ =	shalt  }
.Lfunc_end2:
_tile_overlayer_lowered:
.L_overlay_start_2:
0x6f: {  	(tag) =	ssettag $0x2  }
0x70: {  	s0 =	rddreg [dreg:$0x0];
	s2 =	stileid.u32  }
0x71: {  	s1 =	rddreg [dreg:$0x1];
	p0 =	sne.s32 s2, $0x0  }
0x72: {  	s3 =	rddreg [dreg:$0x2];
	[bflag:$0x3] =	sbarrier.arrive $0xFFFF;
	s2 =	simm.s32 @!p0 $0x1C02  }
0x73: {  	[timem:s3], [sflag:s2] =	dma.local @!p0 [hbm:s0], s1  }
0x74: {  	s0 =	simm.s32 @!p0 $0x2  }
0x75: {  	_ =	swait.ge @!p0 [sflag:s0], s1  }
0x76: {  	s1 =	ssub.s32 @!p0 $0x0, s1;
	[sflag:s0] =	ssyncset.done @!p0 $0x0  }
0x77: {  	[sflag:s0] =	ssyncadd.s32 @!p0 s1  }
0x78: {  	[bflag:$0x3] =	sbarrier.arrive $0xFFFF  }
0x79: {  	_ =	shalt  }

// kernel: kernel.24.cloned.1.call-start
scs
__scs_entry_jumppad:
0x0: {  	(pc) =	sbr.rel $0x88, $3  }
0x1: {  	(tag) =	ssettag $0x0;
	lr =	simm.s32 $0x1  }
0x2: {  	[smem:$0x3F8D] =	sst lr;
	_ =	strace $0xD0000000  }
0x3: {  	_ = 	snop  }
0x4: {  	_ = 	snop  }
0x5: {  	_ = 	snop  }
0x6: {  	_ = 	snop  }
0x7: {  	_ = 	snop  }
__scs_overlays_trampoline_lowered:
0x8: {  	[smem:$0x3F9C] =	sst s0  }
0x9: {  	[smem:$0x3F9D] =	sst s1  }
0xa: {  	[smem:$0x3F9E] =	sst s2  }
0xb: {  	[smem:$0x3F9F] =	sst s3  }
0xc: {  	[smem:$0x3FA0] =	sst s4  }
0xd: {  	[smem:$0x3FA1] =	sst s5  }
0xe: {  	[smem:$0x3FA2] =	sst s6  }
0xf: {  	[smem:$0x3FA3] =	sst s7  }
0x10: {  	[smem:$0x3FA4] =	sst s8  }
0x11: {  	[smem:$0x3FA5] =	sst s9;
	s0 =	simm.s32 @!p0 $0x0  }
0x12: {  	s1 =	sld [smem:$0x3F8B];
	s0 =	simm.s32 @p0 $0x1  }
0x13: {  	[smem:$0x3FA6] =	sst s0;
	s0 =	simm.s32 @!p1 $0x0  }
0x14: {  	s2 =	sld [smem:$0x3F8A];
	s0 =	simm.s32 @p1 $0x1  }
0x15: {  	[smem:$0x3FA7] =	sst s0;
	s0 =	simm.s32 @!p2 $0x0  }
0x16: {  	s3 =	sld [smem:$0x3FDB];
	s0 =	simm.s32 @p2 $0x1  }
0x17: {  	s4 =	simm.s32 $0x1BF5;
	[smem:$0x3FA9] =	sst s0  }
0x18: {  	s0 =	sld [smem:$0x3F8C];
	_ =	swait.ge [sflag:s4], $0x0  }
0x19: {  	s7 =	sld [smem:$0x3F8D]  }
0x1a: {  	s8 =	sadd.s32 $0xFFFFE003, lr  }
0x1b: {  	s9 =	sadd.s32 $0xFFFFFEF7, lr;
	s5 =	simm.s32 $0xFFFFFFFF;
	p2 =	slt.u32 s8, $0xFFFFF086  }
0x1c: {  	p1 =	slt.u32 s9, $0xF7A;
	s5 =	simm.s32 @!p2 $0x0  }
0x1d: {  	s5 =	simm.s32 @p1 $0x1;
	p0 =	seq.s32 s7, s2  }
0x1e: {  	s7 =	smul.u32 @!p0 $0xF7A, s2;
	p2 =	seq.s32 @!p0 s5, $0x0  }
0x1f: {  	s9 =	smul.u32 $0xF7A, s1;
	s8 =	simm.s32 @!p0 $0x1BF5;
	p2 =	por !p2, p0  }
0x20: {  	[sflag:s8] =	ssyncset.s32 @!p0 $0xFFFFF086;
	s6 =	sadd.s32 @!p0 s3, s7;
	s7 =	simm.s32 @!p0 $0x108  }
0x21: {  	s3 =	sadd.s32 s3, s9;
	s6 =	sadd.s32 @!p0 $0x88, s6;
	s7 =	simm.s32 @p2 $0x1082  }
0x22: {  	[simem:s7], [sflag:s8] =	dma.local @!p0 [hbm:s6], $0xF7A  }
0x23: {  	s9 =	sor.u32 $0xD0000000, s2;
	s6 =	simm.s32 $0x108;
	_ =	swait.ge @!p0 [sflag:s8], $0x0  }
0x24: {  	s3 =	sadd.s32 $0x88, s3;
	s6 =	simm.s32 @!p1 $0x1082;
	[sflag:s4] =	ssyncset.s32 $0xFFFFF086  }
0x25: {  	[simem:s6], [sflag:s4] =	dma.local [hbm:s3], $0xF7A  }
0x26: {  	[smem:$0x3F8D] =	sst s1;
	(tag) =	ssettag s2;
	_ =	strace s9  }
0x27: {  	s1 =	sld [smem:$0x3F9D]  }
0x28: {  	s2 =	sld [smem:$0x3F9E]  }
0x29: {  	s4 =	sld [smem:$0x3FA0]  }
0x2a: {  	p0 =	seq.s32 s5, $0x0;
	s5 =	sld [smem:$0x3FA1]  }
0x2b: {  	s6 =	sld [smem:$0x3FA2]  }
0x2c: {  	s7 =	sld [smem:$0x3FA3]  }
0x2d: {  	s3 =	simm.s32 $0x108;
	s8 =	sld [smem:$0x3FA4]  }
0x2e: {  	s3 =	simm.s32 @!p0 $0x1082;
	s9 =	sld [smem:$0x3FA5]  }
0x2f: {  	lr =	sadd.s32 s0, s3;
	s0 =	sld [smem:$0x3F9C]  }
0x30: {  	s3 =	sld [smem:$0x3F9F]  }
0x31: {  	[smem:$0x3FA8] =	sst s10  }
0x32: {  	s10 =	sld [smem:$0x3FA6];
	_ =	sdelay $0x3  }
0x33: {  	p0 =	seq.s32 s10, $0x1;
	s10 =	sld [smem:$0x3FA8];
	_ =	sdelay $0x3  }
0x34: {  	[smem:$0x3FA8] =	sst s10  }
0x35: {  	s10 =	sld [smem:$0x3FA7];
	_ =	sdelay $0x3  }
0x36: {  	p1 =	seq.s32 s10, $0x1;
	s10 =	sld [smem:$0x3FA8];
	_ =	sdelay $0x3  }
0x37: {  	[smem:$0x3FA8] =	sst s10  }
0x38: {  	s10 =	sld [smem:$0x3FA9]  }
0x39: {  	_ = 	snop;
	(pc) =	sbr.ind lr, $3  }
0x3a: {  	_ = 	snop  }
0x3b: {  	_ = 	snop  }
0x3c: {  	p2 =	seq.s32 s10, $0x1;
	s10 =	sld [smem:$0x3FA8]  }
0x3d: {  	_ =	shalt  }
0x3e: {  	_ =	shalt  }
0x3f: {  	_ =	shalt  }
0x40: {  	_ =	shalt  }
0x41: {  	_ =	shalt  }
0x42: {  	_ =	shalt  }
0x43: {  	_ =	shalt  }
0x44: {  	_ =	shalt  }
0x45: {  	_ =	shalt  }
0x46: {  	_ =	shalt  }
0x47: {  	_ =	shalt  }
0x48: {  	_ =	shalt  }
0x49: {  	_ =	shalt  }
0x4a: {  	_ =	shalt  }
0x4b: {  	_ =	shalt  }
0x4c: {  	_ =	shalt  }
0x4d: {  	_ =	shalt  }
0x4e: {  	_ =	shalt  }
0x4f: {  	_ =	shalt  }
0x50: {  	_ =	shalt  }
0x51: {  	_ =	shalt  }
0x52: {  	_ =	shalt  }
0x53: {  	_ =	shalt  }
0x54: {  	_ =	shalt  }
0x55: {  	_ =	shalt  }
0x56: {  	_ =	shalt  }
0x57: {  	_ =	shalt  }
0x58: {  	_ =	shalt  }
0x59: {  	_ =	shalt  }
0x5a: {  	_ =	shalt  }
0x5b: {  	_ =	shalt  }
0x5c: {  	_ =	shalt  }
0x5d: {  	_ =	shalt  }
0x5e: {  	_ =	shalt  }
0x5f: {  	_ =	shalt  }
0x60: {  	_ =	shalt  }
0x61: {  	_ =	shalt  }
0x62: {  	_ =	shalt  }
0x63: {  	_ =	shalt  }
0x64: {  	_ =	shalt  }
0x65: {  	_ =	shalt  }
0x66: {  	_ =	shalt  }
0x67: {  	_ =	shalt  }
0x68: {  	_ =	shalt  }
0x69: {  	_ =	shalt  }
0x6a: {  	_ =	shalt  }
0x6b: {  	_ =	shalt  }
0x6c: {  	_ =	shalt  }
0x6d: {  	_ =	shalt  }
0x6e: {  	_ =	shalt  }
0x6f: {  	_ =	shalt  }
0x70: {  	_ =	shalt  }
0x71: {  	_ =	shalt  }
0x72: {  	_ =	shalt  }
0x73: {  	_ =	shalt  }
0x74: {  	_ =	shalt  }
0x75: {  	_ =	shalt  }
0x76: {  	_ =	shalt  }
0x77: {  	_ =	shalt  }
0x78: {  	_ =	shalt  }
0x79: {  	_ =	shalt  }
0x7a: {  	_ =	shalt  }
0x7b: {  	_ =	shalt  }
0x7c: {  	_ =	shalt  }
0x7d: {  	_ =	shalt  }
0x7e: {  	_ =	shalt  }
0x7f: {  	_ =	shalt  }
0x80: {  	_ =	shalt  }
0x81: {  	_ =	shalt  }
0x82: {  	_ =	shalt  }
0x83: {  	_ =	shalt  }
0x84: {  	_ =	shalt  }
0x85: {  	_ =	shalt  }
0x86: {  	_ =	shalt  }
0x87: {  	_ =	shalt  }
.Lfunc_end0:
.L_simem_size_0:
called_computation.4_lowered:
.L_overlay_start_0:
0x88: {  	s2 =	sld [smem:$0x3FD9]  }
0x89: {  	s3 =	sld [smem:$0x3FFE];
	_ =	sdelay $0x1  }
0x8a: {  	s1 =	srdreg.scid  }
0x8b: {  	s0 =	sand.u32 $0x1, s1  }
0x8c: {  	s17 =	sshll.u32 s0, $0xA;
	s2 =	sadd.s32 s3, s2  }
0x8d: {  	s2 =	sadd.s32 s2, s17  }
0x8e: {  	[smem:$0x3FB4] =	sst s2  }
0x8f: {  	_ = 	snop  }
0x90: {  	s2 =	sld [smem:$0x3FD0];
	(tm) =	ssettm $0x1  }
0x91: {  	s18 =	sld [smem:$0x3FFB];
	_ =	sdelay $0x3  }
0x92: {  	_ =	strace s18  }
0x93: {  	s3 =	sld [smem:$0x3FFC];
	_ =	sdelay $0x3  }
0x94: {  	_ =	strace s3  }
0x95: {  	s3 =	sld [smem:$0x3FFD];
	_ =	sdelay $0x3  }
0x96: {  	_ =	strace s3  }
0x97: {  	_ =	strace $0x8FFFFFFF  }
0x98: {  	s19 =	sld [smem:$0x3FDB];
	_ =	sdelay $0x1  }
0x99: {  	s4 =	simm.s32 $_scs_section_size  }
0x9a: {  	s5 =	simm.s32 $_size__tile_overlayer_lowered;
	s6 =	simm.s32 $_tile_overlayer_lowered  }
0x9b: {  	s22 =	simm.s32 $0x1BFF;
	s21 =	sshll.u32 s6, $0x1;
	s3 =	sadd.s32 s4, s19  }
0x9c: {  	s7 =	simm.s32 $0x0;
	s20 =	sshll.u32 s5, $0x1;
	s5 =	sadd.s32 s21, s3  }
0x9d: {  	[timem:s7], [sflag:s22] =	dma.local [hbm:s5], s20  }
0x9e: {  	_ =	swait.ge [sflag:s22], s20  }
0x9f: {  	s4 =	ssub.s32 $0x0, s20;
	[sflag:s22] =	ssyncset.done $0x0  }
0xa0: {  	[sflag:s22] =	ssyncadd.s32 s4;
	_ =	sdelay $0x1  }
0xa1: {  	s23 =	simm.s32 $0x1B8B  }
0xa2: {  	_ =	swait.ge [sflag:s23], $0x1  }
0xa3: {  	[sflag:s23] =	ssyncset.done $0x0  }
0xa4: {  	s25 =	simm.s32 $0x1B8E;
	s24 =	sld [smem:$0x3FFE];
	[sflag:s23] =	ssyncadd.s32 $0xFFFFFFFF  }
0xa5: {  	s26 =	simm.s32 $execute0_lowered;
	[smem:$0x3FD2] =	sst s25  }
0xa6: {  	s5 =	sshll.u32 s26, $0x1;
	_ =	strace $0x80000052;
	[dreg:$0x1] =	wrdreg $0xFFFFFFFF  }
0xa7: {  	s28 =	simm.s32 $_size_execute0_lowered;
	s3 =	sadd.s32 s3, s5;
	[dreg:$0x0] =	wrdreg $0x0  }
0xa8: {  	s5 =	sshll.u32 s28, $0x1;
	[dreg:$0x2] =	wrdreg s3  }
0xa9: {  	[dreg:$0x3] =	wrdreg s5  }
0xaa: {  	[dreg:$0x4] =	wrdreg $0xC0  }
0xab: {  	_ =	task [dreg:s7], $0x5FFFF  }
0xac: {  	[dreg:$0x1] =	wrdreg $0xFFFFFFFF  }
0xad: {  	[dreg:$0x0] =	wrdreg $0x60  }
0xae: {  	[dreg:$0x2] =	wrdreg s24  }
0xaf: {  	[dreg:$0x3] =	wrdreg s2  }
0xb0: {  	[dreg:$0x4] =	wrdreg $0x120000  }
0xb1: {  	[dreg:$0x5] =	wrdreg $0x9  }
0xb2: {  	_ =	task.clear_ibuf [dreg:s7], $0x6FFFF;
	_ =	strace $0x90000052  }
0xb3: {  	s29 =	simm.s32 $0x9;
	_ =	strace $0x80000054  }
0xb4: {  	_ =	swait.ge [sflag:s29], $0x1  }
0xb5: {  	[sflag:s29] =	ssyncadd.s32 $0xFFFFFFFF  }
0xb6: {  	_ =	strace $0x90000054  }
0xb7: {  	_ =	sfence  }
0xb8: {  	s30 =	sld [smem:$0x0];
	_ =	sdelay $0x2  }
0xb9: {  	s31 =	sshll.u32 s1, $0xD;
	s1 =	sshrl.u32 s1, $0x2  }
0xba: {  	s3 =	sand.u32 $0x4000, s31;
	s1 =	sadd.s32 s1, s30  }
0xbb: {  	s0 =	sor.u32 s3, s0;
	s1 =	sshll.u32 s1, $0x11  }
0xbc: {  	s0 =	sor.u32 s1, s0  }
0xbd: {  	s0 =	sadd.s32 $0x8F2B, s0  }
0xbe: {  	[sflag:s0] =	ssyncadd.remote.s32 $0x1  }
0xbf: {  	_ =	sfence.sel $0xFFFF  }
0xc0: {  	[dreg:$0x0] =	wrdreg $0xFFFFFFFF;
	(pc) =	sbr.abs _section_cstart, $3  }
0xc1: {  	[dreg:$0x1] =	wrdreg $0xFFFFFFFF  }
0xc2: {  	_ =	task.clear_ibuf [dreg:s7], $0x2FFFF;
	_ =	strace $0x9FFFFFFF  }
0xc3: {  	(tm) =	ssettm $0x7FFFFFFF  }
tec
execute0_lowered:
.L_overlay_start_1:
0x0: {  	(tag) =	ssettag $0x1  }
0x1: {  	s5 =	rddreg [dreg:$0x0]  }
0x2: {  	s6 =	rddreg [dreg:$0x1]  }
0x3: {  	s2 =	rddreg [dreg:$0x2]  }
0x4: {  	s0 =	rddreg [dreg:$0x3]  }
0x5: {  	s1 =	stileid.u32;
	s4 =	srdreg.scid;
	s3 =	simm.s32 $0x0  }
0x6: {  	s16 =	simm.s32 $0xA000;
	s17 =	simm.s32 $0xE000;
	s18 =	simm.s32 $0x1  }
0x7: {  	s19 =	simm.s32 $0x0;
	s7 =	smul.u32 $0xA00, s1;
	s8 =	sand.u32 $0x1, s4  }
0x8: {  	s9 =	smul.u32 $0x1400, s1;
	[smem:$0x7FF] =	sst s3;
	s4 =	sadd.s32 $0xE000, s5  }
0x9: {  	s26 =	smul.u32 $0xA000, s1;
	s30 =	sshll.u32 s1, $0x6;
	p0 =	seq.s32 s8, $0x1  }
0xa: {  	s10 =	smul.u32 $0x14000, s8;
	_ =	strace $0x80000053;
	s8 =	ssub.s32 $0x2, s8  }
0xb: {  	s7 =	simm.s32 @p0 $0xA000;
	s28 =	sshrl.u32 s8, $0x1;
	s29 =	sshrl.u32 s26, $0x3  }
0xc: {  	s14 =	sadd.s32 s26, s2;
	s11 =	sadd.s32 s7, s5;
	s25 =	sadd.s32 s9, s10  }
0xd: {  	s9 =	simm.s32 $0x0;
	s13 =	ssub.s32 s8, s28;
	s6 =	sadd.s32 s6, s29  }
.Ltmp0:
0xe: {  	s7 =	sor.u32 $0x1C02, s30;
	s9 =	simm.s32 @!p0 $0x14;
	(pc) =	sbr.rel .LBB2_1-.Ltmp0, $4  }
0xf: {  	s12 =	sadd.s32 s25, s5;
	s8 =	sadd.s32 $0x30C00, s11;
	s5 =	sshll.u32 s9, $0x2  }
0x10: {  	s15 =	sshll.u32 s9, $0x1;
	s9 =	sadd.s32 $0x4000, s11;
	s10 =	sadd.s32 $0x3AC00, s12  }
0x11: {  	s11 =	smax.u32 s13, $0x1;
	s13 =	sshrl.u32 s14, $0x3;
	s31 =	smax.u32 s15, $0x1  }
0x12: {  	s14 =	simm.s32 $0x2;
	s15 =	simm.s32 $0x100;
	s12 =	sshll.u32 s31, $0x1  }
.LBB2_5:
0x13: {  	s21 =	spop (drf)  }
0x14: {  	_ =	swait.ge @p1 [sflag:s14], $0x4000  }
0x15: {  	[sflag:s14] =	ssyncset.done @p1 $0x0  }
0x16: {  	s21 =	sshll.u32 s21, $0x8;
	s22 =	spop (drf);
	[sflag:s14] =	ssyncadd.s32 @p1 $0xFFFFC000  }
0x17: {  	[tilespmem:s16], [sflag:$0x1] =	stream.indirect.gather [hbm4b:s4+s15], $0x40, s21, s15, $0xb8;
	[tilespmem:$0x1C000] =	vst v63  }
0x18: {  	s30 =	sshll.u32 s22, $0x8  }
0x19: {  	[tilespmem:s17], [sflag:$0x1] =	stream.indirect.gather [hbm4b:s4+s15], $0x40, s30, s15, $0xb8;
	[tilespmem:$0x1C000] =	vst v63  }
0x1a: {  	_ =	swait.ge [sflag:s18], $0x4000  }
0x1b: {  	[sflag:s18] =	ssyncset.done $0x0  }
0x1c: {  	[sflag:s18] =	ssyncadd.s32 $0xFFFFC000  }
0x1d: {  	_ =	swait.ge [sflag:s18], $0x4000  }
0x1e: {  	[sflag:s18] =	ssyncset.done $0x0  }
0x1f: {  	[sflag:s18] =	ssyncadd.s32 $0xFFFFC000  }
0x20: {  	[spmem:s2] =	stream.indirect.scatter.add.f32 [tilespmem:s16], [sflag:$0x2], $0x40, s20, s15, $0xb8;
	[tilespmem:$0x1C000] =	vst v63  }
0x21: {  	_ =	swait.ge [sflag:s14], $0x4000  }
0x22: {  	[sflag:s14] =	ssyncset.done $0x0  }
0x23: {  	s31 =	sadd.s32 $0x100, s20;
	[sflag:s14] =	ssyncadd.s32 $0xFFFFC000  }
0x24: {  	[spmem:s2] =	stream.indirect.scatter.add.f32 [tilespmem:s17], [sflag:$0x2], $0x40, s31, s15, $0xb8;
	[tilespmem:$0x1C000] =	vst v63  }
0x25: {  	_ =	swait.ge [sflag:s14], $0x4000  }
0x26: {  	[sflag:s14] =	ssyncset.done $0x0  }
0x27: {  	[sflag:s14] =	ssyncadd.s32 $0xFFFFC000  }
.LBB2_6:
0x28: {  	s19 =	sadd.s32 $0x1, s19  }
0x29: {  	p1 =	sne.s32 s19, s11  }
.Ltmp1:
0x2a: {  	[bflag:$0x0] =	sbarrier.arrive $0xFFFF;
	(pc) =	sbr.rel @!p1 .LBB2_7-.Ltmp1, $4  }
0x2b: {  	[hbm:s10], [sflag:s7] =	dma.local [spmem:s13], $0x1400  }
0x2c: {  	_ =	swait.ge [sflag:s14], $0x1400  }
0x2d: {  	[sflag:s14] =	ssyncset.done $0x0  }
0x2e: {  	[sflag:s14] =	ssyncadd.s32 $0xFFFFEC00  }
.LBB2_1:
0x2f: {  	[spmem:s13], [sflag:s7] =	dma.local [hbm:s6], $0x1400  }
0x30: {  	_ =	swait.ge [sflag:s14], $0x1400  }
0x31: {  	[sflag:s14] =	ssyncset.done $0x0  }
0x32: {  	[sflag:s14] =	ssyncadd.s32 $0xFFFFEC00  }
0x33: {  	[tilespmem:s3], [sflag:$0x2] =	stream.linear.gather [hbm4b:s8+s3], $0x5000, $0x38;
	[tilespmem:$0x1C000] =	vst v63  }
0x34: {  	_ =	swait.ge [sflag:s14], $0x5000  }
0x35: {  	[sflag:s14] =	ssyncset.done $0x0  }
0x36: {  	s20 =	simm.s32 $0x5000;
	[sflag:s14] =	ssyncadd.s32 $0xFFFFB000  }
0x37: {  	[tilespmem:s20], [sflag:$0x2] =	stream.linear.gather [hbm4b:s9+s3], $0x5000, $0x38;
	[tilespmem:$0x1C000] =	vst v63  }
.Ltmp2:
0x38: {  	_ =	swait.ge [sflag:s14], $0x5000;
	(pc) =	sbr.rel @p0 .LBB2_6-.Ltmp2, $3  }
0x39: {  	[sflag:s14] =	ssyncset.done $0x0  }
0x3a: {  	[sflag:s14] =	ssyncadd.s32 $0xFFFFB000  }
0x3b: {  	[bflag:$0x0] =	sbarrier.arrive $0xFFFF;
	_ =	sdelay $0x1  }
0x3c: {  	(drf) =	srem.u32 s3, s5;
	_ =	sdelay $0x1  }
0x3d: {  	s22 =	simm.s32 $0x1  }
0x3e: {  	p2 =	sne.s32 s12, $0x2;
	(drf) =	srem.u32 s22, s5  }
.Ltmp3:
0x3f: {  	_ = 	snop;
	(pc) =	sbr.rel @!p2 .LBB2_5-.Ltmp3, $2  }
0x40: {  	_ =	sdelay $0x2  }
0x41: {  	s21 =	simm.s32 $0x2;
	p1 =	por $0x0, $0x0  }
0x42: {  	s22 =	spop (drf)  }
0x43: {  	s22 =	sshll.u32 s22, $0x8  }
0x44: {  	[tilespmem:s16], [sflag:$0x1] =	stream.indirect.gather [hbm4b:s4+s15], $0x40, s22, s15, $0xb8;
	[tilespmem:$0x1C000] =	vst v63  }
0x45: {  	s23 =	spop (drf)  }
0x46: {  	s29 =	sshll.u32 s23, $0x8  }
0x47: {  	[tilespmem:s17], [sflag:$0x1] =	stream.indirect.gather [hbm4b:s4+s15], $0x40, s29, s15, $0xb8;
	[tilespmem:$0x1C000] =	vst v63  }
0x48: {  	_ =	swait.ge [sflag:s18], $0x4000  }
0x49: {  	[sflag:s18] =	ssyncset.done $0x0  }
0x4a: {  	(drf) =	srem.u32 s21, s5;
	[sflag:s18] =	ssyncadd.s32 $0xFFFFC000  }
0x4b: {  	_ =	swait.ge [sflag:s18], $0x4000  }
0x4c: {  	s30 =	simm.s32 $0x3;
	[sflag:s18] =	ssyncset.done $0x0  }
0x4d: {  	p2 =	sne.s32 s12, $0x4;
	(drf) =	srem.u32 s30, s5;
	[sflag:s18] =	ssyncadd.s32 $0xFFFFC000  }
0x4e: {  	[spmem:s2] =	stream.indirect.scatter.add.f32 [tilespmem:s16], [sflag:$0x2], $0x40, s20, s15, $0xb8;
	[tilespmem:$0x1C000] =	vst v63  }
.Ltmp4:
0x4f: {  	_ = 	snop;
	(pc) =	sbr.rel @!p2 .LBB2_5-.Ltmp4, $4  }
0x50: {  	_ =	swait.ge [sflag:s14], $0x4000  }
0x51: {  	s31 =	simm.s32 $0x5100;
	p1 =	por $0x1, $0x1;
	[sflag:s14] =	ssyncset.done $0x0  }
0x52: {  	s21 =	simm.s32 $0x4;
	s20 =	simm.s32 $0x5200;
	[sflag:s14] =	ssyncadd.s32 $0xFFFFC000  }
0x53: {  	[spmem:s2] =	stream.indirect.scatter.add.f32 [tilespmem:s17], [sflag:$0x2], $0x40, s31, s15, $0xb8;
	[tilespmem:$0x1C000] =	vst v63  }
.LBB2_4:
0x54: {  	s22 =	spop (drf)  }
0x55: {  	s23 =	smov.u32 s21;
	s21 =	sadd.s32 $0x2, s21;
	_ =	swait.ge [sflag:s14], $0x4000  }
0x56: {  	p2 =	sne.s32 s12, s21;
	s22 =	sshll.u32 s22, $0x8;
	[sflag:s14] =	ssyncset.done $0x0  }
0x57: {  	s24 =	spop (drf);
	[sflag:s14] =	ssyncadd.s32 $0xFFFFC000  }
0x58: {  	[tilespmem:s16], [sflag:$0x1] =	stream.indirect.gather [hbm4b:s4+s15], $0x40, s22, s15, $0xb8;
	[tilespmem:$0x1C000] =	vst v63  }
0x59: {  	_ = 	snop  }
0x5a: {  	s22 =	sshll.u32 s24, $0x8  }
0x5b: {  	[tilespmem:s17], [sflag:$0x1] =	stream.indirect.gather [hbm4b:s4+s15], $0x40, s22, s15, $0xb8;
	[tilespmem:$0x1C000] =	vst v63  }
0x5c: {  	_ =	swait.ge [sflag:s18], $0x4000  }
0x5d: {  	[sflag:s18] =	ssyncset.done $0x0  }
0x5e: {  	(drf) =	srem.u32 s23, s5;
	[sflag:s18] =	ssyncadd.s32 $0xFFFFC000  }
0x5f: {  	s22 =	sadd.s32 $0x1, s23;
	_ =	swait.ge [sflag:s18], $0x4000  }
0x60: {  	(drf) =	srem.u32 s22, s5;
	[sflag:s18] =	ssyncset.done $0x0  }
0x61: {  	[sflag:s18] =	ssyncadd.s32 $0xFFFFC000  }
0x62: {  	[spmem:s2] =	stream.indirect.scatter.add.f32 [tilespmem:s16], [sflag:$0x2], $0x40, s20, s15, $0xb8;
	[tilespmem:$0x1C000] =	vst v63  }
.Ltmp5:
0x63: {  	_ = 	snop;
	(pc) =	sbr.rel @p2 .LBB2_4-.Ltmp5, $4  }
0x64: {  	_ =	swait.ge [sflag:s14], $0x4000  }
0x65: {  	s22 =	sadd.s32 $0x100, s20;
	[sflag:s14] =	ssyncset.done $0x0  }
0x66: {  	s20 =	sadd.s32 $0x200, s20;
	[sflag:s14] =	ssyncadd.s32 $0xFFFFC000  }
0x67: {  	[spmem:s2] =	stream.indirect.scatter.add.f32 [tilespmem:s17], [sflag:$0x2], $0x40, s22, s15, $0xb8;
	[tilespmem:$0x1C000] =	vst v63  }
.Ltmp6:
0x68: {  	_ = 	snop;
	(pc) =	sbr.rel .LBB2_5-.Ltmp6, $1  }
0x69: {  	_ =	sdelay $0x3  }
.LBB2_7:
0x6a: {  	_ =	sfence.sel $0x180000  }
0x6b: {  	[bflag:$0x0] =	sbarrier.arrive $0xFFFF  }
0x6c: {  	p0 =	sne.s32 s1, $0x0;
	_ =	strace $0x90000053  }
0x6d: {  	s0 =	sadd.s32 @!p0 $0x100000, s0;
	[bflag:$0x2] =	sbarrier.arrive $0xFFFF  }
0x6e: {  	[sflag:s0] =	ssyncadd.tile.s32 @!p0 $0x1;
	_ =	shalt  }
.Lfunc_end2:
_tile_overlayer_lowered:
.L_overlay_start_2:
0x6f: {  	(tag) =	ssettag $0x2  }
0x70: {  	s0 =	rddreg [dreg:$0x0];
	s2 =	stileid.u32  }
0x71: {  	s1 =	rddreg [dreg:$0x1];
	p0 =	sne.s32 s2, $0x0  }
0x72: {  	s3 =	rddreg [dreg:$0x2];
	[bflag:$0x3] =	sbarrier.arrive $0xFFFF;
	s2 =	simm.s32 @!p0 $0x1C02  }
0x73: {  	[timem:s3], [sflag:s2] =	dma.local @!p0 [hbm:s0], s1  }
0x74: {  	s0 =	simm.s32 @!p0 $0x2  }
0x75: {  	_ =	swait.ge @!p0 [sflag:s0], s1  }
0x76: {  	s1 =	ssub.s32 @!p0 $0x0, s1;
	[sflag:s0] =	ssyncset.done @!p0 $0x0  }
0x77: {  	[sflag:s0] =	ssyncadd.s32 @!p0 s1  }
0x78: {  	[bflag:$0x3] =	sbarrier.arrive $0xFFFF  }
0x79: {  	_ =	shalt  }

</sc_bundles>
